<compile_context>
chip_gen: v7x
topology: tpu7x:2x2x1
jax: 0.10.2.dev20260603
libtpu: 0.0.44.dev20260713+nightly
codegen_flags: <defaults>
</compile_context>

<pallas_src>
import functools

import jax
import jax.numpy as jnp
from jax import lax
from jax.experimental import pallas as pl
from jax.experimental.pallas import tpu as pltpu
from jax.experimental.pallas import tpu_sc as plsc

B, D, V = 128, 1024, 100000
TV = 2048
NG = (V + TV - 1) // TV
GCH = 256
NGC = TV // GCH

_ROT0 = (13, 15, 26, 6)
_ROT1 = (17, 29, 16, 24)
_TINY = float(jnp.finfo(jnp.float32).tiny)


def _gumbel_chunk(p):
    ks0 = jnp.uint32(0)
    ks1 = jnp.uint32(42)
    ks2 = jnp.uint32(0x1BD11BDA) ^ ks1

    def rnd(x0, x1, r):
        x0 = x0 + x1
        x1 = (x1 << r) | (x1 >> (32 - r))
        x1 = x0 ^ x1
        return x0, x1

    x0 = jnp.zeros(p.shape, jnp.uint32) + ks0
    x1 = p + ks1
    for r in _ROT0:
        x0, x1 = rnd(x0, x1, r)
    x0 = x0 + ks1
    x1 = x1 + ks2 + jnp.uint32(1)
    for r in _ROT1:
        x0, x1 = rnd(x0, x1, r)
    x0 = x0 + ks2
    x1 = x1 + ks0 + jnp.uint32(2)
    for r in _ROT0:
        x0, x1 = rnd(x0, x1, r)
    x0 = x0 + ks0
    x1 = x1 + ks1 + jnp.uint32(3)
    for r in _ROT1:
        x0, x1 = rnd(x0, x1, r)
    x0 = x0 + ks1
    x1 = x1 + ks2 + jnp.uint32(4)
    for r in _ROT0:
        x0, x1 = rnd(x0, x1, r)
    x0 = x0 + ks2
    x1 = x1 + ks0 + jnp.uint32(5)
    bits = x0 ^ x1

    fb = (bits >> 9) | jnp.uint32(0x3F800000)
    f = lax.bitcast_convert_type(fb, jnp.float32) - jnp.float32(1.0)
    tiny = jnp.float32(_TINY)
    u = jnp.maximum(tiny, f * (jnp.float32(1.0) - tiny) + tiny)
    return -jnp.log(-jnp.log(u))


def _tc_body(x_ref, w_ref, b_ref, raw_ref, val_ref, lse_ref,
             m_ref, s_ref, bb_ref, bi_ref):
    k = pl.program_id(0)

    raw_t = jnp.dot(x_ref[...], w_ref[...],
                    preferred_element_type=jnp.float32) + b_ref[...]
    raw_ref[...] = raw_t

    @pl.when(k == 0)
    def _():
        neg = jnp.float32(-jnp.inf)
        m_ref[...] = jnp.full((B, 1), neg, jnp.float32)
        s_ref[...] = jnp.zeros((B, 1), jnp.float32)
        bb_ref[...] = jnp.full((B, 1), neg, jnp.float32)
        bi_ref[...] = jnp.zeros((B, 1), jnp.int32)

    neg = jnp.float32(-jnp.inf)
    rowu = lax.broadcasted_iota(jnp.uint32, (B, TV), 0)
    cols = k * TV + lax.broadcasted_iota(jnp.int32, (B, TV), 1)
    valid = cols < V
    p = (rowu * jnp.uint32(V) +
         lax.broadcasted_iota(jnp.uint32, (B, TV), 1) +
         (k * TV).astype(jnp.uint32))
    rm = jnp.where(valid, raw_t, neg)
    z = jnp.where(valid, raw_t + _gumbel_chunk(p), neg)

    tmax = jnp.max(rm, axis=1, keepdims=True)
    zmax = jnp.max(z, axis=1, keepdims=True)
    zidx = jnp.min(jnp.where(z == zmax, cols, V), axis=1, keepdims=True)

    m_old = m_ref[...]
    m_new = jnp.maximum(m_old, tmax)
    e = jnp.where(valid, jnp.exp(raw_t - m_new), 0.0)
    s_ref[...] = s_ref[...] * jnp.exp(m_old - m_new) + jnp.sum(
        e, axis=1, keepdims=True)
    m_ref[...] = m_new

    bb_old = bb_ref[...]
    upd = zmax > bb_old
    bi_run = jnp.where(upd, zidx, bi_ref[...])
    bb_ref[...] = jnp.where(upd, zmax, bb_old)
    bi_ref[...] = bi_run
    m_run = m_new
    s_run = s_ref[...]

    @pl.when(k == NG - 1)
    def _():
        val_ref[...] = bi_run
        lse_ref[...] = m_run + jnp.log(s_run)


def _tc_call(x, W, b2):
    return pl.pallas_call(
        _tc_body,
        grid=(NG,),
        in_specs=[
            pl.BlockSpec((B, D), lambda k: (0, 0)),
            pl.BlockSpec((D, TV), lambda k: (0, k)),
            pl.BlockSpec((1, TV), lambda k: (0, k)),
        ],
        out_specs=[
            pl.BlockSpec((B, TV), lambda k: (0, k)),
            pl.BlockSpec((B, 1), lambda k: (0, 0)),
            pl.BlockSpec((B, 1), lambda k: (0, 0)),
        ],
        out_shape=[
            jax.ShapeDtypeStruct((B, V), jnp.float32),
            jax.ShapeDtypeStruct((B, 1), jnp.int32),
            jax.ShapeDtypeStruct((B, 1), jnp.float32),
        ],
        scratch_shapes=[
            pltpu.VMEM((B, 1), jnp.float32),
            pltpu.VMEM((B, 1), jnp.float32),
            pltpu.VMEM((B, 1), jnp.float32),
            pltpu.VMEM((B, 1), jnp.int32),
        ],
        compiler_params=pltpu.CompilerParams(
            dimension_semantics=("arbitrary",)),
    )(x, W, b2)


NC, NS = 2, 16
NW = NC * NS
NT = 8
LPT = B // NT
NE = B * LPT


def _sc_gather_body(fidx_hbm, rawflat_hbm, lserep_hbm, out_hbm,
                    idx_v, gath_v, lse_v, out_v, sem):
    wid = lax.axis_index("s") * NC + lax.axis_index("c")

    @pl.when(wid < NT)
    def _():
        pltpu.sync_copy(fidx_hbm.at[wid], idx_v)
        pltpu.sync_copy(lserep_hbm, lse_v)
        copies = [
            pltpu.async_copy(rawflat_hbm.at[idx_v.at[r]], gath_v.at[r], sem)
            for r in range(16)
        ]
        for cp in copies:
            cp.wait()

        acc_t = jnp.zeros((16,), jnp.float32)
        acc_p = jnp.zeros((16,), jnp.float32)
        for r in range(16):
            for cc in range(8):
                c = gath_v[r, pl.ds(cc * 16, 16)]
                l = lse_v[pl.ds((r * 8 + cc) * 16, 16)]
                t = c - l
                acc_t = acc_t + t
                acc_p = acc_p + jnp.exp(t)
        inv_b = jnp.float32(1.0 / B)
        out_v[pl.ds(0, 16)] = acc_p * inv_b
        out_v[pl.ds(16, 16)] = acc_t * inv_b
        pltpu.sync_copy(out_v, out_hbm.at[wid])


@functools.cache
def _sc_gather_call():
    mesh = plsc.VectorSubcoreMesh(core_axis_name="c", subcore_axis_name="s")
    return pl.kernel(
        _sc_gather_body,
        out_type=jax.ShapeDtypeStruct((NT, 2 * LPT), jnp.float32),
        mesh=mesh,
        scratch_types=[
            pltpu.VMEM((16, B), jnp.int32),
            pltpu.VMEM((16, B), jnp.float32),
            pltpu.VMEM((NE,), jnp.float32),
            pltpu.VMEM((2 * LPT,), jnp.float32),
            pltpu.SemaphoreType.DMA,
        ],
    )


def kernel(x, W, b):
    raw, val2, lse2 = _tc_call(x, W, b.reshape(1, V))
    value = val2[:, 0]
    ii = jnp.arange(B, dtype=jnp.int32) * V
    fidx = (ii[None, :, None] +
            value.reshape(NT, 1, LPT)).reshape(NT, 16, B)
    lse = lse2[:, 0]
    lse_rep = jnp.repeat(lse, LPT)
    out = _sc_gather_call()(fidx, raw.reshape(B * V), lse_rep)
    sampled = out[:, 0:LPT].reshape(B)
    log_sampled = out[:, LPT:2 * LPT].reshape(B)
    return raw, value, sampled, log_sampled

# --- scband reference (transcript-rebuilt; emitter-appended) ---
"""Pipeline reference for scband-discrete-policy-76364518523334 (READ-ONLY COPY).

The authoritative reference and input builder live on the scoring server;
editing this copy changes nothing except your own understanding.
"""

import jax, jax.numpy as jnp
import numpy as np

B, D, V = 128, 1024, 100000

def setup_inputs(seed: int = 0) -> dict:
    key = jax.random.key(seed)
    kx, kw = jax.random.split(key, 2)
    x = jax.random.normal(kx, (B, D), dtype=jnp.float32)
    W = jax.random.normal(kw, (D, V), dtype=jnp.float32) * 0.02
    b = jnp.zeros((V,), dtype=jnp.float32)
    return {"x": x, "W": W, "b": b}

def reference(x, W, b):
    # policy is modeled as a linear head producing raw logits over the action vocab
    raw = x @ W + b                                  # [B, V]  (action.raw)
    pre_sample = jax.nn.softmax(raw, axis=-1)        # F.softmax(action.raw)
    # multinomial with 1 sample per row -> [:, 0]; .data detaches (non-differentiable)
    value = jax.random.categorical(jax.random.key(42), raw, axis=-1)   # int32 [B]
    # pre_sample[:, value] -> [B, B] fancy-index gather, then mean over dim 0
    sampled = jnp.take(pre_sample, value, axis=1).mean(axis=0)          # [B]
    log_sampled = jnp.take(jax.nn.log_softmax(raw, axis=-1), value, axis=1).mean(axis=0)  # [B]
    return raw, value, sampled, log_sampled

if __name__ == "__main__":
    import jax
    _d = setup_inputs()
    print(jax.jit(kernel)(*tuple(_d.values())))

</pallas_src>

<mosaic_0001>
#map = affine_map<(d0, d1) -> (0, 0, 0)>
#map1 = affine_map<(d0, d1) -> (0)>
#map2 = affine_map<(d0, d1) -> (0, 0)>
module attributes {stable_mosaic.version = 14 : i64} {
  func.func @_sc_gather_body(%arg0: i32, %arg1: i32, %arg2: memref<8x16x128xi32, #tpu.memory_space<hbm>>, %arg3: memref<12800000xf32, #tpu.memory_space<hbm>>, %arg4: memref<2048xf32, #tpu.memory_space<hbm>>, %arg5: memref<8x32xf32, #tpu.memory_space<hbm>>, %arg6: memref<16x128xi32, #tpu.memory_space<vmem>>, %arg7: memref<16x128xf32, #tpu.memory_space<vmem>>, %arg8: memref<2048xf32, #tpu.memory_space<vmem>>, %arg9: memref<32xf32, #tpu.memory_space<vmem>>, %arg10: memref<!tpu.dma_semaphore, #tpu.memory_space<semaphore_mem>>) attributes {dimension_semantics = [#tpu.dimension_semantics<core_parallel>, #tpu.dimension_semantics<subcore_parallel>], iteration_bounds = array<i64: 2, 16>, scalar_prefetch = 0 : i64, scratch_operands = 5 : i64, tpu.core_type = #tpu.core_type<sc_vector_subcore>, window_params = [{transform_indices = #map}, {transform_indices = #map1}, {transform_indices = #map1}, {transform_indices = #map2}]} {
    %mul3A = arith.constant 2 : i32
    %mul3A_0 = arith.muli %arg1, %mul3A : i32
    %add3A = arith.addi %mul3A_0, %arg0 : i32
    %lt3A = arith.constant 8 : i32
    %lt3A_1 = arith.cmpi slt, %add3A, %lt3A : i32
    %convert_element_type3A = arith.extui %lt3A_1 : i1 to i32
    %cond3A = arith.constant 0 : i32
    %cond3A_2 = arith.cmpi ne, %convert_element_type3A, %cond3A : i32
    scf.if %cond3A_2 {
      "tpu.region"() ({
        %run_scoped3A = tpu.sem_alloc : memref<!tpu.dma_semaphore, #tpu.memory_space<semaphore_mem>>
        %dma_start3A_1870 = arith.constant 0 : i32
        %dma_start3A_1871 = arith.constant 0 : i32
        %dma_start3A_1872 = tpu.memref_slice %arg2[%add3A, %dma_start3A_1870, %dma_start3A_1871] : memref<8x16x128xi32, #tpu.memory_space<hbm>> -> memref<1x16x128xi32, #tpu.memory_space<hbm>>
        %dma_start3A_1873 = tpu.memref_squeeze %dma_start3A_1872 : memref<1x16x128xi32, #tpu.memory_space<hbm>> -> memref<16x128xi32, #tpu.memory_space<hbm>>
        %dma_start3A_1874 = arith.constant 0 : i32
        %dma_start3A_1875 = arith.constant 0 : i32
        %dma_start3A_1876 = tpu.memref_slice %arg2[%add3A, %dma_start3A_1874, %dma_start3A_1875] : memref<8x16x128xi32, #tpu.memory_space<hbm>> -> memref<1x16x128xi32, #tpu.memory_space<hbm>>
        %dma_start3A_1877 = tpu.memref_squeeze %dma_start3A_1876 : memref<1x16x128xi32, #tpu.memory_space<hbm>> -> memref<16x128xi32, #tpu.memory_space<hbm>>
        tpu.enqueue_dma source(%dma_start3A_1877 : memref<16x128xi32, #tpu.memory_space<hbm>>) target(%arg6 : memref<16x128xi32, #tpu.memory_space<vmem>>) target_semaphore(%run_scoped3A : memref<!tpu.dma_semaphore, #tpu.memory_space<semaphore_mem>>)
        %dma_wait3A_1878 = arith.constant 0 : i32
        %dma_wait3A_1879 = arith.constant 0 : i32
        %dma_wait3A_1880 = tpu.memref_slice %arg2[%add3A, %dma_wait3A_1878, %dma_wait3A_1879] : memref<8x16x128xi32, #tpu.memory_space<hbm>> -> memref<1x16x128xi32, #tpu.memory_space<hbm>>
        %dma_wait3A_1881 = tpu.memref_squeeze %dma_wait3A_1880 : memref<1x16x128xi32, #tpu.memory_space<hbm>> -> memref<16x128xi32, #tpu.memory_space<hbm>>
        %dma_wait3A_1882 = arith.constant 0 : i32
        %dma_wait3A_1883 = arith.constant 0 : i32
        %dma_wait3A_1884 = tpu.memref_slice %arg2[%add3A, %dma_wait3A_1882, %dma_wait3A_1883] : memref<8x16x128xi32, #tpu.memory_space<hbm>> -> memref<1x16x128xi32, #tpu.memory_space<hbm>>
        %dma_wait3A_1885 = tpu.memref_squeeze %dma_wait3A_1884 : memref<1x16x128xi32, #tpu.memory_space<hbm>> -> memref<16x128xi32, #tpu.memory_space<hbm>>
        tpu.wait_dma2 semaphore(%run_scoped3A : memref<!tpu.dma_semaphore, #tpu.memory_space<semaphore_mem>>) src(%dma_wait3A_1885 : memref<16x128xi32, #tpu.memory_space<hbm>>) dst(%arg6 : memref<16x128xi32, #tpu.memory_space<vmem>>)
        tpu.yield
      }) : () -> ()
      "tpu.region"() ({
        %run_scoped3A = tpu.sem_alloc : memref<!tpu.dma_semaphore, #tpu.memory_space<semaphore_mem>>
        tpu.enqueue_dma source(%arg4 : memref<2048xf32, #tpu.memory_space<hbm>>) target(%arg8 : memref<2048xf32, #tpu.memory_space<vmem>>) target_semaphore(%run_scoped3A : memref<!tpu.dma_semaphore, #tpu.memory_space<semaphore_mem>>)
        tpu.wait_dma2 semaphore(%run_scoped3A : memref<!tpu.dma_semaphore, #tpu.memory_space<semaphore_mem>>) src(%arg4 : memref<2048xf32, #tpu.memory_space<hbm>>) dst(%arg8 : memref<2048xf32, #tpu.memory_space<vmem>>)
        tpu.yield
      }) : () -> ()
      %dma_start3A = arith.constant 0 : i32
      %dma_start3A_3 = arith.constant 0 : i32
      %dma_start3A_4 = arith.constant 0 : i32
      %dma_start3A_5 = tpu.memref_slice %arg7[%dma_start3A_3, %dma_start3A_4] : memref<16x128xf32, #tpu.memory_space<vmem>> -> memref<1x128xf32, #tpu.memory_space<vmem>>
      %dma_start3A_6 = tpu.memref_squeeze %dma_start3A_5 : memref<1x128xf32, #tpu.memory_space<vmem>> -> memref<128xf32, #tpu.memory_space<vmem>>
      %dma_start3A_7 = arith.constant 0 : i32
      %dma_start3A_8 = tpu.memref_slice %arg6[%dma_start3A, %dma_start3A_7] : memref<16x128xi32, #tpu.memory_space<vmem>> -> memref<1x128xi32, #tpu.memory_space<vmem>>
      %dma_start3A_9 = tpu.memref_squeeze %dma_start3A_8 : memref<1x128xi32, #tpu.memory_space<vmem>> -> memref<128xi32, #tpu.memory_space<vmem>>
      %dma_start3A_10 = arith.constant 0 : i32
      %dma_start3A_11 = tpu.memref_slice %arg3[%dma_start3A_10] : memref<12800000xf32, #tpu.memory_space<hbm>> -> memref<12800000xf32, #tpu.memory_space<hbm>>
      tpu.enqueue_indirect_dma source(%dma_start3A_11 : memref<12800000xf32, #tpu.memory_space<hbm>>) target(%dma_start3A_6 : memref<128xf32, #tpu.memory_space<vmem>>) offsets(%dma_start3A_9 : memref<128xi32, #tpu.memory_space<vmem>>) semaphore(%arg10 : memref<!tpu.dma_semaphore, #tpu.memory_space<semaphore_mem>>)
      %dma_start3A_12 = arith.constant 1 : i32
      %dma_start3A_13 = arith.constant 1 : i32
      %dma_start3A_14 = arith.constant 0 : i32
      %dma_start3A_15 = tpu.memref_slice %arg7[%dma_start3A_13, %dma_start3A_14] : memref<16x128xf32, #tpu.memory_space<vmem>> -> memref<1x128xf32, #tpu.memory_space<vmem>>
      %dma_start3A_16 = tpu.memref_squeeze %dma_start3A_15 : memref<1x128xf32, #tpu.memory_space<vmem>> -> memref<128xf32, #tpu.memory_space<vmem>>
      %dma_start3A_17 = arith.constant 0 : i32
      %dma_start3A_18 = tpu.memref_slice %arg6[%dma_start3A_12, %dma_start3A_17] : memref<16x128xi32, #tpu.memory_space<vmem>> -> memref<1x128xi32, #tpu.memory_space<vmem>>
      %dma_start3A_19 = tpu.memref_squeeze %dma_start3A_18 : memref<1x128xi32, #tpu.memory_space<vmem>> -> memref<128xi32, #tpu.memory_space<vmem>>
      %dma_start3A_20 = arith.constant 0 : i32
      %dma_start3A_21 = tpu.memref_slice %arg3[%dma_start3A_20] : memref<12800000xf32, #tpu.memory_space<hbm>> -> memref<12800000xf32, #tpu.memory_space<hbm>>
      tpu.enqueue_indirect_dma source(%dma_start3A_21 : memref<12800000xf32, #tpu.memory_space<hbm>>) target(%dma_start3A_16 : memref<128xf32, #tpu.memory_space<vmem>>) offsets(%dma_start3A_19 : memref<128xi32, #tpu.memory_space<vmem>>) semaphore(%arg10 : memref<!tpu.dma_semaphore, #tpu.memory_space<semaphore_mem>>)
      %dma_start3A_22 = arith.constant 2 : i32
      %dma_start3A_23 = arith.constant 2 : i32
      %dma_start3A_24 = arith.constant 0 : i32
      %dma_start3A_25 = tpu.memref_slice %arg7[%dma_start3A_23, %dma_start3A_24] : memref<16x128xf32, #tpu.memory_space<vmem>> -> memref<1x128xf32, #tpu.memory_space<vmem>>
      %dma_start3A_26 = tpu.memref_squeeze %dma_start3A_25 : memref<1x128xf32, #tpu.memory_space<vmem>> -> memref<128xf32, #tpu.memory_space<vmem>>
      %dma_start3A_27 = arith.constant 0 : i32
      %dma_start3A_28 = tpu.memref_slice %arg6[%dma_start3A_22, %dma_start3A_27] : memref<16x128xi32, #tpu.memory_space<vmem>> -> memref<1x128xi32, #tpu.memory_space<vmem>>
      %dma_start3A_29 = tpu.memref_squeeze %dma_start3A_28 : memref<1x128xi32, #tpu.memory_space<vmem>> -> memref<128xi32, #tpu.memory_space<vmem>>
      %dma_start3A_30 = arith.constant 0 : i32
      %dma_start3A_31 = tpu.memref_slice %arg3[%dma_start3A_30] : memref<12800000xf32, #tpu.memory_space<hbm>> -> memref<12800000xf32, #tpu.memory_space<hbm>>
      tpu.enqueue_indirect_dma source(%dma_start3A_31 : memref<12800000xf32, #tpu.memory_space<hbm>>) target(%dma_start3A_26 : memref<128xf32, #tpu.memory_space<vmem>>) offsets(%dma_start3A_29 : memref<128xi32, #tpu.memory_space<vmem>>) semaphore(%arg10 : memref<!tpu.dma_semaphore, #tpu.memory_space<semaphore_mem>>)
      %dma_start3A_32 = arith.constant 3 : i32
      %dma_start3A_33 = arith.constant 3 : i32
      %dma_start3A_34 = arith.constant 0 : i32
      %dma_start3A_35 = tpu.memref_slice %arg7[%dma_start3A_33, %dma_start3A_34] : memref<16x128xf32, #tpu.memory_space<vmem>> -> memref<1x128xf32, #tpu.memory_space<vmem>>
      %dma_start3A_36 = tpu.memref_squeeze %dma_start3A_35 : memref<1x128xf32, #tpu.memory_space<vmem>> -> memref<128xf32, #tpu.memory_space<vmem>>
      %dma_start3A_37 = arith.constant 0 : i32
      %dma_start3A_38 = tpu.memref_slice %arg6[%dma_start3A_32, %dma_start3A_37] : memref<16x128xi32, #tpu.memory_space<vmem>> -> memref<1x128xi32, #tpu.memory_space<vmem>>
      %dma_start3A_39 = tpu.memref_squeeze %dma_start3A_38 : memref<1x128xi32, #tpu.memory_space<vmem>> -> memref<128xi32, #tpu.memory_space<vmem>>
      %dma_start3A_40 = arith.constant 0 : i32
      %dma_start3A_41 = tpu.memref_slice %arg3[%dma_start3A_40] : memref<12800000xf32, #tpu.memory_space<hbm>> -> memref<12800000xf32, #tpu.memory_space<hbm>>
      tpu.enqueue_indirect_dma source(%dma_start3A_41 : memref<12800000xf32, #tpu.memory_space<hbm>>) target(%dma_start3A_36 : memref<128xf32, #tpu.memory_space<vmem>>) offsets(%dma_start3A_39 : memref<128xi32, #tpu.memory_space<vmem>>) semaphore(%arg10 : memref<!tpu.dma_semaphore, #tpu.memory_space<semaphore_mem>>)
      %dma_start3A_42 = arith.constant 4 : i32
      %dma_start3A_43 = arith.constant 4 : i32
      %dma_start3A_44 = arith.constant 0 : i32
      %dma_start3A_45 = tpu.memref_slice %arg7[%dma_start3A_43, %dma_start3A_44] : memref<16x128xf32, #tpu.memory_space<vmem>> -> memref<1x128xf32, #tpu.memory_space<vmem>>
      %dma_start3A_46 = tpu.memref_squeeze %dma_start3A_45 : memref<1x128xf32, #tpu.memory_space<vmem>> -> memref<128xf32, #tpu.memory_space<vmem>>
      %dma_start3A_47 = arith.constant 0 : i32
      %dma_start3A_48 = tpu.memref_slice %arg6[%dma_start3A_42, %dma_start3A_47] : memref<16x128xi32, #tpu.memory_space<vmem>> -> memref<1x128xi32, #tpu.memory_space<vmem>>
      %dma_start3A_49 = tpu.memref_squeeze %dma_start3A_48 : memref<1x128xi32, #tpu.memory_space<vmem>> -> memref<128xi32, #tpu.memory_space<vmem>>
      %dma_start3A_50 = arith.constant 0 : i32
      %dma_start3A_51 = tpu.memref_slice %arg3[%dma_start3A_50] : memref<12800000xf32, #tpu.memory_space<hbm>> -> memref<12800000xf32, #tpu.memory_space<hbm>>
      tpu.enqueue_indirect_dma source(%dma_start3A_51 : memref<12800000xf32, #tpu.memory_space<hbm>>) target(%dma_start3A_46 : memref<128xf32, #tpu.memory_space<vmem>>) offsets(%dma_start3A_49 : memref<128xi32, #tpu.memory_space<vmem>>) semaphore(%arg10 : memref<!tpu.dma_semaphore, #tpu.memory_space<semaphore_mem>>)
      %dma_start3A_52 = arith.constant 5 : i32
      %dma_start3A_53 = arith.constant 5 : i32
      %dma_start3A_54 = arith.constant 0 : i32
      %dma_start3A_55 = tpu.memref_slice %arg7[%dma_start3A_53, %dma_start3A_54] : memref<16x128xf32, #tpu.memory_space<vmem>> -> memref<1x128xf32, #tpu.memory_space<vmem>>
      %dma_start3A_56 = tpu.memref_squeeze %dma_start3A_55 : memref<1x128xf32, #tpu.memory_space<vmem>> -> memref<128xf32, #tpu.memory_space<vmem>>
      %dma_start3A_57 = arith.constant 0 : i32
      %dma_start3A_58 = tpu.memref_slice %arg6[%dma_start3A_52, %dma_start3A_57] : memref<16x128xi32, #tpu.memory_space<vmem>> -> memref<1x128xi32, #tpu.memory_space<vmem>>
      %dma_start3A_59 = tpu.memref_squeeze %dma_start3A_58 : memref<1x128xi32, #tpu.memory_space<vmem>> -> memref<128xi32, #tpu.memory_space<vmem>>
      %dma_start3A_60 = arith.constant 0 : i32
      %dma_start3A_61 = tpu.memref_slice %arg3[%dma_start3A_60] : memref<12800000xf32, #tpu.memory_space<hbm>> -> memref<12800000xf32, #tpu.memory_space<hbm>>
      tpu.enqueue_indirect_dma source(%dma_start3A_61 : memref<12800000xf32, #tpu.memory_space<hbm>>) target(%dma_start3A_56 : memref<128xf32, #tpu.memory_space<vmem>>) offsets(%dma_start3A_59 : memref<128xi32, #tpu.memory_space<vmem>>) semaphore(%arg10 : memref<!tpu.dma_semaphore, #tpu.memory_space<semaphore_mem>>)
      %dma_start3A_62 = arith.constant 6 : i32
      %dma_start3A_63 = arith.constant 6 : i32
      %dma_start3A_64 = arith.constant 0 : i32
      %dma_start3A_65 = tpu.memref_slice %arg7[%dma_start3A_63, %dma_start3A_64] : memref<16x128xf32, #tpu.memory_space<vmem>> -> memref<1x128xf32, #tpu.memory_space<vmem>>
      %dma_start3A_66 = tpu.memref_squeeze %dma_start3A_65 : memref<1x128xf32, #tpu.memory_space<vmem>> -> memref<128xf32, #tpu.memory_space<vmem>>
      %dma_start3A_67 = arith.constant 0 : i32
      %dma_start3A_68 = tpu.memref_slice %arg6[%dma_start3A_62, %dma_start3A_67] : memref<16x128xi32, #tpu.memory_space<vmem>> -> memref<1x128xi32, #tpu.memory_space<vmem>>
      %dma_start3A_69 = tpu.memref_squeeze %dma_start3A_68 : memref<1x128xi32, #tpu.memory_space<vmem>> -> memref<128xi32, #tpu.memory_space<vmem>>
      %dma_start3A_70 = arith.constant 0 : i32
      %dma_start3A_71 = tpu.memref_slice %arg3[%dma_start3A_70] : memref<12800000xf32, #tpu.memory_space<hbm>> -> memref<12800000xf32, #tpu.memory_space<hbm>>
      tpu.enqueue_indirect_dma source(%dma_start3A_71 : memref<12800000xf32, #tpu.memory_space<hbm>>) target(%dma_start3A_66 : memref<128xf32, #tpu.memory_space<vmem>>) offsets(%dma_start3A_69 : memref<128xi32, #tpu.memory_space<vmem>>) semaphore(%arg10 : memref<!tpu.dma_semaphore, #tpu.memory_space<semaphore_mem>>)
      %dma_start3A_72 = arith.constant 7 : i32
      %dma_start3A_73 = arith.constant 7 : i32
      %dma_start3A_74 = arith.constant 0 : i32
      %dma_start3A_75 = tpu.memref_slice %arg7[%dma_start3A_73, %dma_start3A_74] : memref<16x128xf32, #tpu.memory_space<vmem>> -> memref<1x128xf32, #tpu.memory_space<vmem>>
      %dma_start3A_76 = tpu.memref_squeeze %dma_start3A_75 : memref<1x128xf32, #tpu.memory_space<vmem>> -> memref<128xf32, #tpu.memory_space<vmem>>
      %dma_start3A_77 = arith.constant 0 : i32
      %dma_start3A_78 = tpu.memref_slice %arg6[%dma_start3A_72, %dma_start3A_77] : memref<16x128xi32, #tpu.memory_space<vmem>> -> memref<1x128xi32, #tpu.memory_space<vmem>>
      %dma_start3A_79 = tpu.memref_squeeze %dma_start3A_78 : memref<1x128xi32, #tpu.memory_space<vmem>> -> memref<128xi32, #tpu.memory_space<vmem>>
      %dma_start3A_80 = arith.constant 0 : i32
      %dma_start3A_81 = tpu.memref_slice %arg3[%dma_start3A_80] : memref<12800000xf32, #tpu.memory_space<hbm>> -> memref<12800000xf32, #tpu.memory_space<hbm>>
      tpu.enqueue_indirect_dma source(%dma_start3A_81 : memref<12800000xf32, #tpu.memory_space<hbm>>) target(%dma_start3A_76 : memref<128xf32, #tpu.memory_space<vmem>>) offsets(%dma_start3A_79 : memref<128xi32, #tpu.memory_space<vmem>>) semaphore(%arg10 : memref<!tpu.dma_semaphore, #tpu.memory_space<semaphore_mem>>)
      %dma_start3A_82 = arith.constant 8 : i32
      %dma_start3A_83 = arith.constant 8 : i32
      %dma_start3A_84 = arith.constant 0 : i32
      %dma_start3A_85 = tpu.memref_slice %arg7[%dma_start3A_83, %dma_start3A_84] : memref<16x128xf32, #tpu.memory_space<vmem>> -> memref<1x128xf32, #tpu.memory_space<vmem>>
      %dma_start3A_86 = tpu.memref_squeeze %dma_start3A_85 : memref<1x128xf32, #tpu.memory_space<vmem>> -> memref<128xf32, #tpu.memory_space<vmem>>
      %dma_start3A_87 = arith.constant 0 : i32
      %dma_start3A_88 = tpu.memref_slice %arg6[%dma_start3A_82, %dma_start3A_87] : memref<16x128xi32, #tpu.memory_space<vmem>> -> memref<1x128xi32, #tpu.memory_space<vmem>>
      %dma_start3A_89 = tpu.memref_squeeze %dma_start3A_88 : memref<1x128xi32, #tpu.memory_space<vmem>> -> memref<128xi32, #tpu.memory_space<vmem>>
      %dma_start3A_90 = arith.constant 0 : i32
      %dma_start3A_91 = tpu.memref_slice %arg3[%dma_start3A_90] : memref<12800000xf32, #tpu.memory_space<hbm>> -> memref<12800000xf32, #tpu.memory_space<hbm>>
      tpu.enqueue_indirect_dma source(%dma_start3A_91 : memref<12800000xf32, #tpu.memory_space<hbm>>) target(%dma_start3A_86 : memref<128xf32, #tpu.memory_space<vmem>>) offsets(%dma_start3A_89 : memref<128xi32, #tpu.memory_space<vmem>>) semaphore(%arg10 : memref<!tpu.dma_semaphore, #tpu.memory_space<semaphore_mem>>)
      %dma_start3A_92 = arith.constant 9 : i32
      %dma_start3A_93 = arith.constant 9 : i32
      %dma_start3A_94 = arith.constant 0 : i32
      %dma_start3A_95 = tpu.memref_slice %arg7[%dma_start3A_93, %dma_start3A_94] : memref<16x128xf32, #tpu.memory_space<vmem>> -> memref<1x128xf32, #tpu.memory_space<vmem>>
      %dma_start3A_96 = tpu.memref_squeeze %dma_start3A_95 : memref<1x128xf32, #tpu.memory_space<vmem>> -> memref<128xf32, #tpu.memory_space<vmem>>
      %dma_start3A_97 = arith.constant 0 : i32
      %dma_start3A_98 = tpu.memref_slice %arg6[%dma_start3A_92, %dma_start3A_97] : memref<16x128xi32, #tpu.memory_space<vmem>> -> memref<1x128xi32, #tpu.memory_space<vmem>>
      %dma_start3A_99 = tpu.memref_squeeze %dma_start3A_98 : memref<1x128xi32, #tpu.memory_space<vmem>> -> memref<128xi32, #tpu.memory_space<vmem>>
      %dma_start3A_100 = arith.constant 0 : i32
      %dma_start3A_101 = tpu.memref_slice %arg3[%dma_start3A_100] : memref<12800000xf32, #tpu.memory_space<hbm>> -> memref<12800000xf32, #tpu.memory_space<hbm>>
      tpu.enqueue_indirect_dma source(%dma_start3A_101 : memref<12800000xf32, #tpu.memory_space<hbm>>) target(%dma_start3A_96 : memref<128xf32, #tpu.memory_space<vmem>>) offsets(%dma_start3A_99 : memref<128xi32, #tpu.memory_space<vmem>>) semaphore(%arg10 : memref<!tpu.dma_semaphore, #tpu.memory_space<semaphore_mem>>)
      %dma_start3A_102 = arith.constant 10 : i32
      %dma_start3A_103 = arith.constant 10 : i32
      %dma_start3A_104 = arith.constant 0 : i32
      %dma_start3A_105 = tpu.memref_slice %arg7[%dma_start3A_103, %dma_start3A_104] : memref<16x128xf32, #tpu.memory_space<vmem>> -> memref<1x128xf32, #tpu.memory_space<vmem>>
      %dma_start3A_106 = tpu.memref_squeeze %dma_start3A_105 : memref<1x128xf32, #tpu.memory_space<vmem>> -> memref<128xf32, #tpu.memory_space<vmem>>
      %dma_start3A_107 = arith.constant 0 : i32
      %dma_start3A_108 = tpu.memref_slice %arg6[%dma_start3A_102, %dma_start3A_107] : memref<16x128xi32, #tpu.memory_space<vmem>> -> memref<1x128xi32, #tpu.memory_space<vmem>>
      %dma_start3A_109 = tpu.memref_squeeze %dma_start3A_108 : memref<1x128xi32, #tpu.memory_space<vmem>> -> memref<128xi32, #tpu.memory_space<vmem>>
      %dma_start3A_110 = arith.constant 0 : i32
      %dma_start3A_111 = tpu.memref_slice %arg3[%dma_start3A_110] : memref<12800000xf32, #tpu.memory_space<hbm>> -> memref<12800000xf32, #tpu.memory_space<hbm>>
      tpu.enqueue_indirect_dma source(%dma_start3A_111 : memref<12800000xf32, #tpu.memory_space<hbm>>) target(%dma_start3A_106 : memref<128xf32, #tpu.memory_space<vmem>>) offsets(%dma_start3A_109 : memref<128xi32, #tpu.memory_space<vmem>>) semaphore(%arg10 : memref<!tpu.dma_semaphore, #tpu.memory_space<semaphore_mem>>)
      %dma_start3A_112 = arith.constant 11 : i32
      %dma_start3A_113 = arith.constant 11 : i32
      %dma_start3A_114 = arith.constant 0 : i32
      %dma_start3A_115 = tpu.memref_slice %arg7[%dma_start3A_113, %dma_start3A_114] : memref<16x128xf32, #tpu.memory_space<vmem>> -> memref<1x128xf32, #tpu.memory_space<vmem>>
      %dma_start3A_116 = tpu.memref_squeeze %dma_start3A_115 : memref<1x128xf32, #tpu.memory_space<vmem>> -> memref<128xf32, #tpu.memory_space<vmem>>
      %dma_start3A_117 = arith.constant 0 : i32
      %dma_start3A_118 = tpu.memref_slice %arg6[%dma_start3A_112, %dma_start3A_117] : memref<16x128xi32, #tpu.memory_space<vmem>> -> memref<1x128xi32, #tpu.memory_space<vmem>>
      %dma_start3A_119 = tpu.memref_squeeze %dma_start3A_118 : memref<1x128xi32, #tpu.memory_space<vmem>> -> memref<128xi32, #tpu.memory_space<vmem>>
      %dma_start3A_120 = arith.constant 0 : i32
      %dma_start3A_121 = tpu.memref_slice %arg3[%dma_start3A_120] : memref<12800000xf32, #tpu.memory_space<hbm>> -> memref<12800000xf32, #tpu.memory_space<hbm>>
      tpu.enqueue_indirect_dma source(%dma_start3A_121 : memref<12800000xf32, #tpu.memory_space<hbm>>) target(%dma_start3A_116 : memref<128xf32, #tpu.memory_space<vmem>>) offsets(%dma_start3A_119 : memref<128xi32, #tpu.memory_space<vmem>>) semaphore(%arg10 : memref<!tpu.dma_semaphore, #tpu.memory_space<semaphore_mem>>)
      %dma_start3A_122 = arith.constant 12 : i32
      %dma_start3A_123 = arith.constant 12 : i32
      %dma_start3A_124 = arith.constant 0 : i32
      %dma_start3A_125 = tpu.memref_slice %arg7[%dma_start3A_123, %dma_start3A_124] : memref<16x128xf32, #tpu.memory_space<vmem>> -> memref<1x128xf32, #tpu.memory_space<vmem>>
      %dma_start3A_126 = tpu.memref_squeeze %dma_start3A_125 : memref<1x128xf32, #tpu.memory_space<vmem>> -> memref<128xf32, #tpu.memory_space<vmem>>
      %dma_start3A_127 = arith.constant 0 : i32
      %dma_start3A_128 = tpu.memref_slice %arg6[%dma_start3A_122, %dma_start3A_127] : memref<16x128xi32, #tpu.memory_space<vmem>> -> memref<1x128xi32, #tpu.memory_space<vmem>>
      %dma_start3A_129 = tpu.memref_squeeze %dma_start3A_128 : memref<1x128xi32, #tpu.memory_space<vmem>> -> memref<128xi32, #tpu.memory_space<vmem>>
      %dma_start3A_130 = arith.constant 0 : i32
      %dma_start3A_131 = tpu.memref_slice %arg3[%dma_start3A_130] : memref<12800000xf32, #tpu.memory_space<hbm>> -> memref<12800000xf32, #tpu.memory_space<hbm>>
      tpu.enqueue_indirect_dma source(%dma_start3A_131 : memref<12800000xf32, #tpu.memory_space<hbm>>) target(%dma_start3A_126 : memref<128xf32, #tpu.memory_space<vmem>>) offsets(%dma_start3A_129 : memref<128xi32, #tpu.memory_space<vmem>>) semaphore(%arg10 : memref<!tpu.dma_semaphore, #tpu.memory_space<semaphore_mem>>)
      %dma_start3A_132 = arith.constant 13 : i32
      %dma_start3A_133 = arith.constant 13 : i32
      %dma_start3A_134 = arith.constant 0 : i32
      %dma_start3A_135 = tpu.memref_slice %arg7[%dma_start3A_133, %dma_start3A_134] : memref<16x128xf32, #tpu.memory_space<vmem>> -> memref<1x128xf32, #tpu.memory_space<vmem>>
      %dma_start3A_136 = tpu.memref_squeeze %dma_start3A_135 : memref<1x128xf32, #tpu.memory_space<vmem>> -> memref<128xf32, #tpu.memory_space<vmem>>
      %dma_start3A_137 = arith.constant 0 : i32
      %dma_start3A_138 = tpu.memref_slice %arg6[%dma_start3A_132, %dma_start3A_137] : memref<16x128xi32, #tpu.memory_space<vmem>> -> memref<1x128xi32, #tpu.memory_space<vmem>>
      %dma_start3A_139 = tpu.memref_squeeze %dma_start3A_138 : memref<1x128xi32, #tpu.memory_space<vmem>> -> memref<128xi32, #tpu.memory_space<vmem>>
      %dma_start3A_140 = arith.constant 0 : i32
      %dma_start3A_141 = tpu.memref_slice %arg3[%dma_start3A_140] : memref<12800000xf32, #tpu.memory_space<hbm>> -> memref<12800000xf32, #tpu.memory_space<hbm>>
      tpu.enqueue_indirect_dma source(%dma_start3A_141 : memref<12800000xf32, #tpu.memory_space<hbm>>) target(%dma_start3A_136 : memref<128xf32, #tpu.memory_space<vmem>>) offsets(%dma_start3A_139 : memref<128xi32, #tpu.memory_space<vmem>>) semaphore(%arg10 : memref<!tpu.dma_semaphore, #tpu.memory_space<semaphore_mem>>)
      %dma_start3A_142 = arith.constant 14 : i32
      %dma_start3A_143 = arith.constant 14 : i32
      %dma_start3A_144 = arith.constant 0 : i32
      %dma_start3A_145 = tpu.memref_slice %arg7[%dma_start3A_143, %dma_start3A_144] : memref<16x128xf32, #tpu.memory_space<vmem>> -> memref<1x128xf32, #tpu.memory_space<vmem>>
      %dma_start3A_146 = tpu.memref_squeeze %dma_start3A_145 : memref<1x128xf32, #tpu.memory_space<vmem>> -> memref<128xf32, #tpu.memory_space<vmem>>
      %dma_start3A_147 = arith.constant 0 : i32
      %dma_start3A_148 = tpu.memref_slice %arg6[%dma_start3A_142, %dma_start3A_147] : memref<16x128xi32, #tpu.memory_space<vmem>> -> memref<1x128xi32, #tpu.memory_space<vmem>>
      %dma_start3A_149 = tpu.memref_squeeze %dma_start3A_148 : memref<1x128xi32, #tpu.memory_space<vmem>> -> memref<128xi32, #tpu.memory_space<vmem>>
      %dma_start3A_150 = arith.constant 0 : i32
      %dma_start3A_151 = tpu.memref_slice %arg3[%dma_start3A_150] : memref<12800000xf32, #tpu.memory_space<hbm>> -> memref<12800000xf32, #tpu.memory_space<hbm>>
      tpu.enqueue_indirect_dma source(%dma_start3A_151 : memref<12800000xf32, #tpu.memory_space<hbm>>) target(%dma_start3A_146 : memref<128xf32, #tpu.memory_space<vmem>>) offsets(%dma_start3A_149 : memref<128xi32, #tpu.memory_space<vmem>>) semaphore(%arg10 : memref<!tpu.dma_semaphore, #tpu.memory_space<semaphore_mem>>)
      %dma_start3A_152 = arith.constant 15 : i32
      %dma_start3A_153 = arith.constant 15 : i32
      %dma_start3A_154 = arith.constant 0 : i32
      %dma_start3A_155 = tpu.memref_slice %arg7[%dma_start3A_153, %dma_start3A_154] : memref<16x128xf32, #tpu.memory_space<vmem>> -> memref<1x128xf32, #tpu.memory_space<vmem>>
      %dma_start3A_156 = tpu.memref_squeeze %dma_start3A_155 : memref<1x128xf32, #tpu.memory_space<vmem>> -> memref<128xf32, #tpu.memory_space<vmem>>
      %dma_start3A_157 = arith.constant 0 : i32
      %dma_start3A_158 = tpu.memref_slice %arg6[%dma_start3A_152, %dma_start3A_157] : memref<16x128xi32, #tpu.memory_space<vmem>> -> memref<1x128xi32, #tpu.memory_space<vmem>>
      %dma_start3A_159 = tpu.memref_squeeze %dma_start3A_158 : memref<1x128xi32, #tpu.memory_space<vmem>> -> memref<128xi32, #tpu.memory_space<vmem>>
      %dma_start3A_160 = arith.constant 0 : i32
      %dma_start3A_161 = tpu.memref_slice %arg3[%dma_start3A_160] : memref<12800000xf32, #tpu.memory_space<hbm>> -> memref<12800000xf32, #tpu.memory_space<hbm>>
      tpu.enqueue_indirect_dma source(%dma_start3A_161 : memref<12800000xf32, #tpu.memory_space<hbm>>) target(%dma_start3A_156 : memref<128xf32, #tpu.memory_space<vmem>>) offsets(%dma_start3A_159 : memref<128xi32, #tpu.memory_space<vmem>>) semaphore(%arg10 : memref<!tpu.dma_semaphore, #tpu.memory_space<semaphore_mem>>)
      %dma_wait3A = arith.constant 0 : i32
      %dma_wait3A_162 = arith.constant 0 : i32
      %dma_wait3A_163 = arith.constant 0 : i32
      %dma_wait3A_164 = tpu.memref_slice %arg7[%dma_wait3A_162, %dma_wait3A_163] : memref<16x128xf32, #tpu.memory_space<vmem>> -> memref<1x128xf32, #tpu.memory_space<vmem>>
      %dma_wait3A_165 = tpu.memref_squeeze %dma_wait3A_164 : memref<1x128xf32, #tpu.memory_space<vmem>> -> memref<128xf32, #tpu.memory_space<vmem>>
      %dma_wait3A_166 = arith.constant 0 : i32
      %dma_wait3A_167 = tpu.memref_slice %arg6[%dma_wait3A, %dma_wait3A_166] : memref<16x128xi32, #tpu.memory_space<vmem>> -> memref<1x128xi32, #tpu.memory_space<vmem>>
      %dma_wait3A_168 = tpu.memref_squeeze %dma_wait3A_167 : memref<1x128xi32, #tpu.memory_space<vmem>> -> memref<128xi32, #tpu.memory_space<vmem>>
      %dma_wait3A_169 = arith.constant 0 : i32
      %dma_wait3A_170 = tpu.memref_slice %arg3[%dma_wait3A_169] : memref<12800000xf32, #tpu.memory_space<hbm>> -> memref<12800000xf32, #tpu.memory_space<hbm>>
      tpu.wait_indirect_dma semaphore(%arg10 : memref<!tpu.dma_semaphore, #tpu.memory_space<semaphore_mem>>) src(%dma_wait3A_170 : memref<12800000xf32, #tpu.memory_space<hbm>>) dst(%dma_wait3A_165 : memref<128xf32, #tpu.memory_space<vmem>>)
      %dma_wait3A_171 = arith.constant 1 : i32
      %dma_wait3A_172 = arith.constant 1 : i32
      %dma_wait3A_173 = arith.constant 0 : i32
      %dma_wait3A_174 = tpu.memref_slice %arg7[%dma_wait3A_172, %dma_wait3A_173] : memref<16x128xf32, #tpu.memory_space<vmem>> -> memref<1x128xf32, #tpu.memory_space<vmem>>
      %dma_wait3A_175 = tpu.memref_squeeze %dma_wait3A_174 : memref<1x128xf32, #tpu.memory_space<vmem>> -> memref<128xf32, #tpu.memory_space<vmem>>
      %dma_wait3A_176 = arith.constant 0 : i32
      %dma_wait3A_177 = tpu.memref_slice %arg6[%dma_wait3A_171, %dma_wait3A_176] : memref<16x128xi32, #tpu.memory_space<vmem>> -> memref<1x128xi32, #tpu.memory_space<vmem>>
      %dma_wait3A_178 = tpu.memref_squeeze %dma_wait3A_177 : memref<1x128xi32, #tpu.memory_space<vmem>> -> memref<128xi32, #tpu.memory_space<vmem>>
      %dma_wait3A_179 = arith.constant 0 : i32
      %dma_wait3A_180 = tpu.memref_slice %arg3[%dma_wait3A_179] : memref<12800000xf32, #tpu.memory_space<hbm>> -> memref<12800000xf32, #tpu.memory_space<hbm>>
      tpu.wait_indirect_dma semaphore(%arg10 : memref<!tpu.dma_semaphore, #tpu.memory_space<semaphore_mem>>) src(%dma_wait3A_180 : memref<12800000xf32, #tpu.memory_space<hbm>>) dst(%dma_wait3A_175 : memref<128xf32, #tpu.memory_space<vmem>>)
      %dma_wait3A_181 = arith.constant 2 : i32
      %dma_wait3A_182 = arith.constant 2 : i32
      %dma_wait3A_183 = arith.constant 0 : i32
      %dma_wait3A_184 = tpu.memref_slice %arg7[%dma_wait3A_182, %dma_wait3A_183] : memref<16x128xf32, #tpu.memory_space<vmem>> -> memref<1x128xf32, #tpu.memory_space<vmem>>
      %dma_wait3A_185 = tpu.memref_squeeze %dma_wait3A_184 : memref<1x128xf32, #tpu.memory_space<vmem>> -> memref<128xf32, #tpu.memory_space<vmem>>
      %dma_wait3A_186 = arith.constant 0 : i32
      %dma_wait3A_187 = tpu.memref_slice %arg6[%dma_wait3A_181, %dma_wait3A_186] : memref<16x128xi32, #tpu.memory_space<vmem>> -> memref<1x128xi32, #tpu.memory_space<vmem>>
      %dma_wait3A_188 = tpu.memref_squeeze %dma_wait3A_187 : memref<1x128xi32, #tpu.memory_space<vmem>> -> memref<128xi32, #tpu.memory_space<vmem>>
      %dma_wait3A_189 = arith.constant 0 : i32
      %dma_wait3A_190 = tpu.memref_slice %arg3[%dma_wait3A_189] : memref<12800000xf32, #tpu.memory_space<hbm>> -> memref<12800000xf32, #tpu.memory_space<hbm>>
      tpu.wait_indirect_dma semaphore(%arg10 : memref<!tpu.dma_semaphore, #tpu.memory_space<semaphore_mem>>) src(%dma_wait3A_190 : memref<12800000xf32, #tpu.memory_space<hbm>>) dst(%dma_wait3A_185 : memref<128xf32, #tpu.memory_space<vmem>>)
      %dma_wait3A_191 = arith.constant 3 : i32
      %dma_wait3A_192 = arith.constant 3 : i32
      %dma_wait3A_193 = arith.constant 0 : i32
      %dma_wait3A_194 = tpu.memref_slice %arg7[%dma_wait3A_192, %dma_wait3A_193] : memref<16x128xf32, #tpu.memory_space<vmem>> -> memref<1x128xf32, #tpu.memory_space<vmem>>
      %dma_wait3A_195 = tpu.memref_squeeze %dma_wait3A_194 : memref<1x128xf32, #tpu.memory_space<vmem>> -> memref<128xf32, #tpu.memory_space<vmem>>
      %dma_wait3A_196 = arith.constant 0 : i32
      %dma_wait3A_197 = tpu.memref_slice %arg6[%dma_wait3A_191, %dma_wait3A_196] : memref<16x128xi32, #tpu.memory_space<vmem>> -> memref<1x128xi32, #tpu.memory_space<vmem>>
      %dma_wait3A_198 = tpu.memref_squeeze %dma_wait3A_197 : memref<1x128xi32, #tpu.memory_space<vmem>> -> memref<128xi32, #tpu.memory_space<vmem>>
      %dma_wait3A_199 = arith.constant 0 : i32
      %dma_wait3A_200 = tpu.memref_slice %arg3[%dma_wait3A_199] : memref<12800000xf32, #tpu.memory_space<hbm>> -> memref<12800000xf32, #tpu.memory_space<hbm>>
      tpu.wait_indirect_dma semaphore(%arg10 : memref<!tpu.dma_semaphore, #tpu.memory_space<semaphore_mem>>) src(%dma_wait3A_200 : memref<12800000xf32, #tpu.memory_space<hbm>>) dst(%dma_wait3A_195 : memref<128xf32, #tpu.memory_space<vmem>>)
      %dma_wait3A_201 = arith.constant 4 : i32
      %dma_wait3A_202 = arith.constant 4 : i32
      %dma_wait3A_203 = arith.constant 0 : i32
      %dma_wait3A_204 = tpu.memref_slice %arg7[%dma_wait3A_202, %dma_wait3A_203] : memref<16x128xf32, #tpu.memory_space<vmem>> -> memref<1x128xf32, #tpu.memory_space<vmem>>
      %dma_wait3A_205 = tpu.memref_squeeze %dma_wait3A_204 : memref<1x128xf32, #tpu.memory_space<vmem>> -> memref<128xf32, #tpu.memory_space<vmem>>
      %dma_wait3A_206 = arith.constant 0 : i32
      %dma_wait3A_207 = tpu.memref_slice %arg6[%dma_wait3A_201, %dma_wait3A_206] : memref<16x128xi32, #tpu.memory_space<vmem>> -> memref<1x128xi32, #tpu.memory_space<vmem>>
      %dma_wait3A_208 = tpu.memref_squeeze %dma_wait3A_207 : memref<1x128xi32, #tpu.memory_space<vmem>> -> memref<128xi32, #tpu.memory_space<vmem>>
      %dma_wait3A_209 = arith.constant 0 : i32
      %dma_wait3A_210 = tpu.memref_slice %arg3[%dma_wait3A_209] : memref<12800000xf32, #tpu.memory_space<hbm>> -> memref<12800000xf32, #tpu.memory_space<hbm>>
      tpu.wait_indirect_dma semaphore(%arg10 : memref<!tpu.dma_semaphore, #tpu.memory_space<semaphore_mem>>) src(%dma_wait3A_210 : memref<12800000xf32, #tpu.memory_space<hbm>>) dst(%dma_wait3A_205 : memref<128xf32, #tpu.memory_space<vmem>>)
      %dma_wait3A_211 = arith.constant 5 : i32
      %dma_wait3A_212 = arith.constant 5 : i32
      %dma_wait3A_213 = arith.constant 0 : i32
      %dma_wait3A_214 = tpu.memref_slice %arg7[%dma_wait3A_212, %dma_wait3A_213] : memref<16x128xf32, #tpu.memory_space<vmem>> -> memref<1x128xf32, #tpu.memory_space<vmem>>
      %dma_wait3A_215 = tpu.memref_squeeze %dma_wait3A_214 : memref<1x128xf32, #tpu.memory_space<vmem>> -> memref<128xf32, #tpu.memory_space<vmem>>
      %dma_wait3A_216 = arith.constant 0 : i32
      %dma_wait3A_217 = tpu.memref_slice %arg6[%dma_wait3A_211, %dma_wait3A_216] : memref<16x128xi32, #tpu.memory_space<vmem>> -> memref<1x128xi32, #tpu.memory_space<vmem>>
      %dma_wait3A_218 = tpu.memref_squeeze %dma_wait3A_217 : memref<1x128xi32, #tpu.memory_space<vmem>> -> memref<128xi32, #tpu.memory_space<vmem>>
      %dma_wait3A_219 = arith.constant 0 : i32
      %dma_wait3A_220 = tpu.memref_slice %arg3[%dma_wait3A_219] : memref<12800000xf32, #tpu.memory_space<hbm>> -> memref<12800000xf32, #tpu.memory_space<hbm>>
      tpu.wait_indirect_dma semaphore(%arg10 : memref<!tpu.dma_semaphore, #tpu.memory_space<semaphore_mem>>) src(%dma_wait3A_220 : memref<12800000xf32, #tpu.memory_space<hbm>>) dst(%dma_wait3A_215 : memref<128xf32, #tpu.memory_space<vmem>>)
      %dma_wait3A_221 = arith.constant 6 : i32
      %dma_wait3A_222 = arith.constant 6 : i32
      %dma_wait3A_223 = arith.constant 0 : i32
      %dma_wait3A_224 = tpu.memref_slice %arg7[%dma_wait3A_222, %dma_wait3A_223] : memref<16x128xf32, #tpu.memory_space<vmem>> -> memref<1x128xf32, #tpu.memory_space<vmem>>
      %dma_wait3A_225 = tpu.memref_squeeze %dma_wait3A_224 : memref<1x128xf32, #tpu.memory_space<vmem>> -> memref<128xf32, #tpu.memory_space<vmem>>
      %dma_wait3A_226 = arith.constant 0 : i32
      %dma_wait3A_227 = tpu.memref_slice %arg6[%dma_wait3A_221, %dma_wait3A_226] : memref<16x128xi32, #tpu.memory_space<vmem>> -> memref<1x128xi32, #tpu.memory_space<vmem>>
      %dma_wait3A_228 = tpu.memref_squeeze %dma_wait3A_227 : memref<1x128xi32, #tpu.memory_space<vmem>> -> memref<128xi32, #tpu.memory_space<vmem>>
      %dma_wait3A_229 = arith.constant 0 : i32
      %dma_wait3A_230 = tpu.memref_slice %arg3[%dma_wait3A_229] : memref<12800000xf32, #tpu.memory_space<hbm>> -> memref<12800000xf32, #tpu.memory_space<hbm>>
      tpu.wait_indirect_dma semaphore(%arg10 : memref<!tpu.dma_semaphore, #tpu.memory_space<semaphore_mem>>) src(%dma_wait3A_230 : memref<12800000xf32, #tpu.memory_space<hbm>>) dst(%dma_wait3A_225 : memref<128xf32, #tpu.memory_space<vmem>>)
      %dma_wait3A_231 = arith.constant 7 : i32
      %dma_wait3A_232 = arith.constant 7 : i32
      %dma_wait3A_233 = arith.constant 0 : i32
      %dma_wait3A_234 = tpu.memref_slice %arg7[%dma_wait3A_232, %dma_wait3A_233] : memref<16x128xf32, #tpu.memory_space<vmem>> -> memref<1x128xf32, #tpu.memory_space<vmem>>
      %dma_wait3A_235 = tpu.memref_squeeze %dma_wait3A_234 : memref<1x128xf32, #tpu.memory_space<vmem>> -> memref<128xf32, #tpu.memory_space<vmem>>
      %dma_wait3A_236 = arith.constant 0 : i32
      %dma_wait3A_237 = tpu.memref_slice %arg6[%dma_wait3A_231, %dma_wait3A_236] : memref<16x128xi32, #tpu.memory_space<vmem>> -> memref<1x128xi32, #tpu.memory_space<vmem>>
      %dma_wait3A_238 = tpu.memref_squeeze %dma_wait3A_237 : memref<1x128xi32, #tpu.memory_space<vmem>> -> memref<128xi32, #tpu.memory_space<vmem>>
      %dma_wait3A_239 = arith.constant 0 : i32
      %dma_wait3A_240 = tpu.memref_slice %arg3[%dma_wait3A_239] : memref<12800000xf32, #tpu.memory_space<hbm>> -> memref<12800000xf32, #tpu.memory_space<hbm>>
      tpu.wait_indirect_dma semaphore(%arg10 : memref<!tpu.dma_semaphore, #tpu.memory_space<semaphore_mem>>) src(%dma_wait3A_240 : memref<12800000xf32, #tpu.memory_space<hbm>>) dst(%dma_wait3A_235 : memref<128xf32, #tpu.memory_space<vmem>>)
      %dma_wait3A_241 = arith.constant 8 : i32
      %dma_wait3A_242 = arith.constant 8 : i32
      %dma_wait3A_243 = arith.constant 0 : i32
      %dma_wait3A_244 = tpu.memref_slice %arg7[%dma_wait3A_242, %dma_wait3A_243] : memref<16x128xf32, #tpu.memory_space<vmem>> -> memref<1x128xf32, #tpu.memory_space<vmem>>
      %dma_wait3A_245 = tpu.memref_squeeze %dma_wait3A_244 : memref<1x128xf32, #tpu.memory_space<vmem>> -> memref<128xf32, #tpu.memory_space<vmem>>
      %dma_wait3A_246 = arith.constant 0 : i32
      %dma_wait3A_247 = tpu.memref_slice %arg6[%dma_wait3A_241, %dma_wait3A_246] : memref<16x128xi32, #tpu.memory_space<vmem>> -> memref<1x128xi32, #tpu.memory_space<vmem>>
      %dma_wait3A_248 = tpu.memref_squeeze %dma_wait3A_247 : memref<1x128xi32, #tpu.memory_space<vmem>> -> memref<128xi32, #tpu.memory_space<vmem>>
      %dma_wait3A_249 = arith.constant 0 : i32
      %dma_wait3A_250 = tpu.memref_slice %arg3[%dma_wait3A_249] : memref<12800000xf32, #tpu.memory_space<hbm>> -> memref<12800000xf32, #tpu.memory_space<hbm>>
      tpu.wait_indirect_dma semaphore(%arg10 : memref<!tpu.dma_semaphore, #tpu.memory_space<semaphore_mem>>) src(%dma_wait3A_250 : memref<12800000xf32, #tpu.memory_space<hbm>>) dst(%dma_wait3A_245 : memref<128xf32, #tpu.memory_space<vmem>>)
      %dma_wait3A_251 = arith.constant 9 : i32
      %dma_wait3A_252 = arith.constant 9 : i32
      %dma_wait3A_253 = arith.constant 0 : i32
      %dma_wait3A_254 = tpu.memref_slice %arg7[%dma_wait3A_252, %dma_wait3A_253] : memref<16x128xf32, #tpu.memory_space<vmem>> -> memref<1x128xf32, #tpu.memory_space<vmem>>
      %dma_wait3A_255 = tpu.memref_squeeze %dma_wait3A_254 : memref<1x128xf32, #tpu.memory_space<vmem>> -> memref<128xf32, #tpu.memory_space<vmem>>
      %dma_wait3A_256 = arith.constant 0 : i32
      %dma_wait3A_257 = tpu.memref_slice %arg6[%dma_wait3A_251, %dma_wait3A_256] : memref<16x128xi32, #tpu.memory_space<vmem>> -> memref<1x128xi32, #tpu.memory_space<vmem>>
      %dma_wait3A_258 = tpu.memref_squeeze %dma_wait3A_257 : memref<1x128xi32, #tpu.memory_space<vmem>> -> memref<128xi32, #tpu.memory_space<vmem>>
      %dma_wait3A_259 = arith.constant 0 : i32
      %dma_wait3A_260 = tpu.memref_slice %arg3[%dma_wait3A_259] : memref<12800000xf32, #tpu.memory_space<hbm>> -> memref<12800000xf32, #tpu.memory_space<hbm>>
      tpu.wait_indirect_dma semaphore(%arg10 : memref<!tpu.dma_semaphore, #tpu.memory_space<semaphore_mem>>) src(%dma_wait3A_260 : memref<12800000xf32, #tpu.memory_space<hbm>>) dst(%dma_wait3A_255 : memref<128xf32, #tpu.memory_space<vmem>>)
      %dma_wait3A_261 = arith.constant 10 : i32
      %dma_wait3A_262 = arith.constant 10 : i32
      %dma_wait3A_263 = arith.constant 0 : i32
      %dma_wait3A_264 = tpu.memref_slice %arg7[%dma_wait3A_262, %dma_wait3A_263] : memref<16x128xf32, #tpu.memory_space<vmem>> -> memref<1x128xf32, #tpu.memory_space<vmem>>
      %dma_wait3A_265 = tpu.memref_squeeze %dma_wait3A_264 : memref<1x128xf32, #tpu.memory_space<vmem>> -> memref<128xf32, #tpu.memory_space<vmem>>
      %dma_wait3A_266 = arith.constant 0 : i32
      %dma_wait3A_267 = tpu.memref_slice %arg6[%dma_wait3A_261, %dma_wait3A_266] : memref<16x128xi32, #tpu.memory_space<vmem>> -> memref<1x128xi32, #tpu.memory_space<vmem>>
      %dma_wait3A_268 = tpu.memref_squeeze %dma_wait3A_267 : memref<1x128xi32, #tpu.memory_space<vmem>> -> memref<128xi32, #tpu.memory_space<vmem>>
      %dma_wait3A_269 = arith.constant 0 : i32
      %dma_wait3A_270 = tpu.memref_slice %arg3[%dma_wait3A_269] : memref<12800000xf32, #tpu.memory_space<hbm>> -> memref<12800000xf32, #tpu.memory_space<hbm>>
      tpu.wait_indirect_dma semaphore(%arg10 : memref<!tpu.dma_semaphore, #tpu.memory_space<semaphore_mem>>) src(%dma_wait3A_270 : memref<12800000xf32, #tpu.memory_space<hbm>>) dst(%dma_wait3A_265 : memref<128xf32, #tpu.memory_space<vmem>>)
      %dma_wait3A_271 = arith.constant 11 : i32
      %dma_wait3A_272 = arith.constant 11 : i32
      %dma_wait3A_273 = arith.constant 0 : i32
      %dma_wait3A_274 = tpu.memref_slice %arg7[%dma_wait3A_272, %dma_wait3A_273] : memref<16x128xf32, #tpu.memory_space<vmem>> -> memref<1x128xf32, #tpu.memory_space<vmem>>
      %dma_wait3A_275 = tpu.memref_squeeze %dma_wait3A_274 : memref<1x128xf32, #tpu.memory_space<vmem>> -> memref<128xf32, #tpu.memory_space<vmem>>
      %dma_wait3A_276 = arith.constant 0 : i32
      %dma_wait3A_277 = tpu.memref_slice %arg6[%dma_wait3A_271, %dma_wait3A_276] : memref<16x128xi32, #tpu.memory_space<vmem>> -> memref<1x128xi32, #tpu.memory_space<vmem>>
      %dma_wait3A_278 = tpu.memref_squeeze %dma_wait3A_277 : memref<1x128xi32, #tpu.memory_space<vmem>> -> memref<128xi32, #tpu.memory_space<vmem>>
      %dma_wait3A_279 = arith.constant 0 : i32
      %dma_wait3A_280 = tpu.memref_slice %arg3[%dma_wait3A_279] : memref<12800000xf32, #tpu.memory_space<hbm>> -> memref<12800000xf32, #tpu.memory_space<hbm>>
      tpu.wait_indirect_dma semaphore(%arg10 : memref<!tpu.dma_semaphore, #tpu.memory_space<semaphore_mem>>) src(%dma_wait3A_280 : memref<12800000xf32, #tpu.memory_space<hbm>>) dst(%dma_wait3A_275 : memref<128xf32, #tpu.memory_space<vmem>>)
      %dma_wait3A_281 = arith.constant 12 : i32
      %dma_wait3A_282 = arith.constant 12 : i32
      %dma_wait3A_283 = arith.constant 0 : i32
      %dma_wait3A_284 = tpu.memref_slice %arg7[%dma_wait3A_282, %dma_wait3A_283] : memref<16x128xf32, #tpu.memory_space<vmem>> -> memref<1x128xf32, #tpu.memory_space<vmem>>
      %dma_wait3A_285 = tpu.memref_squeeze %dma_wait3A_284 : memref<1x128xf32, #tpu.memory_space<vmem>> -> memref<128xf32, #tpu.memory_space<vmem>>
      %dma_wait3A_286 = arith.constant 0 : i32
      %dma_wait3A_287 = tpu.memref_slice %arg6[%dma_wait3A_281, %dma_wait3A_286] : memref<16x128xi32, #tpu.memory_space<vmem>> -> memref<1x128xi32, #tpu.memory_space<vmem>>
      %dma_wait3A_288 = tpu.memref_squeeze %dma_wait3A_287 : memref<1x128xi32, #tpu.memory_space<vmem>> -> memref<128xi32, #tpu.memory_space<vmem>>
      %dma_wait3A_289 = arith.constant 0 : i32
      %dma_wait3A_290 = tpu.memref_slice %arg3[%dma_wait3A_289] : memref<12800000xf32, #tpu.memory_space<hbm>> -> memref<12800000xf32, #tpu.memory_space<hbm>>
      tpu.wait_indirect_dma semaphore(%arg10 : memref<!tpu.dma_semaphore, #tpu.memory_space<semaphore_mem>>) src(%dma_wait3A_290 : memref<12800000xf32, #tpu.memory_space<hbm>>) dst(%dma_wait3A_285 : memref<128xf32, #tpu.memory_space<vmem>>)
      %dma_wait3A_291 = arith.constant 13 : i32
      %dma_wait3A_292 = arith.constant 13 : i32
      %dma_wait3A_293 = arith.constant 0 : i32
      %dma_wait3A_294 = tpu.memref_slice %arg7[%dma_wait3A_292, %dma_wait3A_293] : memref<16x128xf32, #tpu.memory_space<vmem>> -> memref<1x128xf32, #tpu.memory_space<vmem>>
      %dma_wait3A_295 = tpu.memref_squeeze %dma_wait3A_294 : memref<1x128xf32, #tpu.memory_space<vmem>> -> memref<128xf32, #tpu.memory_space<vmem>>
      %dma_wait3A_296 = arith.constant 0 : i32
      %dma_wait3A_297 = tpu.memref_slice %arg6[%dma_wait3A_291, %dma_wait3A_296] : memref<16x128xi32, #tpu.memory_space<vmem>> -> memref<1x128xi32, #tpu.memory_space<vmem>>
      %dma_wait3A_298 = tpu.memref_squeeze %dma_wait3A_297 : memref<1x128xi32, #tpu.memory_space<vmem>> -> memref<128xi32, #tpu.memory_space<vmem>>
      %dma_wait3A_299 = arith.constant 0 : i32
      %dma_wait3A_300 = tpu.memref_slice %arg3[%dma_wait3A_299] : memref<12800000xf32, #tpu.memory_space<hbm>> -> memref<12800000xf32, #tpu.memory_space<hbm>>
      tpu.wait_indirect_dma semaphore(%arg10 : memref<!tpu.dma_semaphore, #tpu.memory_space<semaphore_mem>>) src(%dma_wait3A_300 : memref<12800000xf32, #tpu.memory_space<hbm>>) dst(%dma_wait3A_295 : memref<128xf32, #tpu.memory_space<vmem>>)
      %dma_wait3A_301 = arith.constant 14 : i32
      %dma_wait3A_302 = arith.constant 14 : i32
      %dma_wait3A_303 = arith.constant 0 : i32
      %dma_wait3A_304 = tpu.memref_slice %arg7[%dma_wait3A_302, %dma_wait3A_303] : memref<16x128xf32, #tpu.memory_space<vmem>> -> memref<1x128xf32, #tpu.memory_space<vmem>>
      %dma_wait3A_305 = tpu.memref_squeeze %dma_wait3A_304 : memref<1x128xf32, #tpu.memory_space<vmem>> -> memref<128xf32, #tpu.memory_space<vmem>>
      %dma_wait3A_306 = arith.constant 0 : i32
      %dma_wait3A_307 = tpu.memref_slice %arg6[%dma_wait3A_301, %dma_wait3A_306] : memref<16x128xi32, #tpu.memory_space<vmem>> -> memref<1x128xi32, #tpu.memory_space<vmem>>
      %dma_wait3A_308 = tpu.memref_squeeze %dma_wait3A_307 : memref<1x128xi32, #tpu.memory_space<vmem>> -> memref<128xi32, #tpu.memory_space<vmem>>
      %dma_wait3A_309 = arith.constant 0 : i32
      %dma_wait3A_310 = tpu.memref_slice %arg3[%dma_wait3A_309] : memref<12800000xf32, #tpu.memory_space<hbm>> -> memref<12800000xf32, #tpu.memory_space<hbm>>
      tpu.wait_indirect_dma semaphore(%arg10 : memref<!tpu.dma_semaphore, #tpu.memory_space<semaphore_mem>>) src(%dma_wait3A_310 : memref<12800000xf32, #tpu.memory_space<hbm>>) dst(%dma_wait3A_305 : memref<128xf32, #tpu.memory_space<vmem>>)
      %dma_wait3A_311 = arith.constant 15 : i32
      %dma_wait3A_312 = arith.constant 15 : i32
      %dma_wait3A_313 = arith.constant 0 : i32
      %dma_wait3A_314 = tpu.memref_slice %arg7[%dma_wait3A_312, %dma_wait3A_313] : memref<16x128xf32, #tpu.memory_space<vmem>> -> memref<1x128xf32, #tpu.memory_space<vmem>>
      %dma_wait3A_315 = tpu.memref_squeeze %dma_wait3A_314 : memref<1x128xf32, #tpu.memory_space<vmem>> -> memref<128xf32, #tpu.memory_space<vmem>>
      %dma_wait3A_316 = arith.constant 0 : i32
      %dma_wait3A_317 = tpu.memref_slice %arg6[%dma_wait3A_311, %dma_wait3A_316] : memref<16x128xi32, #tpu.memory_space<vmem>> -> memref<1x128xi32, #tpu.memory_space<vmem>>
      %dma_wait3A_318 = tpu.memref_squeeze %dma_wait3A_317 : memref<1x128xi32, #tpu.memory_space<vmem>> -> memref<128xi32, #tpu.memory_space<vmem>>
      %dma_wait3A_319 = arith.constant 0 : i32
      %dma_wait3A_320 = tpu.memref_slice %arg3[%dma_wait3A_319] : memref<12800000xf32, #tpu.memory_space<hbm>> -> memref<12800000xf32, #tpu.memory_space<hbm>>
      tpu.wait_indirect_dma semaphore(%arg10 : memref<!tpu.dma_semaphore, #tpu.memory_space<semaphore_mem>>) src(%dma_wait3A_320 : memref<12800000xf32, #tpu.memory_space<hbm>>) dst(%dma_wait3A_315 : memref<128xf32, #tpu.memory_space<vmem>>)
      %broadcast_in_dim3A = arith.constant 0.000000e+00 : f32
      %broadcast_in_dim3A_321 = vector.broadcast %broadcast_in_dim3A : f32 to vector<16xf32>
      %broadcast_in_dim3A_322 = arith.constant 0.000000e+00 : f32
      %broadcast_in_dim3A_323 = vector.broadcast %broadcast_in_dim3A_322 : f32 to vector<16xf32>
      %get3A = arith.constant 0 : i32
      %get3A_324 = arith.index_cast %get3A : i32 to index
      %get3A_325 = arith.constant 0 : index
      %get3A_326 = tpu.vector_load %arg7[%get3A_324, %get3A_325] {strides = array<i32>} : memref<16x128xf32, #tpu.memory_space<vmem>>, vector<1x16xf32>,
      %get3A_327 = vector.shape_cast %get3A_326 : vector<1x16xf32> to vector<16xf32>
      %get3A_328 = arith.constant 0 : index
      %get3A_329 = tpu.vector_load %arg8[%get3A_328] {strides = array<i32>} : memref<2048xf32, #tpu.memory_space<vmem>>, vector<16xf32>,
      %get3A_330 = vector.shape_cast %get3A_329 : vector<16xf32> to vector<16xf32>
      %sub3A = arith.subf %get3A_327, %get3A_330 : vector<16xf32>
      %add3A_331 = arith.addf %broadcast_in_dim3A_321, %sub3A : vector<16xf32>
      %exp3A = math.exp %sub3A : vector<16xf32>
      %add3A_332 = arith.addf %broadcast_in_dim3A_323, %exp3A : vector<16xf32>
      %get3A_333 = arith.constant 0 : i32
      %get3A_334 = arith.index_cast %get3A_333 : i32 to index
      %get3A_335 = arith.constant 16 : index
      %get3A_336 = tpu.vector_load %arg7[%get3A_334, %get3A_335] {strides = array<i32>} : memref<16x128xf32, #tpu.memory_space<vmem>>, vector<1x16xf32>,
      %get3A_337 = vector.shape_cast %get3A_336 : vector<1x16xf32> to vector<16xf32>
      %get3A_338 = arith.constant 16 : index
      %get3A_339 = tpu.vector_load %arg8[%get3A_338] {strides = array<i32>} : memref<2048xf32, #tpu.memory_space<vmem>>, vector<16xf32>,
      %get3A_340 = vector.shape_cast %get3A_339 : vector<16xf32> to vector<16xf32>
      %sub3A_341 = arith.subf %get3A_337, %get3A_340 : vector<16xf32>
      %add3A_342 = arith.addf %add3A_331, %sub3A_341 : vector<16xf32>
      %exp3A_343 = math.exp %sub3A_341 : vector<16xf32>
      %add3A_344 = arith.addf %add3A_332, %exp3A_343 : vector<16xf32>
      %get3A_345 = arith.constant 0 : i32
      %get3A_346 = arith.index_cast %get3A_345 : i32 to index
      %get3A_347 = arith.constant 32 : index
      %get3A_348 = tpu.vector_load %arg7[%get3A_346, %get3A_347] {strides = array<i32>} : memref<16x128xf32, #tpu.memory_space<vmem>>, vector<1x16xf32>,
      %get3A_349 = vector.shape_cast %get3A_348 : vector<1x16xf32> to vector<16xf32>
      %get3A_350 = arith.constant 32 : index
      %get3A_351 = tpu.vector_load %arg8[%get3A_350] {strides = array<i32>} : memref<2048xf32, #tpu.memory_space<vmem>>, vector<16xf32>,
      %get3A_352 = vector.shape_cast %get3A_351 : vector<16xf32> to vector<16xf32>
      %sub3A_353 = arith.subf %get3A_349, %get3A_352 : vector<16xf32>
      %add3A_354 = arith.addf %add3A_342, %sub3A_353 : vector<16xf32>
      %exp3A_355 = math.exp %sub3A_353 : vector<16xf32>
      %add3A_356 = arith.addf %add3A_344, %exp3A_355 : vector<16xf32>
      %get3A_357 = arith.constant 0 : i32
      %get3A_358 = arith.index_cast %get3A_357 : i32 to index
      %get3A_359 = arith.constant 48 : index
      %get3A_360 = tpu.vector_load %arg7[%get3A_358, %get3A_359] {strides = array<i32>} : memref<16x128xf32, #tpu.memory_space<vmem>>, vector<1x16xf32>,
      %get3A_361 = vector.shape_cast %get3A_360 : vector<1x16xf32> to vector<16xf32>
      %get3A_362 = arith.constant 48 : index
      %get3A_363 = tpu.vector_load %arg8[%get3A_362] {strides = array<i32>} : memref<2048xf32, #tpu.memory_space<vmem>>, vector<16xf32>,
      %get3A_364 = vector.shape_cast %get3A_363 : vector<16xf32> to vector<16xf32>
      %sub3A_365 = arith.subf %get3A_361, %get3A_364 : vector<16xf32>
      %add3A_366 = arith.addf %add3A_354, %sub3A_365 : vector<16xf32>
      %exp3A_367 = math.exp %sub3A_365 : vector<16xf32>
      %add3A_368 = arith.addf %add3A_356, %exp3A_367 : vector<16xf32>
      %get3A_369 = arith.constant 0 : i32
      %get3A_370 = arith.index_cast %get3A_369 : i32 to index
      %get3A_371 = arith.constant 64 : index
      %get3A_372 = tpu.vector_load %arg7[%get3A_370, %get3A_371] {strides = array<i32>} : memref<16x128xf32, #tpu.memory_space<vmem>>, vector<1x16xf32>,
      %get3A_373 = vector.shape_cast %get3A_372 : vector<1x16xf32> to vector<16xf32>
      %get3A_374 = arith.constant 64 : index
      %get3A_375 = tpu.vector_load %arg8[%get3A_374] {strides = array<i32>} : memref<2048xf32, #tpu.memory_space<vmem>>, vector<16xf32>,
      %get3A_376 = vector.shape_cast %get3A_375 : vector<16xf32> to vector<16xf32>
      %sub3A_377 = arith.subf %get3A_373, %get3A_376 : vector<16xf32>
      %add3A_378 = arith.addf %add3A_366, %sub3A_377 : vector<16xf32>
      %exp3A_379 = math.exp %sub3A_377 : vector<16xf32>
      %add3A_380 = arith.addf %add3A_368, %exp3A_379 : vector<16xf32>
      %get3A_381 = arith.constant 0 : i32
      %get3A_382 = arith.index_cast %get3A_381 : i32 to index
      %get3A_383 = arith.constant 80 : index
      %get3A_384 = tpu.vector_load %arg7[%get3A_382, %get3A_383] {strides = array<i32>} : memref<16x128xf32, #tpu.memory_space<vmem>>, vector<1x16xf32>,
      %get3A_385 = vector.shape_cast %get3A_384 : vector<1x16xf32> to vector<16xf32>
      %get3A_386 = arith.constant 80 : index
      %get3A_387 = tpu.vector_load %arg8[%get3A_386] {strides = array<i32>} : memref<2048xf32, #tpu.memory_space<vmem>>, vector<16xf32>,
      %get3A_388 = vector.shape_cast %get3A_387 : vector<16xf32> to vector<16xf32>
      %sub3A_389 = arith.subf %get3A_385, %get3A_388 : vector<16xf32>
      %add3A_390 = arith.addf %add3A_378, %sub3A_389 : vector<16xf32>
      %exp3A_391 = math.exp %sub3A_389 : vector<16xf32>
      %add3A_392 = arith.addf %add3A_380, %exp3A_391 : vector<16xf32>
      %get3A_393 = arith.constant 0 : i32
      %get3A_394 = arith.index_cast %get3A_393 : i32 to index
      %get3A_395 = arith.constant 96 : index
      %get3A_396 = tpu.vector_load %arg7[%get3A_394, %get3A_395] {strides = array<i32>} : memref<16x128xf32, #tpu.memory_space<vmem>>, vector<1x16xf32>,
      %get3A_397 = vector.shape_cast %get3A_396 : vector<1x16xf32> to vector<16xf32>
      %get3A_398 = arith.constant 96 : index
      %get3A_399 = tpu.vector_load %arg8[%get3A_398] {strides = array<i32>} : memref<2048xf32, #tpu.memory_space<vmem>>, vector<16xf32>,
      %get3A_400 = vector.shape_cast %get3A_399 : vector<16xf32> to vector<16xf32>
      %sub3A_401 = arith.subf %get3A_397, %get3A_400 : vector<16xf32>
      %add3A_402 = arith.addf %add3A_390, %sub3A_401 : vector<16xf32>
      %exp3A_403 = math.exp %sub3A_401 : vector<16xf32>
      %add3A_404 = arith.addf %add3A_392, %exp3A_403 : vector<16xf32>
      %get3A_405 = arith.constant 0 : i32
      %get3A_406 = arith.index_cast %get3A_405 : i32 to index
      %get3A_407 = arith.constant 112 : index
      %get3A_408 = tpu.vector_load %arg7[%get3A_406, %get3A_407] {strides = array<i32>} : memref<16x128xf32, #tpu.memory_space<vmem>>, vector<1x16xf32>,
      %get3A_409 = vector.shape_cast %get3A_408 : vector<1x16xf32> to vector<16xf32>
      %get3A_410 = arith.constant 112 : index
      %get3A_411 = tpu.vector_load %arg8[%get3A_410] {strides = array<i32>} : memref<2048xf32, #tpu.memory_space<vmem>>, vector<16xf32>,
      %get3A_412 = vector.shape_cast %get3A_411 : vector<16xf32> to vector<16xf32>
      %sub3A_413 = arith.subf %get3A_409, %get3A_412 : vector<16xf32>
      %add3A_414 = arith.addf %add3A_402, %sub3A_413 : vector<16xf32>
      %exp3A_415 = math.exp %sub3A_413 : vector<16xf32>
      %add3A_416 = arith.addf %add3A_404, %exp3A_415 : vector<16xf32>
      %get3A_417 = arith.constant 1 : i32
      %get3A_418 = arith.index_cast %get3A_417 : i32 to index
      %get3A_419 = arith.constant 0 : index
      %get3A_420 = tpu.vector_load %arg7[%get3A_418, %get3A_419] {strides = array<i32>} : memref<16x128xf32, #tpu.memory_space<vmem>>, vector<1x16xf32>,
      %get3A_421 = vector.shape_cast %get3A_420 : vector<1x16xf32> to vector<16xf32>
      %get3A_422 = arith.constant 128 : index
      %get3A_423 = tpu.vector_load %arg8[%get3A_422] {strides = array<i32>} : memref<2048xf32, #tpu.memory_space<vmem>>, vector<16xf32>,
      %get3A_424 = vector.shape_cast %get3A_423 : vector<16xf32> to vector<16xf32>
      %sub3A_425 = arith.subf %get3A_421, %get3A_424 : vector<16xf32>
      %add3A_426 = arith.addf %add3A_414, %sub3A_425 : vector<16xf32>
      %exp3A_427 = math.exp %sub3A_425 : vector<16xf32>
      %add3A_428 = arith.addf %add3A_416, %exp3A_427 : vector<16xf32>
      %get3A_429 = arith.constant 1 : i32
      %get3A_430 = arith.index_cast %get3A_429 : i32 to index
      %get3A_431 = arith.constant 16 : index
      %get3A_432 = tpu.vector_load %arg7[%get3A_430, %get3A_431] {strides = array<i32>} : memref<16x128xf32, #tpu.memory_space<vmem>>, vector<1x16xf32>,
      %get3A_433 = vector.shape_cast %get3A_432 : vector<1x16xf32> to vector<16xf32>
      %get3A_434 = arith.constant 144 : index
      %get3A_435 = tpu.vector_load %arg8[%get3A_434] {strides = array<i32>} : memref<2048xf32, #tpu.memory_space<vmem>>, vector<16xf32>,
      %get3A_436 = vector.shape_cast %get3A_435 : vector<16xf32> to vector<16xf32>
      %sub3A_437 = arith.subf %get3A_433, %get3A_436 : vector<16xf32>
      %add3A_438 = arith.addf %add3A_426, %sub3A_437 : vector<16xf32>
      %exp3A_439 = math.exp %sub3A_437 : vector<16xf32>
      %add3A_440 = arith.addf %add3A_428, %exp3A_439 : vector<16xf32>
      %get3A_441 = arith.constant 1 : i32
      %get3A_442 = arith.index_cast %get3A_441 : i32 to index
      %get3A_443 = arith.constant 32 : index
      %get3A_444 = tpu.vector_load %arg7[%get3A_442, %get3A_443] {strides = array<i32>} : memref<16x128xf32, #tpu.memory_space<vmem>>, vector<1x16xf32>,
      %get3A_445 = vector.shape_cast %get3A_444 : vector<1x16xf32> to vector<16xf32>
      %get3A_446 = arith.constant 160 : index
      %get3A_447 = tpu.vector_load %arg8[%get3A_446] {strides = array<i32>} : memref<2048xf32, #tpu.memory_space<vmem>>, vector<16xf32>,
      %get3A_448 = vector.shape_cast %get3A_447 : vector<16xf32> to vector<16xf32>
      %sub3A_449 = arith.subf %get3A_445, %get3A_448 : vector<16xf32>
      %add3A_450 = arith.addf %add3A_438, %sub3A_449 : vector<16xf32>
      %exp3A_451 = math.exp %sub3A_449 : vector<16xf32>
      %add3A_452 = arith.addf %add3A_440, %exp3A_451 : vector<16xf32>
      %get3A_453 = arith.constant 1 : i32
      %get3A_454 = arith.index_cast %get3A_453 : i32 to index
      %get3A_455 = arith.constant 48 : index
      %get3A_456 = tpu.vector_load %arg7[%get3A_454, %get3A_455] {strides = array<i32>} : memref<16x128xf32, #tpu.memory_space<vmem>>, vector<1x16xf32>,
      %get3A_457 = vector.shape_cast %get3A_456 : vector<1x16xf32> to vector<16xf32>
      %get3A_458 = arith.constant 176 : index
      %get3A_459 = tpu.vector_load %arg8[%get3A_458] {strides = array<i32>} : memref<2048xf32, #tpu.memory_space<vmem>>, vector<16xf32>,
      %get3A_460 = vector.shape_cast %get3A_459 : vector<16xf32> to vector<16xf32>
      %sub3A_461 = arith.subf %get3A_457, %get3A_460 : vector<16xf32>
      %add3A_462 = arith.addf %add3A_450, %sub3A_461 : vector<16xf32>
      %exp3A_463 = math.exp %sub3A_461 : vector<16xf32>
      %add3A_464 = arith.addf %add3A_452, %exp3A_463 : vector<16xf32>
      %get3A_465 = arith.constant 1 : i32
      %get3A_466 = arith.index_cast %get3A_465 : i32 to index
      %get3A_467 = arith.constant 64 : index
      %get3A_468 = tpu.vector_load %arg7[%get3A_466, %get3A_467] {strides = array<i32>} : memref<16x128xf32, #tpu.memory_space<vmem>>, vector<1x16xf32>,
      %get3A_469 = vector.shape_cast %get3A_468 : vector<1x16xf32> to vector<16xf32>
      %get3A_470 = arith.constant 192 : index
      %get3A_471 = tpu.vector_load %arg8[%get3A_470] {strides = array<i32>} : memref<2048xf32, #tpu.memory_space<vmem>>, vector<16xf32>,
      %get3A_472 = vector.shape_cast %get3A_471 : vector<16xf32> to vector<16xf32>
      %sub3A_473 = arith.subf %get3A_469, %get3A_472 : vector<16xf32>
      %add3A_474 = arith.addf %add3A_462, %sub3A_473 : vector<16xf32>
      %exp3A_475 = math.exp %sub3A_473 : vector<16xf32>
      %add3A_476 = arith.addf %add3A_464, %exp3A_475 : vector<16xf32>
      %get3A_477 = arith.constant 1 : i32
      %get3A_478 = arith.index_cast %get3A_477 : i32 to index
      %get3A_479 = arith.constant 80 : index
      %get3A_480 = tpu.vector_load %arg7[%get3A_478, %get3A_479] {strides = array<i32>} : memref<16x128xf32, #tpu.memory_space<vmem>>, vector<1x16xf32>,
      %get3A_481 = vector.shape_cast %get3A_480 : vector<1x16xf32> to vector<16xf32>
      %get3A_482 = arith.constant 208 : index
      %get3A_483 = tpu.vector_load %arg8[%get3A_482] {strides = array<i32>} : memref<2048xf32, #tpu.memory_space<vmem>>, vector<16xf32>,
      %get3A_484 = vector.shape_cast %get3A_483 : vector<16xf32> to vector<16xf32>
      %sub3A_485 = arith.subf %get3A_481, %get3A_484 : vector<16xf32>
      %add3A_486 = arith.addf %add3A_474, %sub3A_485 : vector<16xf32>
      %exp3A_487 = math.exp %sub3A_485 : vector<16xf32>
      %add3A_488 = arith.addf %add3A_476, %exp3A_487 : vector<16xf32>
      %get3A_489 = arith.constant 1 : i32
      %get3A_490 = arith.index_cast %get3A_489 : i32 to index
      %get3A_491 = arith.constant 96 : index
      %get3A_492 = tpu.vector_load %arg7[%get3A_490, %get3A_491] {strides = array<i32>} : memref<16x128xf32, #tpu.memory_space<vmem>>, vector<1x16xf32>,
      %get3A_493 = vector.shape_cast %get3A_492 : vector<1x16xf32> to vector<16xf32>
      %get3A_494 = arith.constant 224 : index
      %get3A_495 = tpu.vector_load %arg8[%get3A_494] {strides = array<i32>} : memref<2048xf32, #tpu.memory_space<vmem>>, vector<16xf32>,
      %get3A_496 = vector.shape_cast %get3A_495 : vector<16xf32> to vector<16xf32>
      %sub3A_497 = arith.subf %get3A_493, %get3A_496 : vector<16xf32>
      %add3A_498 = arith.addf %add3A_486, %sub3A_497 : vector<16xf32>
      %exp3A_499 = math.exp %sub3A_497 : vector<16xf32>
      %add3A_500 = arith.addf %add3A_488, %exp3A_499 : vector<16xf32>
      %get3A_501 = arith.constant 1 : i32
      %get3A_502 = arith.index_cast %get3A_501 : i32 to index
      %get3A_503 = arith.constant 112 : index
      %get3A_504 = tpu.vector_load %arg7[%get3A_502, %get3A_503] {strides = array<i32>} : memref<16x128xf32, #tpu.memory_space<vmem>>, vector<1x16xf32>,
      %get3A_505 = vector.shape_cast %get3A_504 : vector<1x16xf32> to vector<16xf32>
      %get3A_506 = arith.constant 240 : index
      %get3A_507 = tpu.vector_load %arg8[%get3A_506] {strides = array<i32>} : memref<2048xf32, #tpu.memory_space<vmem>>, vector<16xf32>,
      %get3A_508 = vector.shape_cast %get3A_507 : vector<16xf32> to vector<16xf32>
      %sub3A_509 = arith.subf %get3A_505, %get3A_508 : vector<16xf32>
      %add3A_510 = arith.addf %add3A_498, %sub3A_509 : vector<16xf32>
      %exp3A_511 = math.exp %sub3A_509 : vector<16xf32>
      %add3A_512 = arith.addf %add3A_500, %exp3A_511 : vector<16xf32>
      %get3A_513 = arith.constant 2 : i32
      %get3A_514 = arith.index_cast %get3A_513 : i32 to index
      %get3A_515 = arith.constant 0 : index
      %get3A_516 = tpu.vector_load %arg7[%get3A_514, %get3A_515] {strides = array<i32>} : memref<16x128xf32, #tpu.memory_space<vmem>>, vector<1x16xf32>,
      %get3A_517 = vector.shape_cast %get3A_516 : vector<1x16xf32> to vector<16xf32>
      %get3A_518 = arith.constant 256 : index
      %get3A_519 = tpu.vector_load %arg8[%get3A_518] {strides = array<i32>} : memref<2048xf32, #tpu.memory_space<vmem>>, vector<16xf32>,
      %get3A_520 = vector.shape_cast %get3A_519 : vector<16xf32> to vector<16xf32>
      %sub3A_521 = arith.subf %get3A_517, %get3A_520 : vector<16xf32>
      %add3A_522 = arith.addf %add3A_510, %sub3A_521 : vector<16xf32>
      %exp3A_523 = math.exp %sub3A_521 : vector<16xf32>
      %add3A_524 = arith.addf %add3A_512, %exp3A_523 : vector<16xf32>
      %get3A_525 = arith.constant 2 : i32
      %get3A_526 = arith.index_cast %get3A_525 : i32 to index
      %get3A_527 = arith.constant 16 : index
      %get3A_528 = tpu.vector_load %arg7[%get3A_526, %get3A_527] {strides = array<i32>} : memref<16x128xf32, #tpu.memory_space<vmem>>, vector<1x16xf32>,
      %get3A_529 = vector.shape_cast %get3A_528 : vector<1x16xf32> to vector<16xf32>
      %get3A_530 = arith.constant 272 : index
      %get3A_531 = tpu.vector_load %arg8[%get3A_530] {strides = array<i32>} : memref<2048xf32, #tpu.memory_space<vmem>>, vector<16xf32>,
      %get3A_532 = vector.shape_cast %get3A_531 : vector<16xf32> to vector<16xf32>
      %sub3A_533 = arith.subf %get3A_529, %get3A_532 : vector<16xf32>
      %add3A_534 = arith.addf %add3A_522, %sub3A_533 : vector<16xf32>
      %exp3A_535 = math.exp %sub3A_533 : vector<16xf32>
      %add3A_536 = arith.addf %add3A_524, %exp3A_535 : vector<16xf32>
      %get3A_537 = arith.constant 2 : i32
      %get3A_538 = arith.index_cast %get3A_537 : i32 to index
      %get3A_539 = arith.constant 32 : index
      %get3A_540 = tpu.vector_load %arg7[%get3A_538, %get3A_539] {strides = array<i32>} : memref<16x128xf32, #tpu.memory_space<vmem>>, vector<1x16xf32>,
      %get3A_541 = vector.shape_cast %get3A_540 : vector<1x16xf32> to vector<16xf32>
      %get3A_542 = arith.constant 288 : index
      %get3A_543 = tpu.vector_load %arg8[%get3A_542] {strides = array<i32>} : memref<2048xf32, #tpu.memory_space<vmem>>, vector<16xf32>,
      %get3A_544 = vector.shape_cast %get3A_543 : vector<16xf32> to vector<16xf32>
      %sub3A_545 = arith.subf %get3A_541, %get3A_544 : vector<16xf32>
      %add3A_546 = arith.addf %add3A_534, %sub3A_545 : vector<16xf32>
      %exp3A_547 = math.exp %sub3A_545 : vector<16xf32>
      %add3A_548 = arith.addf %add3A_536, %exp3A_547 : vector<16xf32>
      %get3A_549 = arith.constant 2 : i32
      %get3A_550 = arith.index_cast %get3A_549 : i32 to index
      %get3A_551 = arith.constant 48 : index
      %get3A_552 = tpu.vector_load %arg7[%get3A_550, %get3A_551] {strides = array<i32>} : memref<16x128xf32, #tpu.memory_space<vmem>>, vector<1x16xf32>,
      %get3A_553 = vector.shape_cast %get3A_552 : vector<1x16xf32> to vector<16xf32>
      %get3A_554 = arith.constant 304 : index
      %get3A_555 = tpu.vector_load %arg8[%get3A_554] {strides = array<i32>} : memref<2048xf32, #tpu.memory_space<vmem>>, vector<16xf32>,
      %get3A_556 = vector.shape_cast %get3A_555 : vector<16xf32> to vector<16xf32>
      %sub3A_557 = arith.subf %get3A_553, %get3A_556 : vector<16xf32>
      %add3A_558 = arith.addf %add3A_546, %sub3A_557 : vector<16xf32>
      %exp3A_559 = math.exp %sub3A_557 : vector<16xf32>
      %add3A_560 = arith.addf %add3A_548, %exp3A_559 : vector<16xf32>
      %get3A_561 = arith.constant 2 : i32
      %get3A_562 = arith.index_cast %get3A_561 : i32 to index
      %get3A_563 = arith.constant 64 : index
      %get3A_564 = tpu.vector_load %arg7[%get3A_562, %get3A_563] {strides = array<i32>} : memref<16x128xf32, #tpu.memory_space<vmem>>, vector<1x16xf32>,
      %get3A_565 = vector.shape_cast %get3A_564 : vector<1x16xf32> to vector<16xf32>
      %get3A_566 = arith.constant 320 : index
      %get3A_567 = tpu.vector_load %arg8[%get3A_566] {strides = array<i32>} : memref<2048xf32, #tpu.memory_space<vmem>>, vector<16xf32>,
      %get3A_568 = vector.shape_cast %get3A_567 : vector<16xf32> to vector<16xf32>
      %sub3A_569 = arith.subf %get3A_565, %get3A_568 : vector<16xf32>
      %add3A_570 = arith.addf %add3A_558, %sub3A_569 : vector<16xf32>
      %exp3A_571 = math.exp %sub3A_569 : vector<16xf32>
      %add3A_572 = arith.addf %add3A_560, %exp3A_571 : vector<16xf32>
      %get3A_573 = arith.constant 2 : i32
      %get3A_574 = arith.index_cast %get3A_573 : i32 to index
      %get3A_575 = arith.constant 80 : index
      %get3A_576 = tpu.vector_load %arg7[%get3A_574, %get3A_575] {strides = array<i32>} : memref<16x128xf32, #tpu.memory_space<vmem>>, vector<1x16xf32>,
      %get3A_577 = vector.shape_cast %get3A_576 : vector<1x16xf32> to vector<16xf32>
      %get3A_578 = arith.constant 336 : index
      %get3A_579 = tpu.vector_load %arg8[%get3A_578] {strides = array<i32>} : memref<2048xf32, #tpu.memory_space<vmem>>, vector<16xf32>,
      %get3A_580 = vector.shape_cast %get3A_579 : vector<16xf32> to vector<16xf32>
      %sub3A_581 = arith.subf %get3A_577, %get3A_580 : vector<16xf32>
      %add3A_582 = arith.addf %add3A_570, %sub3A_581 : vector<16xf32>
      %exp3A_583 = math.exp %sub3A_581 : vector<16xf32>
      %add3A_584 = arith.addf %add3A_572, %exp3A_583 : vector<16xf32>
      %get3A_585 = arith.constant 2 : i32
      %get3A_586 = arith.index_cast %get3A_585 : i32 to index
      %get3A_587 = arith.constant 96 : index
      %get3A_588 = tpu.vector_load %arg7[%get3A_586, %get3A_587] {strides = array<i32>} : memref<16x128xf32, #tpu.memory_space<vmem>>, vector<1x16xf32>,
      %get3A_589 = vector.shape_cast %get3A_588 : vector<1x16xf32> to vector<16xf32>
      %get3A_590 = arith.constant 352 : index
      %get3A_591 = tpu.vector_load %arg8[%get3A_590] {strides = array<i32>} : memref<2048xf32, #tpu.memory_space<vmem>>, vector<16xf32>,
      %get3A_592 = vector.shape_cast %get3A_591 : vector<16xf32> to vector<16xf32>
      %sub3A_593 = arith.subf %get3A_589, %get3A_592 : vector<16xf32>
      %add3A_594 = arith.addf %add3A_582, %sub3A_593 : vector<16xf32>
      %exp3A_595 = math.exp %sub3A_593 : vector<16xf32>
      %add3A_596 = arith.addf %add3A_584, %exp3A_595 : vector<16xf32>
      %get3A_597 = arith.constant 2 : i32
      %get3A_598 = arith.index_cast %get3A_597 : i32 to index
      %get3A_599 = arith.constant 112 : index
      %get3A_600 = tpu.vector_load %arg7[%get3A_598, %get3A_599] {strides = array<i32>} : memref<16x128xf32, #tpu.memory_space<vmem>>, vector<1x16xf32>,
      %get3A_601 = vector.shape_cast %get3A_600 : vector<1x16xf32> to vector<16xf32>
      %get3A_602 = arith.constant 368 : index
      %get3A_603 = tpu.vector_load %arg8[%get3A_602] {strides = array<i32>} : memref<2048xf32, #tpu.memory_space<vmem>>, vector<16xf32>,
      %get3A_604 = vector.shape_cast %get3A_603 : vector<16xf32> to vector<16xf32>
      %sub3A_605 = arith.subf %get3A_601, %get3A_604 : vector<16xf32>
      %add3A_606 = arith.addf %add3A_594, %sub3A_605 : vector<16xf32>
      %exp3A_607 = math.exp %sub3A_605 : vector<16xf32>
      %add3A_608 = arith.addf %add3A_596, %exp3A_607 : vector<16xf32>
      %get3A_609 = arith.constant 3 : i32
      %get3A_610 = arith.index_cast %get3A_609 : i32 to index
      %get3A_611 = arith.constant 0 : index
      %get3A_612 = tpu.vector_load %arg7[%get3A_610, %get3A_611] {strides = array<i32>} : memref<16x128xf32, #tpu.memory_space<vmem>>, vector<1x16xf32>,
      %get3A_613 = vector.shape_cast %get3A_612 : vector<1x16xf32> to vector<16xf32>
      %get3A_614 = arith.constant 384 : index
      %get3A_615 = tpu.vector_load %arg8[%get3A_614] {strides = array<i32>} : memref<2048xf32, #tpu.memory_space<vmem>>, vector<16xf32>,
      %get3A_616 = vector.shape_cast %get3A_615 : vector<16xf32> to vector<16xf32>
      %sub3A_617 = arith.subf %get3A_613, %get3A_616 : vector<16xf32>
      %add3A_618 = arith.addf %add3A_606, %sub3A_617 : vector<16xf32>
      %exp3A_619 = math.exp %sub3A_617 : vector<16xf32>
      %add3A_620 = arith.addf %add3A_608, %exp3A_619 : vector<16xf32>
      %get3A_621 = arith.constant 3 : i32
      %get3A_622 = arith.index_cast %get3A_621 : i32 to index
      %get3A_623 = arith.constant 16 : index
      %get3A_624 = tpu.vector_load %arg7[%get3A_622, %get3A_623] {strides = array<i32>} : memref<16x128xf32, #tpu.memory_space<vmem>>, vector<1x16xf32>,
      %get3A_625 = vector.shape_cast %get3A_624 : vector<1x16xf32> to vector<16xf32>
      %get3A_626 = arith.constant 400 : index
      %get3A_627 = tpu.vector_load %arg8[%get3A_626] {strides = array<i32>} : memref<2048xf32, #tpu.memory_space<vmem>>, vector<16xf32>,
      %get3A_628 = vector.shape_cast %get3A_627 : vector<16xf32> to vector<16xf32>
      %sub3A_629 = arith.subf %get3A_625, %get3A_628 : vector<16xf32>
      %add3A_630 = arith.addf %add3A_618, %sub3A_629 : vector<16xf32>
      %exp3A_631 = math.exp %sub3A_629 : vector<16xf32>
      %add3A_632 = arith.addf %add3A_620, %exp3A_631 : vector<16xf32>
      %get3A_633 = arith.constant 3 : i32
      %get3A_634 = arith.index_cast %get3A_633 : i32 to index
      %get3A_635 = arith.constant 32 : index
      %get3A_636 = tpu.vector_load %arg7[%get3A_634, %get3A_635] {strides = array<i32>} : memref<16x128xf32, #tpu.memory_space<vmem>>, vector<1x16xf32>,
      %get3A_637 = vector.shape_cast %get3A_636 : vector<1x16xf32> to vector<16xf32>
      %get3A_638 = arith.constant 416 : index
      %get3A_639 = tpu.vector_load %arg8[%get3A_638] {strides = array<i32>} : memref<2048xf32, #tpu.memory_space<vmem>>, vector<16xf32>,
      %get3A_640 = vector.shape_cast %get3A_639 : vector<16xf32> to vector<16xf32>
      %sub3A_641 = arith.subf %get3A_637, %get3A_640 : vector<16xf32>
      %add3A_642 = arith.addf %add3A_630, %sub3A_641 : vector<16xf32>
      %exp3A_643 = math.exp %sub3A_641 : vector<16xf32>
      %add3A_644 = arith.addf %add3A_632, %exp3A_643 : vector<16xf32>
      %get3A_645 = arith.constant 3 : i32
      %get3A_646 = arith.index_cast %get3A_645 : i32 to index
      %get3A_647 = arith.constant 48 : index
      %get3A_648 = tpu.vector_load %arg7[%get3A_646, %get3A_647] {strides = array<i32>} : memref<16x128xf32, #tpu.memory_space<vmem>>, vector<1x16xf32>,
      %get3A_649 = vector.shape_cast %get3A_648 : vector<1x16xf32> to vector<16xf32>
      %get3A_650 = arith.constant 432 : index
      %get3A_651 = tpu.vector_load %arg8[%get3A_650] {strides = array<i32>} : memref<2048xf32, #tpu.memory_space<vmem>>, vector<16xf32>,
      %get3A_652 = vector.shape_cast %get3A_651 : vector<16xf32> to vector<16xf32>
      %sub3A_653 = arith.subf %get3A_649, %get3A_652 : vector<16xf32>
      %add3A_654 = arith.addf %add3A_642, %sub3A_653 : vector<16xf32>
      %exp3A_655 = math.exp %sub3A_653 : vector<16xf32>
      %add3A_656 = arith.addf %add3A_644, %exp3A_655 : vector<16xf32>
      %get3A_657 = arith.constant 3 : i32
      %get3A_658 = arith.index_cast %get3A_657 : i32 to index
      %get3A_659 = arith.constant 64 : index
      %get3A_660 = tpu.vector_load %arg7[%get3A_658, %get3A_659] {strides = array<i32>} : memref<16x128xf32, #tpu.memory_space<vmem>>, vector<1x16xf32>,
      %get3A_661 = vector.shape_cast %get3A_660 : vector<1x16xf32> to vector<16xf32>
      %get3A_662 = arith.constant 448 : index
      %get3A_663 = tpu.vector_load %arg8[%get3A_662] {strides = array<i32>} : memref<2048xf32, #tpu.memory_space<vmem>>, vector<16xf32>,
      %get3A_664 = vector.shape_cast %get3A_663 : vector<16xf32> to vector<16xf32>
      %sub3A_665 = arith.subf %get3A_661, %get3A_664 : vector<16xf32>
      %add3A_666 = arith.addf %add3A_654, %sub3A_665 : vector<16xf32>
      %exp3A_667 = math.exp %sub3A_665 : vector<16xf32>
      %add3A_668 = arith.addf %add3A_656, %exp3A_667 : vector<16xf32>
      %get3A_669 = arith.constant 3 : i32
      %get3A_670 = arith.index_cast %get3A_669 : i32 to index
      %get3A_671 = arith.constant 80 : index
      %get3A_672 = tpu.vector_load %arg7[%get3A_670, %get3A_671] {strides = array<i32>} : memref<16x128xf32, #tpu.memory_space<vmem>>, vector<1x16xf32>,
      %get3A_673 = vector.shape_cast %get3A_672 : vector<1x16xf32> to vector<16xf32>
      %get3A_674 = arith.constant 464 : index
      %get3A_675 = tpu.vector_load %arg8[%get3A_674] {strides = array<i32>} : memref<2048xf32, #tpu.memory_space<vmem>>, vector<16xf32>,
      %get3A_676 = vector.shape_cast %get3A_675 : vector<16xf32> to vector<16xf32>
      %sub3A_677 = arith.subf %get3A_673, %get3A_676 : vector<16xf32>
      %add3A_678 = arith.addf %add3A_666, %sub3A_677 : vector<16xf32>
      %exp3A_679 = math.exp %sub3A_677 : vector<16xf32>
      %add3A_680 = arith.addf %add3A_668, %exp3A_679 : vector<16xf32>
      %get3A_681 = arith.constant 3 : i32
      %get3A_682 = arith.index_cast %get3A_681 : i32 to index
      %get3A_683 = arith.constant 96 : index
      %get3A_684 = tpu.vector_load %arg7[%get3A_682, %get3A_683] {strides = array<i32>} : memref<16x128xf32, #tpu.memory_space<vmem>>, vector<1x16xf32>,
      %get3A_685 = vector.shape_cast %get3A_684 : vector<1x16xf32> to vector<16xf32>
      %get3A_686 = arith.constant 480 : index
      %get3A_687 = tpu.vector_load %arg8[%get3A_686] {strides = array<i32>} : memref<2048xf32, #tpu.memory_space<vmem>>, vector<16xf32>,
      %get3A_688 = vector.shape_cast %get3A_687 : vector<16xf32> to vector<16xf32>
      %sub3A_689 = arith.subf %get3A_685, %get3A_688 : vector<16xf32>
      %add3A_690 = arith.addf %add3A_678, %sub3A_689 : vector<16xf32>
      %exp3A_691 = math.exp %sub3A_689 : vector<16xf32>
      %add3A_692 = arith.addf %add3A_680, %exp3A_691 : vector<16xf32>
      %get3A_693 = arith.constant 3 : i32
      %get3A_694 = arith.index_cast %get3A_693 : i32 to index
      %get3A_695 = arith.constant 112 : index
      %get3A_696 = tpu.vector_load %arg7[%get3A_694, %get3A_695] {strides = array<i32>} : memref<16x128xf32, #tpu.memory_space<vmem>>, vector<1x16xf32>,
      %get3A_697 = vector.shape_cast %get3A_696 : vector<1x16xf32> to vector<16xf32>
      %get3A_698 = arith.constant 496 : index
      %get3A_699 = tpu.vector_load %arg8[%get3A_698] {strides = array<i32>} : memref<2048xf32, #tpu.memory_space<vmem>>, vector<16xf32>,
      %get3A_700 = vector.shape_cast %get3A_699 : vector<16xf32> to vector<16xf32>
      %sub3A_701 = arith.subf %get3A_697, %get3A_700 : vector<16xf32>
      %add3A_702 = arith.addf %add3A_690, %sub3A_701 : vector<16xf32>
      %exp3A_703 = math.exp %sub3A_701 : vector<16xf32>
      %add3A_704 = arith.addf %add3A_692, %exp3A_703 : vector<16xf32>
      %get3A_705 = arith.constant 4 : i32
      %get3A_706 = arith.index_cast %get3A_705 : i32 to index
      %get3A_707 = arith.constant 0 : index
      %get3A_708 = tpu.vector_load %arg7[%get3A_706, %get3A_707] {strides = array<i32>} : memref<16x128xf32, #tpu.memory_space<vmem>>, vector<1x16xf32>,
      %get3A_709 = vector.shape_cast %get3A_708 : vector<1x16xf32> to vector<16xf32>
      %get3A_710 = arith.constant 512 : index
      %get3A_711 = tpu.vector_load %arg8[%get3A_710] {strides = array<i32>} : memref<2048xf32, #tpu.memory_space<vmem>>, vector<16xf32>,
      %get3A_712 = vector.shape_cast %get3A_711 : vector<16xf32> to vector<16xf32>
      %sub3A_713 = arith.subf %get3A_709, %get3A_712 : vector<16xf32>
      %add3A_714 = arith.addf %add3A_702, %sub3A_713 : vector<16xf32>
      %exp3A_715 = math.exp %sub3A_713 : vector<16xf32>
      %add3A_716 = arith.addf %add3A_704, %exp3A_715 : vector<16xf32>
      %get3A_717 = arith.constant 4 : i32
      %get3A_718 = arith.index_cast %get3A_717 : i32 to index
      %get3A_719 = arith.constant 16 : index
      %get3A_720 = tpu.vector_load %arg7[%get3A_718, %get3A_719] {strides = array<i32>} : memref<16x128xf32, #tpu.memory_space<vmem>>, vector<1x16xf32>,
      %get3A_721 = vector.shape_cast %get3A_720 : vector<1x16xf32> to vector<16xf32>
      %get3A_722 = arith.constant 528 : index
      %get3A_723 = tpu.vector_load %arg8[%get3A_722] {strides = array<i32>} : memref<2048xf32, #tpu.memory_space<vmem>>, vector<16xf32>,
      %get3A_724 = vector.shape_cast %get3A_723 : vector<16xf32> to vector<16xf32>
      %sub3A_725 = arith.subf %get3A_721, %get3A_724 : vector<16xf32>
      %add3A_726 = arith.addf %add3A_714, %sub3A_725 : vector<16xf32>
      %exp3A_727 = math.exp %sub3A_725 : vector<16xf32>
      %add3A_728 = arith.addf %add3A_716, %exp3A_727 : vector<16xf32>
      %get3A_729 = arith.constant 4 : i32
      %get3A_730 = arith.index_cast %get3A_729 : i32 to index
      %get3A_731 = arith.constant 32 : index
      %get3A_732 = tpu.vector_load %arg7[%get3A_730, %get3A_731] {strides = array<i32>} : memref<16x128xf32, #tpu.memory_space<vmem>>, vector<1x16xf32>,
      %get3A_733 = vector.shape_cast %get3A_732 : vector<1x16xf32> to vector<16xf32>
      %get3A_734 = arith.constant 544 : index
      %get3A_735 = tpu.vector_load %arg8[%get3A_734] {strides = array<i32>} : memref<2048xf32, #tpu.memory_space<vmem>>, vector<16xf32>,
      %get3A_736 = vector.shape_cast %get3A_735 : vector<16xf32> to vector<16xf32>
      %sub3A_737 = arith.subf %get3A_733, %get3A_736 : vector<16xf32>
      %add3A_738 = arith.addf %add3A_726, %sub3A_737 : vector<16xf32>
      %exp3A_739 = math.exp %sub3A_737 : vector<16xf32>
      %add3A_740 = arith.addf %add3A_728, %exp3A_739 : vector<16xf32>
      %get3A_741 = arith.constant 4 : i32
      %get3A_742 = arith.index_cast %get3A_741 : i32 to index
      %get3A_743 = arith.constant 48 : index
      %get3A_744 = tpu.vector_load %arg7[%get3A_742, %get3A_743] {strides = array<i32>} : memref<16x128xf32, #tpu.memory_space<vmem>>, vector<1x16xf32>,
      %get3A_745 = vector.shape_cast %get3A_744 : vector<1x16xf32> to vector<16xf32>
      %get3A_746 = arith.constant 560 : index
      %get3A_747 = tpu.vector_load %arg8[%get3A_746] {strides = array<i32>} : memref<2048xf32, #tpu.memory_space<vmem>>, vector<16xf32>,
      %get3A_748 = vector.shape_cast %get3A_747 : vector<16xf32> to vector<16xf32>
      %sub3A_749 = arith.subf %get3A_745, %get3A_748 : vector<16xf32>
      %add3A_750 = arith.addf %add3A_738, %sub3A_749 : vector<16xf32>
      %exp3A_751 = math.exp %sub3A_749 : vector<16xf32>
      %add3A_752 = arith.addf %add3A_740, %exp3A_751 : vector<16xf32>
      %get3A_753 = arith.constant 4 : i32
      %get3A_754 = arith.index_cast %get3A_753 : i32 to index
      %get3A_755 = arith.constant 64 : index
      %get3A_756 = tpu.vector_load %arg7[%get3A_754, %get3A_755] {strides = array<i32>} : memref<16x128xf32, #tpu.memory_space<vmem>>, vector<1x16xf32>,
      %get3A_757 = vector.shape_cast %get3A_756 : vector<1x16xf32> to vector<16xf32>
      %get3A_758 = arith.constant 576 : index
      %get3A_759 = tpu.vector_load %arg8[%get3A_758] {strides = array<i32>} : memref<2048xf32, #tpu.memory_space<vmem>>, vector<16xf32>,
      %get3A_760 = vector.shape_cast %get3A_759 : vector<16xf32> to vector<16xf32>
      %sub3A_761 = arith.subf %get3A_757, %get3A_760 : vector<16xf32>
      %add3A_762 = arith.addf %add3A_750, %sub3A_761 : vector<16xf32>
      %exp3A_763 = math.exp %sub3A_761 : vector<16xf32>
      %add3A_764 = arith.addf %add3A_752, %exp3A_763 : vector<16xf32>
      %get3A_765 = arith.constant 4 : i32
      %get3A_766 = arith.index_cast %get3A_765 : i32 to index
      %get3A_767 = arith.constant 80 : index
      %get3A_768 = tpu.vector_load %arg7[%get3A_766, %get3A_767] {strides = array<i32>} : memref<16x128xf32, #tpu.memory_space<vmem>>, vector<1x16xf32>,
      %get3A_769 = vector.shape_cast %get3A_768 : vector<1x16xf32> to vector<16xf32>
      %get3A_770 = arith.constant 592 : index
      %get3A_771 = tpu.vector_load %arg8[%get3A_770] {strides = array<i32>} : memref<2048xf32, #tpu.memory_space<vmem>>, vector<16xf32>,
      %get3A_772 = vector.shape_cast %get3A_771 : vector<16xf32> to vector<16xf32>
      %sub3A_773 = arith.subf %get3A_769, %get3A_772 : vector<16xf32>
      %add3A_774 = arith.addf %add3A_762, %sub3A_773 : vector<16xf32>
      %exp3A_775 = math.exp %sub3A_773 : vector<16xf32>
      %add3A_776 = arith.addf %add3A_764, %exp3A_775 : vector<16xf32>
      %get3A_777 = arith.constant 4 : i32
      %get3A_778 = arith.index_cast %get3A_777 : i32 to index
      %get3A_779 = arith.constant 96 : index
      %get3A_780 = tpu.vector_load %arg7[%get3A_778, %get3A_779] {strides = array<i32>} : memref<16x128xf32, #tpu.memory_space<vmem>>, vector<1x16xf32>,
      %get3A_781 = vector.shape_cast %get3A_780 : vector<1x16xf32> to vector<16xf32>
      %get3A_782 = arith.constant 608 : index
      %get3A_783 = tpu.vector_load %arg8[%get3A_782] {strides = array<i32>} : memref<2048xf32, #tpu.memory_space<vmem>>, vector<16xf32>,
      %get3A_784 = vector.shape_cast %get3A_783 : vector<16xf32> to vector<16xf32>
      %sub3A_785 = arith.subf %get3A_781, %get3A_784 : vector<16xf32>
      %add3A_786 = arith.addf %add3A_774, %sub3A_785 : vector<16xf32>
      %exp3A_787 = math.exp %sub3A_785 : vector<16xf32>
      %add3A_788 = arith.addf %add3A_776, %exp3A_787 : vector<16xf32>
      %get3A_789 = arith.constant 4 : i32
      %get3A_790 = arith.index_cast %get3A_789 : i32 to index
      %get3A_791 = arith.constant 112 : index
      %get3A_792 = tpu.vector_load %arg7[%get3A_790, %get3A_791] {strides = array<i32>} : memref<16x128xf32, #tpu.memory_space<vmem>>, vector<1x16xf32>,
      %get3A_793 = vector.shape_cast %get3A_792 : vector<1x16xf32> to vector<16xf32>
      %get3A_794 = arith.constant 624 : index
      %get3A_795 = tpu.vector_load %arg8[%get3A_794] {strides = array<i32>} : memref<2048xf32, #tpu.memory_space<vmem>>, vector<16xf32>,
      %get3A_796 = vector.shape_cast %get3A_795 : vector<16xf32> to vector<16xf32>
      %sub3A_797 = arith.subf %get3A_793, %get3A_796 : vector<16xf32>
      %add3A_798 = arith.addf %add3A_786, %sub3A_797 : vector<16xf32>
      %exp3A_799 = math.exp %sub3A_797 : vector<16xf32>
      %add3A_800 = arith.addf %add3A_788, %exp3A_799 : vector<16xf32>
      %get3A_801 = arith.constant 5 : i32
      %get3A_802 = arith.index_cast %get3A_801 : i32 to index
      %get3A_803 = arith.constant 0 : index
      %get3A_804 = tpu.vector_load %arg7[%get3A_802, %get3A_803] {strides = array<i32>} : memref<16x128xf32, #tpu.memory_space<vmem>>, vector<1x16xf32>,
      %get3A_805 = vector.shape_cast %get3A_804 : vector<1x16xf32> to vector<16xf32>
      %get3A_806 = arith.constant 640 : index
      %get3A_807 = tpu.vector_load %arg8[%get3A_806] {strides = array<i32>} : memref<2048xf32, #tpu.memory_space<vmem>>, vector<16xf32>,
      %get3A_808 = vector.shape_cast %get3A_807 : vector<16xf32> to vector<16xf32>
      %sub3A_809 = arith.subf %get3A_805, %get3A_808 : vector<16xf32>
      %add3A_810 = arith.addf %add3A_798, %sub3A_809 : vector<16xf32>
      %exp3A_811 = math.exp %sub3A_809 : vector<16xf32>
      %add3A_812 = arith.addf %add3A_800, %exp3A_811 : vector<16xf32>
      %get3A_813 = arith.constant 5 : i32
      %get3A_814 = arith.index_cast %get3A_813 : i32 to index
      %get3A_815 = arith.constant 16 : index
      %get3A_816 = tpu.vector_load %arg7[%get3A_814, %get3A_815] {strides = array<i32>} : memref<16x128xf32, #tpu.memory_space<vmem>>, vector<1x16xf32>,
      %get3A_817 = vector.shape_cast %get3A_816 : vector<1x16xf32> to vector<16xf32>
      %get3A_818 = arith.constant 656 : index
      %get3A_819 = tpu.vector_load %arg8[%get3A_818] {strides = array<i32>} : memref<2048xf32, #tpu.memory_space<vmem>>, vector<16xf32>,
      %get3A_820 = vector.shape_cast %get3A_819 : vector<16xf32> to vector<16xf32>
      %sub3A_821 = arith.subf %get3A_817, %get3A_820 : vector<16xf32>
      %add3A_822 = arith.addf %add3A_810, %sub3A_821 : vector<16xf32>
      %exp3A_823 = math.exp %sub3A_821 : vector<16xf32>
      %add3A_824 = arith.addf %add3A_812, %exp3A_823 : vector<16xf32>
      %get3A_825 = arith.constant 5 : i32
      %get3A_826 = arith.index_cast %get3A_825 : i32 to index
      %get3A_827 = arith.constant 32 : index
      %get3A_828 = tpu.vector_load %arg7[%get3A_826, %get3A_827] {strides = array<i32>} : memref<16x128xf32, #tpu.memory_space<vmem>>, vector<1x16xf32>,
      %get3A_829 = vector.shape_cast %get3A_828 : vector<1x16xf32> to vector<16xf32>
      %get3A_830 = arith.constant 672 : index
      %get3A_831 = tpu.vector_load %arg8[%get3A_830] {strides = array<i32>} : memref<2048xf32, #tpu.memory_space<vmem>>, vector<16xf32>,
      %get3A_832 = vector.shape_cast %get3A_831 : vector<16xf32> to vector<16xf32>
      %sub3A_833 = arith.subf %get3A_829, %get3A_832 : vector<16xf32>
      %add3A_834 = arith.addf %add3A_822, %sub3A_833 : vector<16xf32>
      %exp3A_835 = math.exp %sub3A_833 : vector<16xf32>
      %add3A_836 = arith.addf %add3A_824, %exp3A_835 : vector<16xf32>
      %get3A_837 = arith.constant 5 : i32
      %get3A_838 = arith.index_cast %get3A_837 : i32 to index
      %get3A_839 = arith.constant 48 : index
      %get3A_840 = tpu.vector_load %arg7[%get3A_838, %get3A_839] {strides = array<i32>} : memref<16x128xf32, #tpu.memory_space<vmem>>, vector<1x16xf32>,
      %get3A_841 = vector.shape_cast %get3A_840 : vector<1x16xf32> to vector<16xf32>
      %get3A_842 = arith.constant 688 : index
      %get3A_843 = tpu.vector_load %arg8[%get3A_842] {strides = array<i32>} : memref<2048xf32, #tpu.memory_space<vmem>>, vector<16xf32>,
      %get3A_844 = vector.shape_cast %get3A_843 : vector<16xf32> to vector<16xf32>
      %sub3A_845 = arith.subf %get3A_841, %get3A_844 : vector<16xf32>
      %add3A_846 = arith.addf %add3A_834, %sub3A_845 : vector<16xf32>
      %exp3A_847 = math.exp %sub3A_845 : vector<16xf32>
      %add3A_848 = arith.addf %add3A_836, %exp3A_847 : vector<16xf32>
      %get3A_849 = arith.constant 5 : i32
      %get3A_850 = arith.index_cast %get3A_849 : i32 to index
      %get3A_851 = arith.constant 64 : index
      %get3A_852 = tpu.vector_load %arg7[%get3A_850, %get3A_851] {strides = array<i32>} : memref<16x128xf32, #tpu.memory_space<vmem>>, vector<1x16xf32>,
      %get3A_853 = vector.shape_cast %get3A_852 : vector<1x16xf32> to vector<16xf32>
      %get3A_854 = arith.constant 704 : index
      %get3A_855 = tpu.vector_load %arg8[%get3A_854] {strides = array<i32>} : memref<2048xf32, #tpu.memory_space<vmem>>, vector<16xf32>,
      %get3A_856 = vector.shape_cast %get3A_855 : vector<16xf32> to vector<16xf32>
      %sub3A_857 = arith.subf %get3A_853, %get3A_856 : vector<16xf32>
      %add3A_858 = arith.addf %add3A_846, %sub3A_857 : vector<16xf32>
      %exp3A_859 = math.exp %sub3A_857 : vector<16xf32>
      %add3A_860 = arith.addf %add3A_848, %exp3A_859 : vector<16xf32>
      %get3A_861 = arith.constant 5 : i32
      %get3A_862 = arith.index_cast %get3A_861 : i32 to index
      %get3A_863 = arith.constant 80 : index
      %get3A_864 = tpu.vector_load %arg7[%get3A_862, %get3A_863] {strides = array<i32>} : memref<16x128xf32, #tpu.memory_space<vmem>>, vector<1x16xf32>,
      %get3A_865 = vector.shape_cast %get3A_864 : vector<1x16xf32> to vector<16xf32>
      %get3A_866 = arith.constant 720 : index
      %get3A_867 = tpu.vector_load %arg8[%get3A_866] {strides = array<i32>} : memref<2048xf32, #tpu.memory_space<vmem>>, vector<16xf32>,
      %get3A_868 = vector.shape_cast %get3A_867 : vector<16xf32> to vector<16xf32>
      %sub3A_869 = arith.subf %get3A_865, %get3A_868 : vector<16xf32>
      %add3A_870 = arith.addf %add3A_858, %sub3A_869 : vector<16xf32>
      %exp3A_871 = math.exp %sub3A_869 : vector<16xf32>
      %add3A_872 = arith.addf %add3A_860, %exp3A_871 : vector<16xf32>
      %get3A_873 = arith.constant 5 : i32
      %get3A_874 = arith.index_cast %get3A_873 : i32 to index
      %get3A_875 = arith.constant 96 : index
      %get3A_876 = tpu.vector_load %arg7[%get3A_874, %get3A_875] {strides = array<i32>} : memref<16x128xf32, #tpu.memory_space<vmem>>, vector<1x16xf32>,
      %get3A_877 = vector.shape_cast %get3A_876 : vector<1x16xf32> to vector<16xf32>
      %get3A_878 = arith.constant 736 : index
      %get3A_879 = tpu.vector_load %arg8[%get3A_878] {strides = array<i32>} : memref<2048xf32, #tpu.memory_space<vmem>>, vector<16xf32>,
      %get3A_880 = vector.shape_cast %get3A_879 : vector<16xf32> to vector<16xf32>
      %sub3A_881 = arith.subf %get3A_877, %get3A_880 : vector<16xf32>
      %add3A_882 = arith.addf %add3A_870, %sub3A_881 : vector<16xf32>
      %exp3A_883 = math.exp %sub3A_881 : vector<16xf32>
      %add3A_884 = arith.addf %add3A_872, %exp3A_883 : vector<16xf32>
      %get3A_885 = arith.constant 5 : i32
      %get3A_886 = arith.index_cast %get3A_885 : i32 to index
      %get3A_887 = arith.constant 112 : index
      %get3A_888 = tpu.vector_load %arg7[%get3A_886, %get3A_887] {strides = array<i32>} : memref<16x128xf32, #tpu.memory_space<vmem>>, vector<1x16xf32>,
      %get3A_889 = vector.shape_cast %get3A_888 : vector<1x16xf32> to vector<16xf32>
      %get3A_890 = arith.constant 752 : index
      %get3A_891 = tpu.vector_load %arg8[%get3A_890] {strides = array<i32>} : memref<2048xf32, #tpu.memory_space<vmem>>, vector<16xf32>,
      %get3A_892 = vector.shape_cast %get3A_891 : vector<16xf32> to vector<16xf32>
      %sub3A_893 = arith.subf %get3A_889, %get3A_892 : vector<16xf32>
      %add3A_894 = arith.addf %add3A_882, %sub3A_893 : vector<16xf32>
      %exp3A_895 = math.exp %sub3A_893 : vector<16xf32>
      %add3A_896 = arith.addf %add3A_884, %exp3A_895 : vector<16xf32>
      %get3A_897 = arith.constant 6 : i32
      %get3A_898 = arith.index_cast %get3A_897 : i32 to index
      %get3A_899 = arith.constant 0 : index
      %get3A_900 = tpu.vector_load %arg7[%get3A_898, %get3A_899] {strides = array<i32>} : memref<16x128xf32, #tpu.memory_space<vmem>>, vector<1x16xf32>,
      %get3A_901 = vector.shape_cast %get3A_900 : vector<1x16xf32> to vector<16xf32>
      %get3A_902 = arith.constant 768 : index
      %get3A_903 = tpu.vector_load %arg8[%get3A_902] {strides = array<i32>} : memref<2048xf32, #tpu.memory_space<vmem>>, vector<16xf32>,
      %get3A_904 = vector.shape_cast %get3A_903 : vector<16xf32> to vector<16xf32>
      %sub3A_905 = arith.subf %get3A_901, %get3A_904 : vector<16xf32>
      %add3A_906 = arith.addf %add3A_894, %sub3A_905 : vector<16xf32>
      %exp3A_907 = math.exp %sub3A_905 : vector<16xf32>
      %add3A_908 = arith.addf %add3A_896, %exp3A_907 : vector<16xf32>
      %get3A_909 = arith.constant 6 : i32
      %get3A_910 = arith.index_cast %get3A_909 : i32 to index
      %get3A_911 = arith.constant 16 : index
      %get3A_912 = tpu.vector_load %arg7[%get3A_910, %get3A_911] {strides = array<i32>} : memref<16x128xf32, #tpu.memory_space<vmem>>, vector<1x16xf32>,
      %get3A_913 = vector.shape_cast %get3A_912 : vector<1x16xf32> to vector<16xf32>
      %get3A_914 = arith.constant 784 : index
      %get3A_915 = tpu.vector_load %arg8[%get3A_914] {strides = array<i32>} : memref<2048xf32, #tpu.memory_space<vmem>>, vector<16xf32>,
      %get3A_916 = vector.shape_cast %get3A_915 : vector<16xf32> to vector<16xf32>
      %sub3A_917 = arith.subf %get3A_913, %get3A_916 : vector<16xf32>
      %add3A_918 = arith.addf %add3A_906, %sub3A_917 : vector<16xf32>
      %exp3A_919 = math.exp %sub3A_917 : vector<16xf32>
      %add3A_920 = arith.addf %add3A_908, %exp3A_919 : vector<16xf32>
      %get3A_921 = arith.constant 6 : i32
      %get3A_922 = arith.index_cast %get3A_921 : i32 to index
      %get3A_923 = arith.constant 32 : index
      %get3A_924 = tpu.vector_load %arg7[%get3A_922, %get3A_923] {strides = array<i32>} : memref<16x128xf32, #tpu.memory_space<vmem>>, vector<1x16xf32>,
      %get3A_925 = vector.shape_cast %get3A_924 : vector<1x16xf32> to vector<16xf32>
      %get3A_926 = arith.constant 800 : index
      %get3A_927 = tpu.vector_load %arg8[%get3A_926] {strides = array<i32>} : memref<2048xf32, #tpu.memory_space<vmem>>, vector<16xf32>,
      %get3A_928 = vector.shape_cast %get3A_927 : vector<16xf32> to vector<16xf32>
      %sub3A_929 = arith.subf %get3A_925, %get3A_928 : vector<16xf32>
      %add3A_930 = arith.addf %add3A_918, %sub3A_929 : vector<16xf32>
      %exp3A_931 = math.exp %sub3A_929 : vector<16xf32>
      %add3A_932 = arith.addf %add3A_920, %exp3A_931 : vector<16xf32>
      %get3A_933 = arith.constant 6 : i32
      %get3A_934 = arith.index_cast %get3A_933 : i32 to index
      %get3A_935 = arith.constant 48 : index
      %get3A_936 = tpu.vector_load %arg7[%get3A_934, %get3A_935] {strides = array<i32>} : memref<16x128xf32, #tpu.memory_space<vmem>>, vector<1x16xf32>,
      %get3A_937 = vector.shape_cast %get3A_936 : vector<1x16xf32> to vector<16xf32>
      %get3A_938 = arith.constant 816 : index
      %get3A_939 = tpu.vector_load %arg8[%get3A_938] {strides = array<i32>} : memref<2048xf32, #tpu.memory_space<vmem>>, vector<16xf32>,
      %get3A_940 = vector.shape_cast %get3A_939 : vector<16xf32> to vector<16xf32>
      %sub3A_941 = arith.subf %get3A_937, %get3A_940 : vector<16xf32>
      %add3A_942 = arith.addf %add3A_930, %sub3A_941 : vector<16xf32>
      %exp3A_943 = math.exp %sub3A_941 : vector<16xf32>
      %add3A_944 = arith.addf %add3A_932, %exp3A_943 : vector<16xf32>
      %get3A_945 = arith.constant 6 : i32
      %get3A_946 = arith.index_cast %get3A_945 : i32 to index
      %get3A_947 = arith.constant 64 : index
      %get3A_948 = tpu.vector_load %arg7[%get3A_946, %get3A_947] {strides = array<i32>} : memref<16x128xf32, #tpu.memory_space<vmem>>, vector<1x16xf32>,
      %get3A_949 = vector.shape_cast %get3A_948 : vector<1x16xf32> to vector<16xf32>
      %get3A_950 = arith.constant 832 : index
      %get3A_951 = tpu.vector_load %arg8[%get3A_950] {strides = array<i32>} : memref<2048xf32, #tpu.memory_space<vmem>>, vector<16xf32>,
      %get3A_952 = vector.shape_cast %get3A_951 : vector<16xf32> to vector<16xf32>
      %sub3A_953 = arith.subf %get3A_949, %get3A_952 : vector<16xf32>
      %add3A_954 = arith.addf %add3A_942, %sub3A_953 : vector<16xf32>
      %exp3A_955 = math.exp %sub3A_953 : vector<16xf32>
      %add3A_956 = arith.addf %add3A_944, %exp3A_955 : vector<16xf32>
      %get3A_957 = arith.constant 6 : i32
      %get3A_958 = arith.index_cast %get3A_957 : i32 to index
      %get3A_959 = arith.constant 80 : index
      %get3A_960 = tpu.vector_load %arg7[%get3A_958, %get3A_959] {strides = array<i32>} : memref<16x128xf32, #tpu.memory_space<vmem>>, vector<1x16xf32>,
      %get3A_961 = vector.shape_cast %get3A_960 : vector<1x16xf32> to vector<16xf32>
      %get3A_962 = arith.constant 848 : index
      %get3A_963 = tpu.vector_load %arg8[%get3A_962] {strides = array<i32>} : memref<2048xf32, #tpu.memory_space<vmem>>, vector<16xf32>,
      %get3A_964 = vector.shape_cast %get3A_963 : vector<16xf32> to vector<16xf32>
      %sub3A_965 = arith.subf %get3A_961, %get3A_964 : vector<16xf32>
      %add3A_966 = arith.addf %add3A_954, %sub3A_965 : vector<16xf32>
      %exp3A_967 = math.exp %sub3A_965 : vector<16xf32>
      %add3A_968 = arith.addf %add3A_956, %exp3A_967 : vector<16xf32>
      %get3A_969 = arith.constant 6 : i32
      %get3A_970 = arith.index_cast %get3A_969 : i32 to index
      %get3A_971 = arith.constant 96 : index
      %get3A_972 = tpu.vector_load %arg7[%get3A_970, %get3A_971] {strides = array<i32>} : memref<16x128xf32, #tpu.memory_space<vmem>>, vector<1x16xf32>,
      %get3A_973 = vector.shape_cast %get3A_972 : vector<1x16xf32> to vector<16xf32>
      %get3A_974 = arith.constant 864 : index
      %get3A_975 = tpu.vector_load %arg8[%get3A_974] {strides = array<i32>} : memref<2048xf32, #tpu.memory_space<vmem>>, vector<16xf32>,
      %get3A_976 = vector.shape_cast %get3A_975 : vector<16xf32> to vector<16xf32>
      %sub3A_977 = arith.subf %get3A_973, %get3A_976 : vector<16xf32>
      %add3A_978 = arith.addf %add3A_966, %sub3A_977 : vector<16xf32>
      %exp3A_979 = math.exp %sub3A_977 : vector<16xf32>
      %add3A_980 = arith.addf %add3A_968, %exp3A_979 : vector<16xf32>
      %get3A_981 = arith.constant 6 : i32
      %get3A_982 = arith.index_cast %get3A_981 : i32 to index
      %get3A_983 = arith.constant 112 : index
      %get3A_984 = tpu.vector_load %arg7[%get3A_982, %get3A_983] {strides = array<i32>} : memref<16x128xf32, #tpu.memory_space<vmem>>, vector<1x16xf32>,
      %get3A_985 = vector.shape_cast %get3A_984 : vector<1x16xf32> to vector<16xf32>
      %get3A_986 = arith.constant 880 : index
      %get3A_987 = tpu.vector_load %arg8[%get3A_986] {strides = array<i32>} : memref<2048xf32, #tpu.memory_space<vmem>>, vector<16xf32>,
      %get3A_988 = vector.shape_cast %get3A_987 : vector<16xf32> to vector<16xf32>
      %sub3A_989 = arith.subf %get3A_985, %get3A_988 : vector<16xf32>
      %add3A_990 = arith.addf %add3A_978, %sub3A_989 : vector<16xf32>
      %exp3A_991 = math.exp %sub3A_989 : vector<16xf32>
      %add3A_992 = arith.addf %add3A_980, %exp3A_991 : vector<16xf32>
      %get3A_993 = arith.constant 7 : i32
      %get3A_994 = arith.index_cast %get3A_993 : i32 to index
      %get3A_995 = arith.constant 0 : index
      %get3A_996 = tpu.vector_load %arg7[%get3A_994, %get3A_995] {strides = array<i32>} : memref<16x128xf32, #tpu.memory_space<vmem>>, vector<1x16xf32>,
      %get3A_997 = vector.shape_cast %get3A_996 : vector<1x16xf32> to vector<16xf32>
      %get3A_998 = arith.constant 896 : index
      %get3A_999 = tpu.vector_load %arg8[%get3A_998] {strides = array<i32>} : memref<2048xf32, #tpu.memory_space<vmem>>, vector<16xf32>,
      %get3A_1000 = vector.shape_cast %get3A_999 : vector<16xf32> to vector<16xf32>
      %sub3A_1001 = arith.subf %get3A_997, %get3A_1000 : vector<16xf32>
      %add3A_1002 = arith.addf %add3A_990, %sub3A_1001 : vector<16xf32>
      %exp3A_1003 = math.exp %sub3A_1001 : vector<16xf32>
      %add3A_1004 = arith.addf %add3A_992, %exp3A_1003 : vector<16xf32>
      %get3A_1005 = arith.constant 7 : i32
      %get3A_1006 = arith.index_cast %get3A_1005 : i32 to index
      %get3A_1007 = arith.constant 16 : index
      %get3A_1008 = tpu.vector_load %arg7[%get3A_1006, %get3A_1007] {strides = array<i32>} : memref<16x128xf32, #tpu.memory_space<vmem>>, vector<1x16xf32>,
      %get3A_1009 = vector.shape_cast %get3A_1008 : vector<1x16xf32> to vector<16xf32>
      %get3A_1010 = arith.constant 912 : index
      %get3A_1011 = tpu.vector_load %arg8[%get3A_1010] {strides = array<i32>} : memref<2048xf32, #tpu.memory_space<vmem>>, vector<16xf32>,
      %get3A_1012 = vector.shape_cast %get3A_1011 : vector<16xf32> to vector<16xf32>
      %sub3A_1013 = arith.subf %get3A_1009, %get3A_1012 : vector<16xf32>
      %add3A_1014 = arith.addf %add3A_1002, %sub3A_1013 : vector<16xf32>
      %exp3A_1015 = math.exp %sub3A_1013 : vector<16xf32>
      %add3A_1016 = arith.addf %add3A_1004, %exp3A_1015 : vector<16xf32>
      %get3A_1017 = arith.constant 7 : i32
      %get3A_1018 = arith.index_cast %get3A_1017 : i32 to index
      %get3A_1019 = arith.constant 32 : index
      %get3A_1020 = tpu.vector_load %arg7[%get3A_1018, %get3A_1019] {strides = array<i32>} : memref<16x128xf32, #tpu.memory_space<vmem>>, vector<1x16xf32>,
      %get3A_1021 = vector.shape_cast %get3A_1020 : vector<1x16xf32> to vector<16xf32>
      %get3A_1022 = arith.constant 928 : index
      %get3A_1023 = tpu.vector_load %arg8[%get3A_1022] {strides = array<i32>} : memref<2048xf32, #tpu.memory_space<vmem>>, vector<16xf32>,
      %get3A_1024 = vector.shape_cast %get3A_1023 : vector<16xf32> to vector<16xf32>
      %sub3A_1025 = arith.subf %get3A_1021, %get3A_1024 : vector<16xf32>
      %add3A_1026 = arith.addf %add3A_1014, %sub3A_1025 : vector<16xf32>
      %exp3A_1027 = math.exp %sub3A_1025 : vector<16xf32>
      %add3A_1028 = arith.addf %add3A_1016, %exp3A_1027 : vector<16xf32>
      %get3A_1029 = arith.constant 7 : i32
      %get3A_1030 = arith.index_cast %get3A_1029 : i32 to index
      %get3A_1031 = arith.constant 48 : index
      %get3A_1032 = tpu.vector_load %arg7[%get3A_1030, %get3A_1031] {strides = array<i32>} : memref<16x128xf32, #tpu.memory_space<vmem>>, vector<1x16xf32>,
      %get3A_1033 = vector.shape_cast %get3A_1032 : vector<1x16xf32> to vector<16xf32>
      %get3A_1034 = arith.constant 944 : index
      %get3A_1035 = tpu.vector_load %arg8[%get3A_1034] {strides = array<i32>} : memref<2048xf32, #tpu.memory_space<vmem>>, vector<16xf32>,
      %get3A_1036 = vector.shape_cast %get3A_1035 : vector<16xf32> to vector<16xf32>
      %sub3A_1037 = arith.subf %get3A_1033, %get3A_1036 : vector<16xf32>
      %add3A_1038 = arith.addf %add3A_1026, %sub3A_1037 : vector<16xf32>
      %exp3A_1039 = math.exp %sub3A_1037 : vector<16xf32>
      %add3A_1040 = arith.addf %add3A_1028, %exp3A_1039 : vector<16xf32>
      %get3A_1041 = arith.constant 7 : i32
      %get3A_1042 = arith.index_cast %get3A_1041 : i32 to index
      %get3A_1043 = arith.constant 64 : index
      %get3A_1044 = tpu.vector_load %arg7[%get3A_1042, %get3A_1043] {strides = array<i32>} : memref<16x128xf32, #tpu.memory_space<vmem>>, vector<1x16xf32>,
      %get3A_1045 = vector.shape_cast %get3A_1044 : vector<1x16xf32> to vector<16xf32>
      %get3A_1046 = arith.constant 960 : index
      %get3A_1047 = tpu.vector_load %arg8[%get3A_1046] {strides = array<i32>} : memref<2048xf32, #tpu.memory_space<vmem>>, vector<16xf32>,
      %get3A_1048 = vector.shape_cast %get3A_1047 : vector<16xf32> to vector<16xf32>
      %sub3A_1049 = arith.subf %get3A_1045, %get3A_1048 : vector<16xf32>
      %add3A_1050 = arith.addf %add3A_1038, %sub3A_1049 : vector<16xf32>
      %exp3A_1051 = math.exp %sub3A_1049 : vector<16xf32>
      %add3A_1052 = arith.addf %add3A_1040, %exp3A_1051 : vector<16xf32>
      %get3A_1053 = arith.constant 7 : i32
      %get3A_1054 = arith.index_cast %get3A_1053 : i32 to index
      %get3A_1055 = arith.constant 80 : index
      %get3A_1056 = tpu.vector_load %arg7[%get3A_1054, %get3A_1055] {strides = array<i32>} : memref<16x128xf32, #tpu.memory_space<vmem>>, vector<1x16xf32>,
      %get3A_1057 = vector.shape_cast %get3A_1056 : vector<1x16xf32> to vector<16xf32>
      %get3A_1058 = arith.constant 976 : index
      %get3A_1059 = tpu.vector_load %arg8[%get3A_1058] {strides = array<i32>} : memref<2048xf32, #tpu.memory_space<vmem>>, vector<16xf32>,
      %get3A_1060 = vector.shape_cast %get3A_1059 : vector<16xf32> to vector<16xf32>
      %sub3A_1061 = arith.subf %get3A_1057, %get3A_1060 : vector<16xf32>
      %add3A_1062 = arith.addf %add3A_1050, %sub3A_1061 : vector<16xf32>
      %exp3A_1063 = math.exp %sub3A_1061 : vector<16xf32>
      %add3A_1064 = arith.addf %add3A_1052, %exp3A_1063 : vector<16xf32>
      %get3A_1065 = arith.constant 7 : i32
      %get3A_1066 = arith.index_cast %get3A_1065 : i32 to index
      %get3A_1067 = arith.constant 96 : index
      %get3A_1068 = tpu.vector_load %arg7[%get3A_1066, %get3A_1067] {strides = array<i32>} : memref<16x128xf32, #tpu.memory_space<vmem>>, vector<1x16xf32>,
      %get3A_1069 = vector.shape_cast %get3A_1068 : vector<1x16xf32> to vector<16xf32>
      %get3A_1070 = arith.constant 992 : index
      %get3A_1071 = tpu.vector_load %arg8[%get3A_1070] {strides = array<i32>} : memref<2048xf32, #tpu.memory_space<vmem>>, vector<16xf32>,
      %get3A_1072 = vector.shape_cast %get3A_1071 : vector<16xf32> to vector<16xf32>
      %sub3A_1073 = arith.subf %get3A_1069, %get3A_1072 : vector<16xf32>
      %add3A_1074 = arith.addf %add3A_1062, %sub3A_1073 : vector<16xf32>
      %exp3A_1075 = math.exp %sub3A_1073 : vector<16xf32>
      %add3A_1076 = arith.addf %add3A_1064, %exp3A_1075 : vector<16xf32>
      %get3A_1077 = arith.constant 7 : i32
      %get3A_1078 = arith.index_cast %get3A_1077 : i32 to index
      %get3A_1079 = arith.constant 112 : index
      %get3A_1080 = tpu.vector_load %arg7[%get3A_1078, %get3A_1079] {strides = array<i32>} : memref<16x128xf32, #tpu.memory_space<vmem>>, vector<1x16xf32>,
      %get3A_1081 = vector.shape_cast %get3A_1080 : vector<1x16xf32> to vector<16xf32>
      %get3A_1082 = arith.constant 1008 : index
      %get3A_1083 = tpu.vector_load %arg8[%get3A_1082] {strides = array<i32>} : memref<2048xf32, #tpu.memory_space<vmem>>, vector<16xf32>,
      %get3A_1084 = vector.shape_cast %get3A_1083 : vector<16xf32> to vector<16xf32>
      %sub3A_1085 = arith.subf %get3A_1081, %get3A_1084 : vector<16xf32>
      %add3A_1086 = arith.addf %add3A_1074, %sub3A_1085 : vector<16xf32>
      %exp3A_1087 = math.exp %sub3A_1085 : vector<16xf32>
      %add3A_1088 = arith.addf %add3A_1076, %exp3A_1087 : vector<16xf32>
      %get3A_1089 = arith.constant 8 : i32
      %get3A_1090 = arith.index_cast %get3A_1089 : i32 to index
      %get3A_1091 = arith.constant 0 : index
      %get3A_1092 = tpu.vector_load %arg7[%get3A_1090, %get3A_1091] {strides = array<i32>} : memref<16x128xf32, #tpu.memory_space<vmem>>, vector<1x16xf32>,
      %get3A_1093 = vector.shape_cast %get3A_1092 : vector<1x16xf32> to vector<16xf32>
      %get3A_1094 = arith.constant 1024 : index
      %get3A_1095 = tpu.vector_load %arg8[%get3A_1094] {strides = array<i32>} : memref<2048xf32, #tpu.memory_space<vmem>>, vector<16xf32>,
      %get3A_1096 = vector.shape_cast %get3A_1095 : vector<16xf32> to vector<16xf32>
      %sub3A_1097 = arith.subf %get3A_1093, %get3A_1096 : vector<16xf32>
      %add3A_1098 = arith.addf %add3A_1086, %sub3A_1097 : vector<16xf32>
      %exp3A_1099 = math.exp %sub3A_1097 : vector<16xf32>
      %add3A_1100 = arith.addf %add3A_1088, %exp3A_1099 : vector<16xf32>
      %get3A_1101 = arith.constant 8 : i32
      %get3A_1102 = arith.index_cast %get3A_1101 : i32 to index
      %get3A_1103 = arith.constant 16 : index
      %get3A_1104 = tpu.vector_load %arg7[%get3A_1102, %get3A_1103] {strides = array<i32>} : memref<16x128xf32, #tpu.memory_space<vmem>>, vector<1x16xf32>,
      %get3A_1105 = vector.shape_cast %get3A_1104 : vector<1x16xf32> to vector<16xf32>
      %get3A_1106 = arith.constant 1040 : index
      %get3A_1107 = tpu.vector_load %arg8[%get3A_1106] {strides = array<i32>} : memref<2048xf32, #tpu.memory_space<vmem>>, vector<16xf32>,
      %get3A_1108 = vector.shape_cast %get3A_1107 : vector<16xf32> to vector<16xf32>
      %sub3A_1109 = arith.subf %get3A_1105, %get3A_1108 : vector<16xf32>
      %add3A_1110 = arith.addf %add3A_1098, %sub3A_1109 : vector<16xf32>
      %exp3A_1111 = math.exp %sub3A_1109 : vector<16xf32>
      %add3A_1112 = arith.addf %add3A_1100, %exp3A_1111 : vector<16xf32>
      %get3A_1113 = arith.constant 8 : i32
      %get3A_1114 = arith.index_cast %get3A_1113 : i32 to index
      %get3A_1115 = arith.constant 32 : index
      %get3A_1116 = tpu.vector_load %arg7[%get3A_1114, %get3A_1115] {strides = array<i32>} : memref<16x128xf32, #tpu.memory_space<vmem>>, vector<1x16xf32>,
      %get3A_1117 = vector.shape_cast %get3A_1116 : vector<1x16xf32> to vector<16xf32>
      %get3A_1118 = arith.constant 1056 : index
      %get3A_1119 = tpu.vector_load %arg8[%get3A_1118] {strides = array<i32>} : memref<2048xf32, #tpu.memory_space<vmem>>, vector<16xf32>,
      %get3A_1120 = vector.shape_cast %get3A_1119 : vector<16xf32> to vector<16xf32>
      %sub3A_1121 = arith.subf %get3A_1117, %get3A_1120 : vector<16xf32>
      %add3A_1122 = arith.addf %add3A_1110, %sub3A_1121 : vector<16xf32>
      %exp3A_1123 = math.exp %sub3A_1121 : vector<16xf32>
      %add3A_1124 = arith.addf %add3A_1112, %exp3A_1123 : vector<16xf32>
      %get3A_1125 = arith.constant 8 : i32
      %get3A_1126 = arith.index_cast %get3A_1125 : i32 to index
      %get3A_1127 = arith.constant 48 : index
      %get3A_1128 = tpu.vector_load %arg7[%get3A_1126, %get3A_1127] {strides = array<i32>} : memref<16x128xf32, #tpu.memory_space<vmem>>, vector<1x16xf32>,
      %get3A_1129 = vector.shape_cast %get3A_1128 : vector<1x16xf32> to vector<16xf32>
      %get3A_1130 = arith.constant 1072 : index
      %get3A_1131 = tpu.vector_load %arg8[%get3A_1130] {strides = array<i32>} : memref<2048xf32, #tpu.memory_space<vmem>>, vector<16xf32>,
      %get3A_1132 = vector.shape_cast %get3A_1131 : vector<16xf32> to vector<16xf32>
      %sub3A_1133 = arith.subf %get3A_1129, %get3A_1132 : vector<16xf32>
      %add3A_1134 = arith.addf %add3A_1122, %sub3A_1133 : vector<16xf32>
      %exp3A_1135 = math.exp %sub3A_1133 : vector<16xf32>
      %add3A_1136 = arith.addf %add3A_1124, %exp3A_1135 : vector<16xf32>
      %get3A_1137 = arith.constant 8 : i32
      %get3A_1138 = arith.index_cast %get3A_1137 : i32 to index
      %get3A_1139 = arith.constant 64 : index
      %get3A_1140 = tpu.vector_load %arg7[%get3A_1138, %get3A_1139] {strides = array<i32>} : memref<16x128xf32, #tpu.memory_space<vmem>>, vector<1x16xf32>,
      %get3A_1141 = vector.shape_cast %get3A_1140 : vector<1x16xf32> to vector<16xf32>
      %get3A_1142 = arith.constant 1088 : index
      %get3A_1143 = tpu.vector_load %arg8[%get3A_1142] {strides = array<i32>} : memref<2048xf32, #tpu.memory_space<vmem>>, vector<16xf32>,
      %get3A_1144 = vector.shape_cast %get3A_1143 : vector<16xf32> to vector<16xf32>
      %sub3A_1145 = arith.subf %get3A_1141, %get3A_1144 : vector<16xf32>
      %add3A_1146 = arith.addf %add3A_1134, %sub3A_1145 : vector<16xf32>
      %exp3A_1147 = math.exp %sub3A_1145 : vector<16xf32>
      %add3A_1148 = arith.addf %add3A_1136, %exp3A_1147 : vector<16xf32>
      %get3A_1149 = arith.constant 8 : i32
      %get3A_1150 = arith.index_cast %get3A_1149 : i32 to index
      %get3A_1151 = arith.constant 80 : index
      %get3A_1152 = tpu.vector_load %arg7[%get3A_1150, %get3A_1151] {strides = array<i32>} : memref<16x128xf32, #tpu.memory_space<vmem>>, vector<1x16xf32>,
      %get3A_1153 = vector.shape_cast %get3A_1152 : vector<1x16xf32> to vector<16xf32>
      %get3A_1154 = arith.constant 1104 : index
      %get3A_1155 = tpu.vector_load %arg8[%get3A_1154] {strides = array<i32>} : memref<2048xf32, #tpu.memory_space<vmem>>, vector<16xf32>,
      %get3A_1156 = vector.shape_cast %get3A_1155 : vector<16xf32> to vector<16xf32>
      %sub3A_1157 = arith.subf %get3A_1153, %get3A_1156 : vector<16xf32>
      %add3A_1158 = arith.addf %add3A_1146, %sub3A_1157 : vector<16xf32>
      %exp3A_1159 = math.exp %sub3A_1157 : vector<16xf32>
      %add3A_1160 = arith.addf %add3A_1148, %exp3A_1159 : vector<16xf32>
      %get3A_1161 = arith.constant 8 : i32
      %get3A_1162 = arith.index_cast %get3A_1161 : i32 to index
      %get3A_1163 = arith.constant 96 : index
      %get3A_1164 = tpu.vector_load %arg7[%get3A_1162, %get3A_1163] {strides = array<i32>} : memref<16x128xf32, #tpu.memory_space<vmem>>, vector<1x16xf32>,
      %get3A_1165 = vector.shape_cast %get3A_1164 : vector<1x16xf32> to vector<16xf32>
      %get3A_1166 = arith.constant 1120 : index
      %get3A_1167 = tpu.vector_load %arg8[%get3A_1166] {strides = array<i32>} : memref<2048xf32, #tpu.memory_space<vmem>>, vector<16xf32>,
      %get3A_1168 = vector.shape_cast %get3A_1167 : vector<16xf32> to vector<16xf32>
      %sub3A_1169 = arith.subf %get3A_1165, %get3A_1168 : vector<16xf32>
      %add3A_1170 = arith.addf %add3A_1158, %sub3A_1169 : vector<16xf32>
      %exp3A_1171 = math.exp %sub3A_1169 : vector<16xf32>
      %add3A_1172 = arith.addf %add3A_1160, %exp3A_1171 : vector<16xf32>
      %get3A_1173 = arith.constant 8 : i32
      %get3A_1174 = arith.index_cast %get3A_1173 : i32 to index
      %get3A_1175 = arith.constant 112 : index
      %get3A_1176 = tpu.vector_load %arg7[%get3A_1174, %get3A_1175] {strides = array<i32>} : memref<16x128xf32, #tpu.memory_space<vmem>>, vector<1x16xf32>,
      %get3A_1177 = vector.shape_cast %get3A_1176 : vector<1x16xf32> to vector<16xf32>
      %get3A_1178 = arith.constant 1136 : index
      %get3A_1179 = tpu.vector_load %arg8[%get3A_1178] {strides = array<i32>} : memref<2048xf32, #tpu.memory_space<vmem>>, vector<16xf32>,
      %get3A_1180 = vector.shape_cast %get3A_1179 : vector<16xf32> to vector<16xf32>
      %sub3A_1181 = arith.subf %get3A_1177, %get3A_1180 : vector<16xf32>
      %add3A_1182 = arith.addf %add3A_1170, %sub3A_1181 : vector<16xf32>
      %exp3A_1183 = math.exp %sub3A_1181 : vector<16xf32>
      %add3A_1184 = arith.addf %add3A_1172, %exp3A_1183 : vector<16xf32>
      %get3A_1185 = arith.constant 9 : i32
      %get3A_1186 = arith.index_cast %get3A_1185 : i32 to index
      %get3A_1187 = arith.constant 0 : index
      %get3A_1188 = tpu.vector_load %arg7[%get3A_1186, %get3A_1187] {strides = array<i32>} : memref<16x128xf32, #tpu.memory_space<vmem>>, vector<1x16xf32>,
      %get3A_1189 = vector.shape_cast %get3A_1188 : vector<1x16xf32> to vector<16xf32>
      %get3A_1190 = arith.constant 1152 : index
      %get3A_1191 = tpu.vector_load %arg8[%get3A_1190] {strides = array<i32>} : memref<2048xf32, #tpu.memory_space<vmem>>, vector<16xf32>,
      %get3A_1192 = vector.shape_cast %get3A_1191 : vector<16xf32> to vector<16xf32>
      %sub3A_1193 = arith.subf %get3A_1189, %get3A_1192 : vector<16xf32>
      %add3A_1194 = arith.addf %add3A_1182, %sub3A_1193 : vector<16xf32>
      %exp3A_1195 = math.exp %sub3A_1193 : vector<16xf32>
      %add3A_1196 = arith.addf %add3A_1184, %exp3A_1195 : vector<16xf32>
      %get3A_1197 = arith.constant 9 : i32
      %get3A_1198 = arith.index_cast %get3A_1197 : i32 to index
      %get3A_1199 = arith.constant 16 : index
      %get3A_1200 = tpu.vector_load %arg7[%get3A_1198, %get3A_1199] {strides = array<i32>} : memref<16x128xf32, #tpu.memory_space<vmem>>, vector<1x16xf32>,
      %get3A_1201 = vector.shape_cast %get3A_1200 : vector<1x16xf32> to vector<16xf32>
      %get3A_1202 = arith.constant 1168 : index
      %get3A_1203 = tpu.vector_load %arg8[%get3A_1202] {strides = array<i32>} : memref<2048xf32, #tpu.memory_space<vmem>>, vector<16xf32>,
      %get3A_1204 = vector.shape_cast %get3A_1203 : vector<16xf32> to vector<16xf32>
      %sub3A_1205 = arith.subf %get3A_1201, %get3A_1204 : vector<16xf32>
      %add3A_1206 = arith.addf %add3A_1194, %sub3A_1205 : vector<16xf32>
      %exp3A_1207 = math.exp %sub3A_1205 : vector<16xf32>
      %add3A_1208 = arith.addf %add3A_1196, %exp3A_1207 : vector<16xf32>
      %get3A_1209 = arith.constant 9 : i32
      %get3A_1210 = arith.index_cast %get3A_1209 : i32 to index
      %get3A_1211 = arith.constant 32 : index
      %get3A_1212 = tpu.vector_load %arg7[%get3A_1210, %get3A_1211] {strides = array<i32>} : memref<16x128xf32, #tpu.memory_space<vmem>>, vector<1x16xf32>,
      %get3A_1213 = vector.shape_cast %get3A_1212 : vector<1x16xf32> to vector<16xf32>
      %get3A_1214 = arith.constant 1184 : index
      %get3A_1215 = tpu.vector_load %arg8[%get3A_1214] {strides = array<i32>} : memref<2048xf32, #tpu.memory_space<vmem>>, vector<16xf32>,
      %get3A_1216 = vector.shape_cast %get3A_1215 : vector<16xf32> to vector<16xf32>
      %sub3A_1217 = arith.subf %get3A_1213, %get3A_1216 : vector<16xf32>
      %add3A_1218 = arith.addf %add3A_1206, %sub3A_1217 : vector<16xf32>
      %exp3A_1219 = math.exp %sub3A_1217 : vector<16xf32>
      %add3A_1220 = arith.addf %add3A_1208, %exp3A_1219 : vector<16xf32>
      %get3A_1221 = arith.constant 9 : i32
      %get3A_1222 = arith.index_cast %get3A_1221 : i32 to index
      %get3A_1223 = arith.constant 48 : index
      %get3A_1224 = tpu.vector_load %arg7[%get3A_1222, %get3A_1223] {strides = array<i32>} : memref<16x128xf32, #tpu.memory_space<vmem>>, vector<1x16xf32>,
      %get3A_1225 = vector.shape_cast %get3A_1224 : vector<1x16xf32> to vector<16xf32>
      %get3A_1226 = arith.constant 1200 : index
      %get3A_1227 = tpu.vector_load %arg8[%get3A_1226] {strides = array<i32>} : memref<2048xf32, #tpu.memory_space<vmem>>, vector<16xf32>,
      %get3A_1228 = vector.shape_cast %get3A_1227 : vector<16xf32> to vector<16xf32>
      %sub3A_1229 = arith.subf %get3A_1225, %get3A_1228 : vector<16xf32>
      %add3A_1230 = arith.addf %add3A_1218, %sub3A_1229 : vector<16xf32>
      %exp3A_1231 = math.exp %sub3A_1229 : vector<16xf32>
      %add3A_1232 = arith.addf %add3A_1220, %exp3A_1231 : vector<16xf32>
      %get3A_1233 = arith.constant 9 : i32
      %get3A_1234 = arith.index_cast %get3A_1233 : i32 to index
      %get3A_1235 = arith.constant 64 : index
      %get3A_1236 = tpu.vector_load %arg7[%get3A_1234, %get3A_1235] {strides = array<i32>} : memref<16x128xf32, #tpu.memory_space<vmem>>, vector<1x16xf32>,
      %get3A_1237 = vector.shape_cast %get3A_1236 : vector<1x16xf32> to vector<16xf32>
      %get3A_1238 = arith.constant 1216 : index
      %get3A_1239 = tpu.vector_load %arg8[%get3A_1238] {strides = array<i32>} : memref<2048xf32, #tpu.memory_space<vmem>>, vector<16xf32>,
      %get3A_1240 = vector.shape_cast %get3A_1239 : vector<16xf32> to vector<16xf32>
      %sub3A_1241 = arith.subf %get3A_1237, %get3A_1240 : vector<16xf32>
      %add3A_1242 = arith.addf %add3A_1230, %sub3A_1241 : vector<16xf32>
      %exp3A_1243 = math.exp %sub3A_1241 : vector<16xf32>
      %add3A_1244 = arith.addf %add3A_1232, %exp3A_1243 : vector<16xf32>
      %get3A_1245 = arith.constant 9 : i32
      %get3A_1246 = arith.index_cast %get3A_1245 : i32 to index
      %get3A_1247 = arith.constant 80 : index
      %get3A_1248 = tpu.vector_load %arg7[%get3A_1246, %get3A_1247] {strides = array<i32>} : memref<16x128xf32, #tpu.memory_space<vmem>>, vector<1x16xf32>,
      %get3A_1249 = vector.shape_cast %get3A_1248 : vector<1x16xf32> to vector<16xf32>
      %get3A_1250 = arith.constant 1232 : index
      %get3A_1251 = tpu.vector_load %arg8[%get3A_1250] {strides = array<i32>} : memref<2048xf32, #tpu.memory_space<vmem>>, vector<16xf32>,
      %get3A_1252 = vector.shape_cast %get3A_1251 : vector<16xf32> to vector<16xf32>
      %sub3A_1253 = arith.subf %get3A_1249, %get3A_1252 : vector<16xf32>
      %add3A_1254 = arith.addf %add3A_1242, %sub3A_1253 : vector<16xf32>
      %exp3A_1255 = math.exp %sub3A_1253 : vector<16xf32>
      %add3A_1256 = arith.addf %add3A_1244, %exp3A_1255 : vector<16xf32>
      %get3A_1257 = arith.constant 9 : i32
      %get3A_1258 = arith.index_cast %get3A_1257 : i32 to index
      %get3A_1259 = arith.constant 96 : index
      %get3A_1260 = tpu.vector_load %arg7[%get3A_1258, %get3A_1259] {strides = array<i32>} : memref<16x128xf32, #tpu.memory_space<vmem>>, vector<1x16xf32>,
      %get3A_1261 = vector.shape_cast %get3A_1260 : vector<1x16xf32> to vector<16xf32>
      %get3A_1262 = arith.constant 1248 : index
      %get3A_1263 = tpu.vector_load %arg8[%get3A_1262] {strides = array<i32>} : memref<2048xf32, #tpu.memory_space<vmem>>, vector<16xf32>,
      %get3A_1264 = vector.shape_cast %get3A_1263 : vector<16xf32> to vector<16xf32>
      %sub3A_1265 = arith.subf %get3A_1261, %get3A_1264 : vector<16xf32>
      %add3A_1266 = arith.addf %add3A_1254, %sub3A_1265 : vector<16xf32>
      %exp3A_1267 = math.exp %sub3A_1265 : vector<16xf32>
      %add3A_1268 = arith.addf %add3A_1256, %exp3A_1267 : vector<16xf32>
      %get3A_1269 = arith.constant 9 : i32
      %get3A_1270 = arith.index_cast %get3A_1269 : i32 to index
      %get3A_1271 = arith.constant 112 : index
      %get3A_1272 = tpu.vector_load %arg7[%get3A_1270, %get3A_1271] {strides = array<i32>} : memref<16x128xf32, #tpu.memory_space<vmem>>, vector<1x16xf32>,
      %get3A_1273 = vector.shape_cast %get3A_1272 : vector<1x16xf32> to vector<16xf32>
      %get3A_1274 = arith.constant 1264 : index
      %get3A_1275 = tpu.vector_load %arg8[%get3A_1274] {strides = array<i32>} : memref<2048xf32, #tpu.memory_space<vmem>>, vector<16xf32>,
      %get3A_1276 = vector.shape_cast %get3A_1275 : vector<16xf32> to vector<16xf32>
      %sub3A_1277 = arith.subf %get3A_1273, %get3A_1276 : vector<16xf32>
      %add3A_1278 = arith.addf %add3A_1266, %sub3A_1277 : vector<16xf32>
      %exp3A_1279 = math.exp %sub3A_1277 : vector<16xf32>
      %add3A_1280 = arith.addf %add3A_1268, %exp3A_1279 : vector<16xf32>
      %get3A_1281 = arith.constant 10 : i32
      %get3A_1282 = arith.index_cast %get3A_1281 : i32 to index
      %get3A_1283 = arith.constant 0 : index
      %get3A_1284 = tpu.vector_load %arg7[%get3A_1282, %get3A_1283] {strides = array<i32>} : memref<16x128xf32, #tpu.memory_space<vmem>>, vector<1x16xf32>,
      %get3A_1285 = vector.shape_cast %get3A_1284 : vector<1x16xf32> to vector<16xf32>
      %get3A_1286 = arith.constant 1280 : index
      %get3A_1287 = tpu.vector_load %arg8[%get3A_1286] {strides = array<i32>} : memref<2048xf32, #tpu.memory_space<vmem>>, vector<16xf32>,
      %get3A_1288 = vector.shape_cast %get3A_1287 : vector<16xf32> to vector<16xf32>
      %sub3A_1289 = arith.subf %get3A_1285, %get3A_1288 : vector<16xf32>
      %add3A_1290 = arith.addf %add3A_1278, %sub3A_1289 : vector<16xf32>
      %exp3A_1291 = math.exp %sub3A_1289 : vector<16xf32>
      %add3A_1292 = arith.addf %add3A_1280, %exp3A_1291 : vector<16xf32>
      %get3A_1293 = arith.constant 10 : i32
      %get3A_1294 = arith.index_cast %get3A_1293 : i32 to index
      %get3A_1295 = arith.constant 16 : index
      %get3A_1296 = tpu.vector_load %arg7[%get3A_1294, %get3A_1295] {strides = array<i32>} : memref<16x128xf32, #tpu.memory_space<vmem>>, vector<1x16xf32>,
      %get3A_1297 = vector.shape_cast %get3A_1296 : vector<1x16xf32> to vector<16xf32>
      %get3A_1298 = arith.constant 1296 : index
      %get3A_1299 = tpu.vector_load %arg8[%get3A_1298] {strides = array<i32>} : memref<2048xf32, #tpu.memory_space<vmem>>, vector<16xf32>,
      %get3A_1300 = vector.shape_cast %get3A_1299 : vector<16xf32> to vector<16xf32>
      %sub3A_1301 = arith.subf %get3A_1297, %get3A_1300 : vector<16xf32>
      %add3A_1302 = arith.addf %add3A_1290, %sub3A_1301 : vector<16xf32>
      %exp3A_1303 = math.exp %sub3A_1301 : vector<16xf32>
      %add3A_1304 = arith.addf %add3A_1292, %exp3A_1303 : vector<16xf32>
      %get3A_1305 = arith.constant 10 : i32
      %get3A_1306 = arith.index_cast %get3A_1305 : i32 to index
      %get3A_1307 = arith.constant 32 : index
      %get3A_1308 = tpu.vector_load %arg7[%get3A_1306, %get3A_1307] {strides = array<i32>} : memref<16x128xf32, #tpu.memory_space<vmem>>, vector<1x16xf32>,
      %get3A_1309 = vector.shape_cast %get3A_1308 : vector<1x16xf32> to vector<16xf32>
      %get3A_1310 = arith.constant 1312 : index
      %get3A_1311 = tpu.vector_load %arg8[%get3A_1310] {strides = array<i32>} : memref<2048xf32, #tpu.memory_space<vmem>>, vector<16xf32>,
      %get3A_1312 = vector.shape_cast %get3A_1311 : vector<16xf32> to vector<16xf32>
      %sub3A_1313 = arith.subf %get3A_1309, %get3A_1312 : vector<16xf32>
      %add3A_1314 = arith.addf %add3A_1302, %sub3A_1313 : vector<16xf32>
      %exp3A_1315 = math.exp %sub3A_1313 : vector<16xf32>
      %add3A_1316 = arith.addf %add3A_1304, %exp3A_1315 : vector<16xf32>
      %get3A_1317 = arith.constant 10 : i32
      %get3A_1318 = arith.index_cast %get3A_1317 : i32 to index
      %get3A_1319 = arith.constant 48 : index
      %get3A_1320 = tpu.vector_load %arg7[%get3A_1318, %get3A_1319] {strides = array<i32>} : memref<16x128xf32, #tpu.memory_space<vmem>>, vector<1x16xf32>,
      %get3A_1321 = vector.shape_cast %get3A_1320 : vector<1x16xf32> to vector<16xf32>
      %get3A_1322 = arith.constant 1328 : index
      %get3A_1323 = tpu.vector_load %arg8[%get3A_1322] {strides = array<i32>} : memref<2048xf32, #tpu.memory_space<vmem>>, vector<16xf32>,
      %get3A_1324 = vector.shape_cast %get3A_1323 : vector<16xf32> to vector<16xf32>
      %sub3A_1325 = arith.subf %get3A_1321, %get3A_1324 : vector<16xf32>
      %add3A_1326 = arith.addf %add3A_1314, %sub3A_1325 : vector<16xf32>
      %exp3A_1327 = math.exp %sub3A_1325 : vector<16xf32>
      %add3A_1328 = arith.addf %add3A_1316, %exp3A_1327 : vector<16xf32>
      %get3A_1329 = arith.constant 10 : i32
      %get3A_1330 = arith.index_cast %get3A_1329 : i32 to index
      %get3A_1331 = arith.constant 64 : index
      %get3A_1332 = tpu.vector_load %arg7[%get3A_1330, %get3A_1331] {strides = array<i32>} : memref<16x128xf32, #tpu.memory_space<vmem>>, vector<1x16xf32>,
      %get3A_1333 = vector.shape_cast %get3A_1332 : vector<1x16xf32> to vector<16xf32>
      %get3A_1334 = arith.constant 1344 : index
      %get3A_1335 = tpu.vector_load %arg8[%get3A_1334] {strides = array<i32>} : memref<2048xf32, #tpu.memory_space<vmem>>, vector<16xf32>,
      %get3A_1336 = vector.shape_cast %get3A_1335 : vector<16xf32> to vector<16xf32>
      %sub3A_1337 = arith.subf %get3A_1333, %get3A_1336 : vector<16xf32>
      %add3A_1338 = arith.addf %add3A_1326, %sub3A_1337 : vector<16xf32>
      %exp3A_1339 = math.exp %sub3A_1337 : vector<16xf32>
      %add3A_1340 = arith.addf %add3A_1328, %exp3A_1339 : vector<16xf32>
      %get3A_1341 = arith.constant 10 : i32
      %get3A_1342 = arith.index_cast %get3A_1341 : i32 to index
      %get3A_1343 = arith.constant 80 : index
      %get3A_1344 = tpu.vector_load %arg7[%get3A_1342, %get3A_1343] {strides = array<i32>} : memref<16x128xf32, #tpu.memory_space<vmem>>, vector<1x16xf32>,
      %get3A_1345 = vector.shape_cast %get3A_1344 : vector<1x16xf32> to vector<16xf32>
      %get3A_1346 = arith.constant 1360 : index
      %get3A_1347 = tpu.vector_load %arg8[%get3A_1346] {strides = array<i32>} : memref<2048xf32, #tpu.memory_space<vmem>>, vector<16xf32>,
      %get3A_1348 = vector.shape_cast %get3A_1347 : vector<16xf32> to vector<16xf32>
      %sub3A_1349 = arith.subf %get3A_1345, %get3A_1348 : vector<16xf32>
      %add3A_1350 = arith.addf %add3A_1338, %sub3A_1349 : vector<16xf32>
      %exp3A_1351 = math.exp %sub3A_1349 : vector<16xf32>
      %add3A_1352 = arith.addf %add3A_1340, %exp3A_1351 : vector<16xf32>
      %get3A_1353 = arith.constant 10 : i32
      %get3A_1354 = arith.index_cast %get3A_1353 : i32 to index
      %get3A_1355 = arith.constant 96 : index
      %get3A_1356 = tpu.vector_load %arg7[%get3A_1354, %get3A_1355] {strides = array<i32>} : memref<16x128xf32, #tpu.memory_space<vmem>>, vector<1x16xf32>,
      %get3A_1357 = vector.shape_cast %get3A_1356 : vector<1x16xf32> to vector<16xf32>
      %get3A_1358 = arith.constant 1376 : index
      %get3A_1359 = tpu.vector_load %arg8[%get3A_1358] {strides = array<i32>} : memref<2048xf32, #tpu.memory_space<vmem>>, vector<16xf32>,
      %get3A_1360 = vector.shape_cast %get3A_1359 : vector<16xf32> to vector<16xf32>
      %sub3A_1361 = arith.subf %get3A_1357, %get3A_1360 : vector<16xf32>
      %add3A_1362 = arith.addf %add3A_1350, %sub3A_1361 : vector<16xf32>
      %exp3A_1363 = math.exp %sub3A_1361 : vector<16xf32>
      %add3A_1364 = arith.addf %add3A_1352, %exp3A_1363 : vector<16xf32>
      %get3A_1365 = arith.constant 10 : i32
      %get3A_1366 = arith.index_cast %get3A_1365 : i32 to index
      %get3A_1367 = arith.constant 112 : index
      %get3A_1368 = tpu.vector_load %arg7[%get3A_1366, %get3A_1367] {strides = array<i32>} : memref<16x128xf32, #tpu.memory_space<vmem>>, vector<1x16xf32>,
      %get3A_1369 = vector.shape_cast %get3A_1368 : vector<1x16xf32> to vector<16xf32>
      %get3A_1370 = arith.constant 1392 : index
      %get3A_1371 = tpu.vector_load %arg8[%get3A_1370] {strides = array<i32>} : memref<2048xf32, #tpu.memory_space<vmem>>, vector<16xf32>,
      %get3A_1372 = vector.shape_cast %get3A_1371 : vector<16xf32> to vector<16xf32>
      %sub3A_1373 = arith.subf %get3A_1369, %get3A_1372 : vector<16xf32>
      %add3A_1374 = arith.addf %add3A_1362, %sub3A_1373 : vector<16xf32>
      %exp3A_1375 = math.exp %sub3A_1373 : vector<16xf32>
      %add3A_1376 = arith.addf %add3A_1364, %exp3A_1375 : vector<16xf32>
      %get3A_1377 = arith.constant 11 : i32
      %get3A_1378 = arith.index_cast %get3A_1377 : i32 to index
      %get3A_1379 = arith.constant 0 : index
      %get3A_1380 = tpu.vector_load %arg7[%get3A_1378, %get3A_1379] {strides = array<i32>} : memref<16x128xf32, #tpu.memory_space<vmem>>, vector<1x16xf32>,
      %get3A_1381 = vector.shape_cast %get3A_1380 : vector<1x16xf32> to vector<16xf32>
      %get3A_1382 = arith.constant 1408 : index
      %get3A_1383 = tpu.vector_load %arg8[%get3A_1382] {strides = array<i32>} : memref<2048xf32, #tpu.memory_space<vmem>>, vector<16xf32>,
      %get3A_1384 = vector.shape_cast %get3A_1383 : vector<16xf32> to vector<16xf32>
      %sub3A_1385 = arith.subf %get3A_1381, %get3A_1384 : vector<16xf32>
      %add3A_1386 = arith.addf %add3A_1374, %sub3A_1385 : vector<16xf32>
      %exp3A_1387 = math.exp %sub3A_1385 : vector<16xf32>
      %add3A_1388 = arith.addf %add3A_1376, %exp3A_1387 : vector<16xf32>
      %get3A_1389 = arith.constant 11 : i32
      %get3A_1390 = arith.index_cast %get3A_1389 : i32 to index
      %get3A_1391 = arith.constant 16 : index
      %get3A_1392 = tpu.vector_load %arg7[%get3A_1390, %get3A_1391] {strides = array<i32>} : memref<16x128xf32, #tpu.memory_space<vmem>>, vector<1x16xf32>,
      %get3A_1393 = vector.shape_cast %get3A_1392 : vector<1x16xf32> to vector<16xf32>
      %get3A_1394 = arith.constant 1424 : index
      %get3A_1395 = tpu.vector_load %arg8[%get3A_1394] {strides = array<i32>} : memref<2048xf32, #tpu.memory_space<vmem>>, vector<16xf32>,
      %get3A_1396 = vector.shape_cast %get3A_1395 : vector<16xf32> to vector<16xf32>
      %sub3A_1397 = arith.subf %get3A_1393, %get3A_1396 : vector<16xf32>
      %add3A_1398 = arith.addf %add3A_1386, %sub3A_1397 : vector<16xf32>
      %exp3A_1399 = math.exp %sub3A_1397 : vector<16xf32>
      %add3A_1400 = arith.addf %add3A_1388, %exp3A_1399 : vector<16xf32>
      %get3A_1401 = arith.constant 11 : i32
      %get3A_1402 = arith.index_cast %get3A_1401 : i32 to index
      %get3A_1403 = arith.constant 32 : index
      %get3A_1404 = tpu.vector_load %arg7[%get3A_1402, %get3A_1403] {strides = array<i32>} : memref<16x128xf32, #tpu.memory_space<vmem>>, vector<1x16xf32>,
      %get3A_1405 = vector.shape_cast %get3A_1404 : vector<1x16xf32> to vector<16xf32>
      %get3A_1406 = arith.constant 1440 : index
      %get3A_1407 = tpu.vector_load %arg8[%get3A_1406] {strides = array<i32>} : memref<2048xf32, #tpu.memory_space<vmem>>, vector<16xf32>,
      %get3A_1408 = vector.shape_cast %get3A_1407 : vector<16xf32> to vector<16xf32>
      %sub3A_1409 = arith.subf %get3A_1405, %get3A_1408 : vector<16xf32>
      %add3A_1410 = arith.addf %add3A_1398, %sub3A_1409 : vector<16xf32>
      %exp3A_1411 = math.exp %sub3A_1409 : vector<16xf32>
      %add3A_1412 = arith.addf %add3A_1400, %exp3A_1411 : vector<16xf32>
      %get3A_1413 = arith.constant 11 : i32
      %get3A_1414 = arith.index_cast %get3A_1413 : i32 to index
      %get3A_1415 = arith.constant 48 : index
      %get3A_1416 = tpu.vector_load %arg7[%get3A_1414, %get3A_1415] {strides = array<i32>} : memref<16x128xf32, #tpu.memory_space<vmem>>, vector<1x16xf32>,
      %get3A_1417 = vector.shape_cast %get3A_1416 : vector<1x16xf32> to vector<16xf32>
      %get3A_1418 = arith.constant 1456 : index
      %get3A_1419 = tpu.vector_load %arg8[%get3A_1418] {strides = array<i32>} : memref<2048xf32, #tpu.memory_space<vmem>>, vector<16xf32>,
      %get3A_1420 = vector.shape_cast %get3A_1419 : vector<16xf32> to vector<16xf32>
      %sub3A_1421 = arith.subf %get3A_1417, %get3A_1420 : vector<16xf32>
      %add3A_1422 = arith.addf %add3A_1410, %sub3A_1421 : vector<16xf32>
      %exp3A_1423 = math.exp %sub3A_1421 : vector<16xf32>
      %add3A_1424 = arith.addf %add3A_1412, %exp3A_1423 : vector<16xf32>
      %get3A_1425 = arith.constant 11 : i32
      %get3A_1426 = arith.index_cast %get3A_1425 : i32 to index
      %get3A_1427 = arith.constant 64 : index
      %get3A_1428 = tpu.vector_load %arg7[%get3A_1426, %get3A_1427] {strides = array<i32>} : memref<16x128xf32, #tpu.memory_space<vmem>>, vector<1x16xf32>,
      %get3A_1429 = vector.shape_cast %get3A_1428 : vector<1x16xf32> to vector<16xf32>
      %get3A_1430 = arith.constant 1472 : index
      %get3A_1431 = tpu.vector_load %arg8[%get3A_1430] {strides = array<i32>} : memref<2048xf32, #tpu.memory_space<vmem>>, vector<16xf32>,
      %get3A_1432 = vector.shape_cast %get3A_1431 : vector<16xf32> to vector<16xf32>
      %sub3A_1433 = arith.subf %get3A_1429, %get3A_1432 : vector<16xf32>
      %add3A_1434 = arith.addf %add3A_1422, %sub3A_1433 : vector<16xf32>
      %exp3A_1435 = math.exp %sub3A_1433 : vector<16xf32>
      %add3A_1436 = arith.addf %add3A_1424, %exp3A_1435 : vector<16xf32>
      %get3A_1437 = arith.constant 11 : i32
      %get3A_1438 = arith.index_cast %get3A_1437 : i32 to index
      %get3A_1439 = arith.constant 80 : index
      %get3A_1440 = tpu.vector_load %arg7[%get3A_1438, %get3A_1439] {strides = array<i32>} : memref<16x128xf32, #tpu.memory_space<vmem>>, vector<1x16xf32>,
      %get3A_1441 = vector.shape_cast %get3A_1440 : vector<1x16xf32> to vector<16xf32>
      %get3A_1442 = arith.constant 1488 : index
      %get3A_1443 = tpu.vector_load %arg8[%get3A_1442] {strides = array<i32>} : memref<2048xf32, #tpu.memory_space<vmem>>, vector<16xf32>,
      %get3A_1444 = vector.shape_cast %get3A_1443 : vector<16xf32> to vector<16xf32>
      %sub3A_1445 = arith.subf %get3A_1441, %get3A_1444 : vector<16xf32>
      %add3A_1446 = arith.addf %add3A_1434, %sub3A_1445 : vector<16xf32>
      %exp3A_1447 = math.exp %sub3A_1445 : vector<16xf32>
      %add3A_1448 = arith.addf %add3A_1436, %exp3A_1447 : vector<16xf32>
      %get3A_1449 = arith.constant 11 : i32
      %get3A_1450 = arith.index_cast %get3A_1449 : i32 to index
      %get3A_1451 = arith.constant 96 : index
      %get3A_1452 = tpu.vector_load %arg7[%get3A_1450, %get3A_1451] {strides = array<i32>} : memref<16x128xf32, #tpu.memory_space<vmem>>, vector<1x16xf32>,
      %get3A_1453 = vector.shape_cast %get3A_1452 : vector<1x16xf32> to vector<16xf32>
      %get3A_1454 = arith.constant 1504 : index
      %get3A_1455 = tpu.vector_load %arg8[%get3A_1454] {strides = array<i32>} : memref<2048xf32, #tpu.memory_space<vmem>>, vector<16xf32>,
      %get3A_1456 = vector.shape_cast %get3A_1455 : vector<16xf32> to vector<16xf32>
      %sub3A_1457 = arith.subf %get3A_1453, %get3A_1456 : vector<16xf32>
      %add3A_1458 = arith.addf %add3A_1446, %sub3A_1457 : vector<16xf32>
      %exp3A_1459 = math.exp %sub3A_1457 : vector<16xf32>
      %add3A_1460 = arith.addf %add3A_1448, %exp3A_1459 : vector<16xf32>
      %get3A_1461 = arith.constant 11 : i32
      %get3A_1462 = arith.index_cast %get3A_1461 : i32 to index
      %get3A_1463 = arith.constant 112 : index
      %get3A_1464 = tpu.vector_load %arg7[%get3A_1462, %get3A_1463] {strides = array<i32>} : memref<16x128xf32, #tpu.memory_space<vmem>>, vector<1x16xf32>,
      %get3A_1465 = vector.shape_cast %get3A_1464 : vector<1x16xf32> to vector<16xf32>
      %get3A_1466 = arith.constant 1520 : index
      %get3A_1467 = tpu.vector_load %arg8[%get3A_1466] {strides = array<i32>} : memref<2048xf32, #tpu.memory_space<vmem>>, vector<16xf32>,
      %get3A_1468 = vector.shape_cast %get3A_1467 : vector<16xf32> to vector<16xf32>
      %sub3A_1469 = arith.subf %get3A_1465, %get3A_1468 : vector<16xf32>
      %add3A_1470 = arith.addf %add3A_1458, %sub3A_1469 : vector<16xf32>
      %exp3A_1471 = math.exp %sub3A_1469 : vector<16xf32>
      %add3A_1472 = arith.addf %add3A_1460, %exp3A_1471 : vector<16xf32>
      %get3A_1473 = arith.constant 12 : i32
      %get3A_1474 = arith.index_cast %get3A_1473 : i32 to index
      %get3A_1475 = arith.constant 0 : index
      %get3A_1476 = tpu.vector_load %arg7[%get3A_1474, %get3A_1475] {strides = array<i32>} : memref<16x128xf32, #tpu.memory_space<vmem>>, vector<1x16xf32>,
      %get3A_1477 = vector.shape_cast %get3A_1476 : vector<1x16xf32> to vector<16xf32>
      %get3A_1478 = arith.constant 1536 : index
      %get3A_1479 = tpu.vector_load %arg8[%get3A_1478] {strides = array<i32>} : memref<2048xf32, #tpu.memory_space<vmem>>, vector<16xf32>,
      %get3A_1480 = vector.shape_cast %get3A_1479 : vector<16xf32> to vector<16xf32>
      %sub3A_1481 = arith.subf %get3A_1477, %get3A_1480 : vector<16xf32>
      %add3A_1482 = arith.addf %add3A_1470, %sub3A_1481 : vector<16xf32>
      %exp3A_1483 = math.exp %sub3A_1481 : vector<16xf32>
      %add3A_1484 = arith.addf %add3A_1472, %exp3A_1483 : vector<16xf32>
      %get3A_1485 = arith.constant 12 : i32
      %get3A_1486 = arith.index_cast %get3A_1485 : i32 to index
      %get3A_1487 = arith.constant 16 : index
      %get3A_1488 = tpu.vector_load %arg7[%get3A_1486, %get3A_1487] {strides = array<i32>} : memref<16x128xf32, #tpu.memory_space<vmem>>, vector<1x16xf32>,
      %get3A_1489 = vector.shape_cast %get3A_1488 : vector<1x16xf32> to vector<16xf32>
      %get3A_1490 = arith.constant 1552 : index
      %get3A_1491 = tpu.vector_load %arg8[%get3A_1490] {strides = array<i32>} : memref<2048xf32, #tpu.memory_space<vmem>>, vector<16xf32>,
      %get3A_1492 = vector.shape_cast %get3A_1491 : vector<16xf32> to vector<16xf32>
      %sub3A_1493 = arith.subf %get3A_1489, %get3A_1492 : vector<16xf32>
      %add3A_1494 = arith.addf %add3A_1482, %sub3A_1493 : vector<16xf32>
      %exp3A_1495 = math.exp %sub3A_1493 : vector<16xf32>
      %add3A_1496 = arith.addf %add3A_1484, %exp3A_1495 : vector<16xf32>
      %get3A_1497 = arith.constant 12 : i32
      %get3A_1498 = arith.index_cast %get3A_1497 : i32 to index
      %get3A_1499 = arith.constant 32 : index
      %get3A_1500 = tpu.vector_load %arg7[%get3A_1498, %get3A_1499] {strides = array<i32>} : memref<16x128xf32, #tpu.memory_space<vmem>>, vector<1x16xf32>,
      %get3A_1501 = vector.shape_cast %get3A_1500 : vector<1x16xf32> to vector<16xf32>
      %get3A_1502 = arith.constant 1568 : index
      %get3A_1503 = tpu.vector_load %arg8[%get3A_1502] {strides = array<i32>} : memref<2048xf32, #tpu.memory_space<vmem>>, vector<16xf32>,
      %get3A_1504 = vector.shape_cast %get3A_1503 : vector<16xf32> to vector<16xf32>
      %sub3A_1505 = arith.subf %get3A_1501, %get3A_1504 : vector<16xf32>
      %add3A_1506 = arith.addf %add3A_1494, %sub3A_1505 : vector<16xf32>
      %exp3A_1507 = math.exp %sub3A_1505 : vector<16xf32>
      %add3A_1508 = arith.addf %add3A_1496, %exp3A_1507 : vector<16xf32>
      %get3A_1509 = arith.constant 12 : i32
      %get3A_1510 = arith.index_cast %get3A_1509 : i32 to index
      %get3A_1511 = arith.constant 48 : index
      %get3A_1512 = tpu.vector_load %arg7[%get3A_1510, %get3A_1511] {strides = array<i32>} : memref<16x128xf32, #tpu.memory_space<vmem>>, vector<1x16xf32>,
      %get3A_1513 = vector.shape_cast %get3A_1512 : vector<1x16xf32> to vector<16xf32>
      %get3A_1514 = arith.constant 1584 : index
      %get3A_1515 = tpu.vector_load %arg8[%get3A_1514] {strides = array<i32>} : memref<2048xf32, #tpu.memory_space<vmem>>, vector<16xf32>,
      %get3A_1516 = vector.shape_cast %get3A_1515 : vector<16xf32> to vector<16xf32>
      %sub3A_1517 = arith.subf %get3A_1513, %get3A_1516 : vector<16xf32>
      %add3A_1518 = arith.addf %add3A_1506, %sub3A_1517 : vector<16xf32>
      %exp3A_1519 = math.exp %sub3A_1517 : vector<16xf32>
      %add3A_1520 = arith.addf %add3A_1508, %exp3A_1519 : vector<16xf32>
      %get3A_1521 = arith.constant 12 : i32
      %get3A_1522 = arith.index_cast %get3A_1521 : i32 to index
      %get3A_1523 = arith.constant 64 : index
      %get3A_1524 = tpu.vector_load %arg7[%get3A_1522, %get3A_1523] {strides = array<i32>} : memref<16x128xf32, #tpu.memory_space<vmem>>, vector<1x16xf32>,
      %get3A_1525 = vector.shape_cast %get3A_1524 : vector<1x16xf32> to vector<16xf32>
      %get3A_1526 = arith.constant 1600 : index
      %get3A_1527 = tpu.vector_load %arg8[%get3A_1526] {strides = array<i32>} : memref<2048xf32, #tpu.memory_space<vmem>>, vector<16xf32>,
      %get3A_1528 = vector.shape_cast %get3A_1527 : vector<16xf32> to vector<16xf32>
      %sub3A_1529 = arith.subf %get3A_1525, %get3A_1528 : vector<16xf32>
      %add3A_1530 = arith.addf %add3A_1518, %sub3A_1529 : vector<16xf32>
      %exp3A_1531 = math.exp %sub3A_1529 : vector<16xf32>
      %add3A_1532 = arith.addf %add3A_1520, %exp3A_1531 : vector<16xf32>
      %get3A_1533 = arith.constant 12 : i32
      %get3A_1534 = arith.index_cast %get3A_1533 : i32 to index
      %get3A_1535 = arith.constant 80 : index
      %get3A_1536 = tpu.vector_load %arg7[%get3A_1534, %get3A_1535] {strides = array<i32>} : memref<16x128xf32, #tpu.memory_space<vmem>>, vector<1x16xf32>,
      %get3A_1537 = vector.shape_cast %get3A_1536 : vector<1x16xf32> to vector<16xf32>
      %get3A_1538 = arith.constant 1616 : index
      %get3A_1539 = tpu.vector_load %arg8[%get3A_1538] {strides = array<i32>} : memref<2048xf32, #tpu.memory_space<vmem>>, vector<16xf32>,
      %get3A_1540 = vector.shape_cast %get3A_1539 : vector<16xf32> to vector<16xf32>
      %sub3A_1541 = arith.subf %get3A_1537, %get3A_1540 : vector<16xf32>
      %add3A_1542 = arith.addf %add3A_1530, %sub3A_1541 : vector<16xf32>
      %exp3A_1543 = math.exp %sub3A_1541 : vector<16xf32>
      %add3A_1544 = arith.addf %add3A_1532, %exp3A_1543 : vector<16xf32>
      %get3A_1545 = arith.constant 12 : i32
      %get3A_1546 = arith.index_cast %get3A_1545 : i32 to index
      %get3A_1547 = arith.constant 96 : index
      %get3A_1548 = tpu.vector_load %arg7[%get3A_1546, %get3A_1547] {strides = array<i32>} : memref<16x128xf32, #tpu.memory_space<vmem>>, vector<1x16xf32>,
      %get3A_1549 = vector.shape_cast %get3A_1548 : vector<1x16xf32> to vector<16xf32>
      %get3A_1550 = arith.constant 1632 : index
      %get3A_1551 = tpu.vector_load %arg8[%get3A_1550] {strides = array<i32>} : memref<2048xf32, #tpu.memory_space<vmem>>, vector<16xf32>,
      %get3A_1552 = vector.shape_cast %get3A_1551 : vector<16xf32> to vector<16xf32>
      %sub3A_1553 = arith.subf %get3A_1549, %get3A_1552 : vector<16xf32>
      %add3A_1554 = arith.addf %add3A_1542, %sub3A_1553 : vector<16xf32>
      %exp3A_1555 = math.exp %sub3A_1553 : vector<16xf32>
      %add3A_1556 = arith.addf %add3A_1544, %exp3A_1555 : vector<16xf32>
      %get3A_1557 = arith.constant 12 : i32
      %get3A_1558 = arith.index_cast %get3A_1557 : i32 to index
      %get3A_1559 = arith.constant 112 : index
      %get3A_1560 = tpu.vector_load %arg7[%get3A_1558, %get3A_1559] {strides = array<i32>} : memref<16x128xf32, #tpu.memory_space<vmem>>, vector<1x16xf32>,
      %get3A_1561 = vector.shape_cast %get3A_1560 : vector<1x16xf32> to vector<16xf32>
      %get3A_1562 = arith.constant 1648 : index
      %get3A_1563 = tpu.vector_load %arg8[%get3A_1562] {strides = array<i32>} : memref<2048xf32, #tpu.memory_space<vmem>>, vector<16xf32>,
      %get3A_1564 = vector.shape_cast %get3A_1563 : vector<16xf32> to vector<16xf32>
      %sub3A_1565 = arith.subf %get3A_1561, %get3A_1564 : vector<16xf32>
      %add3A_1566 = arith.addf %add3A_1554, %sub3A_1565 : vector<16xf32>
      %exp3A_1567 = math.exp %sub3A_1565 : vector<16xf32>
      %add3A_1568 = arith.addf %add3A_1556, %exp3A_1567 : vector<16xf32>
      %get3A_1569 = arith.constant 13 : i32
      %get3A_1570 = arith.index_cast %get3A_1569 : i32 to index
      %get3A_1571 = arith.constant 0 : index
      %get3A_1572 = tpu.vector_load %arg7[%get3A_1570, %get3A_1571] {strides = array<i32>} : memref<16x128xf32, #tpu.memory_space<vmem>>, vector<1x16xf32>,
      %get3A_1573 = vector.shape_cast %get3A_1572 : vector<1x16xf32> to vector<16xf32>
      %get3A_1574 = arith.constant 1664 : index
      %get3A_1575 = tpu.vector_load %arg8[%get3A_1574] {strides = array<i32>} : memref<2048xf32, #tpu.memory_space<vmem>>, vector<16xf32>,
      %get3A_1576 = vector.shape_cast %get3A_1575 : vector<16xf32> to vector<16xf32>
      %sub3A_1577 = arith.subf %get3A_1573, %get3A_1576 : vector<16xf32>
      %add3A_1578 = arith.addf %add3A_1566, %sub3A_1577 : vector<16xf32>
      %exp3A_1579 = math.exp %sub3A_1577 : vector<16xf32>
      %add3A_1580 = arith.addf %add3A_1568, %exp3A_1579 : vector<16xf32>
      %get3A_1581 = arith.constant 13 : i32
      %get3A_1582 = arith.index_cast %get3A_1581 : i32 to index
      %get3A_1583 = arith.constant 16 : index
      %get3A_1584 = tpu.vector_load %arg7[%get3A_1582, %get3A_1583] {strides = array<i32>} : memref<16x128xf32, #tpu.memory_space<vmem>>, vector<1x16xf32>,
      %get3A_1585 = vector.shape_cast %get3A_1584 : vector<1x16xf32> to vector<16xf32>
      %get3A_1586 = arith.constant 1680 : index
      %get3A_1587 = tpu.vector_load %arg8[%get3A_1586] {strides = array<i32>} : memref<2048xf32, #tpu.memory_space<vmem>>, vector<16xf32>,
      %get3A_1588 = vector.shape_cast %get3A_1587 : vector<16xf32> to vector<16xf32>
      %sub3A_1589 = arith.subf %get3A_1585, %get3A_1588 : vector<16xf32>
      %add3A_1590 = arith.addf %add3A_1578, %sub3A_1589 : vector<16xf32>
      %exp3A_1591 = math.exp %sub3A_1589 : vector<16xf32>
      %add3A_1592 = arith.addf %add3A_1580, %exp3A_1591 : vector<16xf32>
      %get3A_1593 = arith.constant 13 : i32
      %get3A_1594 = arith.index_cast %get3A_1593 : i32 to index
      %get3A_1595 = arith.constant 32 : index
      %get3A_1596 = tpu.vector_load %arg7[%get3A_1594, %get3A_1595] {strides = array<i32>} : memref<16x128xf32, #tpu.memory_space<vmem>>, vector<1x16xf32>,
      %get3A_1597 = vector.shape_cast %get3A_1596 : vector<1x16xf32> to vector<16xf32>
      %get3A_1598 = arith.constant 1696 : index
      %get3A_1599 = tpu.vector_load %arg8[%get3A_1598] {strides = array<i32>} : memref<2048xf32, #tpu.memory_space<vmem>>, vector<16xf32>,
      %get3A_1600 = vector.shape_cast %get3A_1599 : vector<16xf32> to vector<16xf32>
      %sub3A_1601 = arith.subf %get3A_1597, %get3A_1600 : vector<16xf32>
      %add3A_1602 = arith.addf %add3A_1590, %sub3A_1601 : vector<16xf32>
      %exp3A_1603 = math.exp %sub3A_1601 : vector<16xf32>
      %add3A_1604 = arith.addf %add3A_1592, %exp3A_1603 : vector<16xf32>
      %get3A_1605 = arith.constant 13 : i32
      %get3A_1606 = arith.index_cast %get3A_1605 : i32 to index
      %get3A_1607 = arith.constant 48 : index
      %get3A_1608 = tpu.vector_load %arg7[%get3A_1606, %get3A_1607] {strides = array<i32>} : memref<16x128xf32, #tpu.memory_space<vmem>>, vector<1x16xf32>,
      %get3A_1609 = vector.shape_cast %get3A_1608 : vector<1x16xf32> to vector<16xf32>
      %get3A_1610 = arith.constant 1712 : index
      %get3A_1611 = tpu.vector_load %arg8[%get3A_1610] {strides = array<i32>} : memref<2048xf32, #tpu.memory_space<vmem>>, vector<16xf32>,
      %get3A_1612 = vector.shape_cast %get3A_1611 : vector<16xf32> to vector<16xf32>
      %sub3A_1613 = arith.subf %get3A_1609, %get3A_1612 : vector<16xf32>
      %add3A_1614 = arith.addf %add3A_1602, %sub3A_1613 : vector<16xf32>
      %exp3A_1615 = math.exp %sub3A_1613 : vector<16xf32>
      %add3A_1616 = arith.addf %add3A_1604, %exp3A_1615 : vector<16xf32>
      %get3A_1617 = arith.constant 13 : i32
      %get3A_1618 = arith.index_cast %get3A_1617 : i32 to index
      %get3A_1619 = arith.constant 64 : index
      %get3A_1620 = tpu.vector_load %arg7[%get3A_1618, %get3A_1619] {strides = array<i32>} : memref<16x128xf32, #tpu.memory_space<vmem>>, vector<1x16xf32>,
      %get3A_1621 = vector.shape_cast %get3A_1620 : vector<1x16xf32> to vector<16xf32>
      %get3A_1622 = arith.constant 1728 : index
      %get3A_1623 = tpu.vector_load %arg8[%get3A_1622] {strides = array<i32>} : memref<2048xf32, #tpu.memory_space<vmem>>, vector<16xf32>,
      %get3A_1624 = vector.shape_cast %get3A_1623 : vector<16xf32> to vector<16xf32>
      %sub3A_1625 = arith.subf %get3A_1621, %get3A_1624 : vector<16xf32>
      %add3A_1626 = arith.addf %add3A_1614, %sub3A_1625 : vector<16xf32>
      %exp3A_1627 = math.exp %sub3A_1625 : vector<16xf32>
      %add3A_1628 = arith.addf %add3A_1616, %exp3A_1627 : vector<16xf32>
      %get3A_1629 = arith.constant 13 : i32
      %get3A_1630 = arith.index_cast %get3A_1629 : i32 to index
      %get3A_1631 = arith.constant 80 : index
      %get3A_1632 = tpu.vector_load %arg7[%get3A_1630, %get3A_1631] {strides = array<i32>} : memref<16x128xf32, #tpu.memory_space<vmem>>, vector<1x16xf32>,
      %get3A_1633 = vector.shape_cast %get3A_1632 : vector<1x16xf32> to vector<16xf32>
      %get3A_1634 = arith.constant 1744 : index
      %get3A_1635 = tpu.vector_load %arg8[%get3A_1634] {strides = array<i32>} : memref<2048xf32, #tpu.memory_space<vmem>>, vector<16xf32>,
      %get3A_1636 = vector.shape_cast %get3A_1635 : vector<16xf32> to vector<16xf32>
      %sub3A_1637 = arith.subf %get3A_1633, %get3A_1636 : vector<16xf32>
      %add3A_1638 = arith.addf %add3A_1626, %sub3A_1637 : vector<16xf32>
      %exp3A_1639 = math.exp %sub3A_1637 : vector<16xf32>
      %add3A_1640 = arith.addf %add3A_1628, %exp3A_1639 : vector<16xf32>
      %get3A_1641 = arith.constant 13 : i32
      %get3A_1642 = arith.index_cast %get3A_1641 : i32 to index
      %get3A_1643 = arith.constant 96 : index
      %get3A_1644 = tpu.vector_load %arg7[%get3A_1642, %get3A_1643] {strides = array<i32>} : memref<16x128xf32, #tpu.memory_space<vmem>>, vector<1x16xf32>,
      %get3A_1645 = vector.shape_cast %get3A_1644 : vector<1x16xf32> to vector<16xf32>
      %get3A_1646 = arith.constant 1760 : index
      %get3A_1647 = tpu.vector_load %arg8[%get3A_1646] {strides = array<i32>} : memref<2048xf32, #tpu.memory_space<vmem>>, vector<16xf32>,
      %get3A_1648 = vector.shape_cast %get3A_1647 : vector<16xf32> to vector<16xf32>
      %sub3A_1649 = arith.subf %get3A_1645, %get3A_1648 : vector<16xf32>
      %add3A_1650 = arith.addf %add3A_1638, %sub3A_1649 : vector<16xf32>
      %exp3A_1651 = math.exp %sub3A_1649 : vector<16xf32>
      %add3A_1652 = arith.addf %add3A_1640, %exp3A_1651 : vector<16xf32>
      %get3A_1653 = arith.constant 13 : i32
      %get3A_1654 = arith.index_cast %get3A_1653 : i32 to index
      %get3A_1655 = arith.constant 112 : index
      %get3A_1656 = tpu.vector_load %arg7[%get3A_1654, %get3A_1655] {strides = array<i32>} : memref<16x128xf32, #tpu.memory_space<vmem>>, vector<1x16xf32>,
      %get3A_1657 = vector.shape_cast %get3A_1656 : vector<1x16xf32> to vector<16xf32>
      %get3A_1658 = arith.constant 1776 : index
      %get3A_1659 = tpu.vector_load %arg8[%get3A_1658] {strides = array<i32>} : memref<2048xf32, #tpu.memory_space<vmem>>, vector<16xf32>,
      %get3A_1660 = vector.shape_cast %get3A_1659 : vector<16xf32> to vector<16xf32>
      %sub3A_1661 = arith.subf %get3A_1657, %get3A_1660 : vector<16xf32>
      %add3A_1662 = arith.addf %add3A_1650, %sub3A_1661 : vector<16xf32>
      %exp3A_1663 = math.exp %sub3A_1661 : vector<16xf32>
      %add3A_1664 = arith.addf %add3A_1652, %exp3A_1663 : vector<16xf32>
      %get3A_1665 = arith.constant 14 : i32
      %get3A_1666 = arith.index_cast %get3A_1665 : i32 to index
      %get3A_1667 = arith.constant 0 : index
      %get3A_1668 = tpu.vector_load %arg7[%get3A_1666, %get3A_1667] {strides = array<i32>} : memref<16x128xf32, #tpu.memory_space<vmem>>, vector<1x16xf32>,
      %get3A_1669 = vector.shape_cast %get3A_1668 : vector<1x16xf32> to vector<16xf32>
      %get3A_1670 = arith.constant 1792 : index
      %get3A_1671 = tpu.vector_load %arg8[%get3A_1670] {strides = array<i32>} : memref<2048xf32, #tpu.memory_space<vmem>>, vector<16xf32>,
      %get3A_1672 = vector.shape_cast %get3A_1671 : vector<16xf32> to vector<16xf32>
      %sub3A_1673 = arith.subf %get3A_1669, %get3A_1672 : vector<16xf32>
      %add3A_1674 = arith.addf %add3A_1662, %sub3A_1673 : vector<16xf32>
      %exp3A_1675 = math.exp %sub3A_1673 : vector<16xf32>
      %add3A_1676 = arith.addf %add3A_1664, %exp3A_1675 : vector<16xf32>
      %get3A_1677 = arith.constant 14 : i32
      %get3A_1678 = arith.index_cast %get3A_1677 : i32 to index
      %get3A_1679 = arith.constant 16 : index
      %get3A_1680 = tpu.vector_load %arg7[%get3A_1678, %get3A_1679] {strides = array<i32>} : memref<16x128xf32, #tpu.memory_space<vmem>>, vector<1x16xf32>,
      %get3A_1681 = vector.shape_cast %get3A_1680 : vector<1x16xf32> to vector<16xf32>
      %get3A_1682 = arith.constant 1808 : index
      %get3A_1683 = tpu.vector_load %arg8[%get3A_1682] {strides = array<i32>} : memref<2048xf32, #tpu.memory_space<vmem>>, vector<16xf32>,
      %get3A_1684 = vector.shape_cast %get3A_1683 : vector<16xf32> to vector<16xf32>
      %sub3A_1685 = arith.subf %get3A_1681, %get3A_1684 : vector<16xf32>
      %add3A_1686 = arith.addf %add3A_1674, %sub3A_1685 : vector<16xf32>
      %exp3A_1687 = math.exp %sub3A_1685 : vector<16xf32>
      %add3A_1688 = arith.addf %add3A_1676, %exp3A_1687 : vector<16xf32>
      %get3A_1689 = arith.constant 14 : i32
      %get3A_1690 = arith.index_cast %get3A_1689 : i32 to index
      %get3A_1691 = arith.constant 32 : index
      %get3A_1692 = tpu.vector_load %arg7[%get3A_1690, %get3A_1691] {strides = array<i32>} : memref<16x128xf32, #tpu.memory_space<vmem>>, vector<1x16xf32>,
      %get3A_1693 = vector.shape_cast %get3A_1692 : vector<1x16xf32> to vector<16xf32>
      %get3A_1694 = arith.constant 1824 : index
      %get3A_1695 = tpu.vector_load %arg8[%get3A_1694] {strides = array<i32>} : memref<2048xf32, #tpu.memory_space<vmem>>, vector<16xf32>,
      %get3A_1696 = vector.shape_cast %get3A_1695 : vector<16xf32> to vector<16xf32>
      %sub3A_1697 = arith.subf %get3A_1693, %get3A_1696 : vector<16xf32>
      %add3A_1698 = arith.addf %add3A_1686, %sub3A_1697 : vector<16xf32>
      %exp3A_1699 = math.exp %sub3A_1697 : vector<16xf32>
      %add3A_1700 = arith.addf %add3A_1688, %exp3A_1699 : vector<16xf32>
      %get3A_1701 = arith.constant 14 : i32
      %get3A_1702 = arith.index_cast %get3A_1701 : i32 to index
      %get3A_1703 = arith.constant 48 : index
      %get3A_1704 = tpu.vector_load %arg7[%get3A_1702, %get3A_1703] {strides = array<i32>} : memref<16x128xf32, #tpu.memory_space<vmem>>, vector<1x16xf32>,
      %get3A_1705 = vector.shape_cast %get3A_1704 : vector<1x16xf32> to vector<16xf32>
      %get3A_1706 = arith.constant 1840 : index
      %get3A_1707 = tpu.vector_load %arg8[%get3A_1706] {strides = array<i32>} : memref<2048xf32, #tpu.memory_space<vmem>>, vector<16xf32>,
      %get3A_1708 = vector.shape_cast %get3A_1707 : vector<16xf32> to vector<16xf32>
      %sub3A_1709 = arith.subf %get3A_1705, %get3A_1708 : vector<16xf32>
      %add3A_1710 = arith.addf %add3A_1698, %sub3A_1709 : vector<16xf32>
      %exp3A_1711 = math.exp %sub3A_1709 : vector<16xf32>
      %add3A_1712 = arith.addf %add3A_1700, %exp3A_1711 : vector<16xf32>
      %get3A_1713 = arith.constant 14 : i32
      %get3A_1714 = arith.index_cast %get3A_1713 : i32 to index
      %get3A_1715 = arith.constant 64 : index
      %get3A_1716 = tpu.vector_load %arg7[%get3A_1714, %get3A_1715] {strides = array<i32>} : memref<16x128xf32, #tpu.memory_space<vmem>>, vector<1x16xf32>,
      %get3A_1717 = vector.shape_cast %get3A_1716 : vector<1x16xf32> to vector<16xf32>
      %get3A_1718 = arith.constant 1856 : index
      %get3A_1719 = tpu.vector_load %arg8[%get3A_1718] {strides = array<i32>} : memref<2048xf32, #tpu.memory_space<vmem>>, vector<16xf32>,
      %get3A_1720 = vector.shape_cast %get3A_1719 : vector<16xf32> to vector<16xf32>
      %sub3A_1721 = arith.subf %get3A_1717, %get3A_1720 : vector<16xf32>
      %add3A_1722 = arith.addf %add3A_1710, %sub3A_1721 : vector<16xf32>
      %exp3A_1723 = math.exp %sub3A_1721 : vector<16xf32>
      %add3A_1724 = arith.addf %add3A_1712, %exp3A_1723 : vector<16xf32>
      %get3A_1725 = arith.constant 14 : i32
      %get3A_1726 = arith.index_cast %get3A_1725 : i32 to index
      %get3A_1727 = arith.constant 80 : index
      %get3A_1728 = tpu.vector_load %arg7[%get3A_1726, %get3A_1727] {strides = array<i32>} : memref<16x128xf32, #tpu.memory_space<vmem>>, vector<1x16xf32>,
      %get3A_1729 = vector.shape_cast %get3A_1728 : vector<1x16xf32> to vector<16xf32>
      %get3A_1730 = arith.constant 1872 : index
      %get3A_1731 = tpu.vector_load %arg8[%get3A_1730] {strides = array<i32>} : memref<2048xf32, #tpu.memory_space<vmem>>, vector<16xf32>,
      %get3A_1732 = vector.shape_cast %get3A_1731 : vector<16xf32> to vector<16xf32>
      %sub3A_1733 = arith.subf %get3A_1729, %get3A_1732 : vector<16xf32>
      %add3A_1734 = arith.addf %add3A_1722, %sub3A_1733 : vector<16xf32>
      %exp3A_1735 = math.exp %sub3A_1733 : vector<16xf32>
      %add3A_1736 = arith.addf %add3A_1724, %exp3A_1735 : vector<16xf32>
      %get3A_1737 = arith.constant 14 : i32
      %get3A_1738 = arith.index_cast %get3A_1737 : i32 to index
      %get3A_1739 = arith.constant 96 : index
      %get3A_1740 = tpu.vector_load %arg7[%get3A_1738, %get3A_1739] {strides = array<i32>} : memref<16x128xf32, #tpu.memory_space<vmem>>, vector<1x16xf32>,
      %get3A_1741 = vector.shape_cast %get3A_1740 : vector<1x16xf32> to vector<16xf32>
      %get3A_1742 = arith.constant 1888 : index
      %get3A_1743 = tpu.vector_load %arg8[%get3A_1742] {strides = array<i32>} : memref<2048xf32, #tpu.memory_space<vmem>>, vector<16xf32>,
      %get3A_1744 = vector.shape_cast %get3A_1743 : vector<16xf32> to vector<16xf32>
      %sub3A_1745 = arith.subf %get3A_1741, %get3A_1744 : vector<16xf32>
      %add3A_1746 = arith.addf %add3A_1734, %sub3A_1745 : vector<16xf32>
      %exp3A_1747 = math.exp %sub3A_1745 : vector<16xf32>
      %add3A_1748 = arith.addf %add3A_1736, %exp3A_1747 : vector<16xf32>
      %get3A_1749 = arith.constant 14 : i32
      %get3A_1750 = arith.index_cast %get3A_1749 : i32 to index
      %get3A_1751 = arith.constant 112 : index
      %get3A_1752 = tpu.vector_load %arg7[%get3A_1750, %get3A_1751] {strides = array<i32>} : memref<16x128xf32, #tpu.memory_space<vmem>>, vector<1x16xf32>,
      %get3A_1753 = vector.shape_cast %get3A_1752 : vector<1x16xf32> to vector<16xf32>
      %get3A_1754 = arith.constant 1904 : index
      %get3A_1755 = tpu.vector_load %arg8[%get3A_1754] {strides = array<i32>} : memref<2048xf32, #tpu.memory_space<vmem>>, vector<16xf32>,
      %get3A_1756 = vector.shape_cast %get3A_1755 : vector<16xf32> to vector<16xf32>
      %sub3A_1757 = arith.subf %get3A_1753, %get3A_1756 : vector<16xf32>
      %add3A_1758 = arith.addf %add3A_1746, %sub3A_1757 : vector<16xf32>
      %exp3A_1759 = math.exp %sub3A_1757 : vector<16xf32>
      %add3A_1760 = arith.addf %add3A_1748, %exp3A_1759 : vector<16xf32>
      %get3A_1761 = arith.constant 15 : i32
      %get3A_1762 = arith.index_cast %get3A_1761 : i32 to index
      %get3A_1763 = arith.constant 0 : index
      %get3A_1764 = tpu.vector_load %arg7[%get3A_1762, %get3A_1763] {strides = array<i32>} : memref<16x128xf32, #tpu.memory_space<vmem>>, vector<1x16xf32>,
      %get3A_1765 = vector.shape_cast %get3A_1764 : vector<1x16xf32> to vector<16xf32>
      %get3A_1766 = arith.constant 1920 : index
      %get3A_1767 = tpu.vector_load %arg8[%get3A_1766] {strides = array<i32>} : memref<2048xf32, #tpu.memory_space<vmem>>, vector<16xf32>,
      %get3A_1768 = vector.shape_cast %get3A_1767 : vector<16xf32> to vector<16xf32>
      %sub3A_1769 = arith.subf %get3A_1765, %get3A_1768 : vector<16xf32>
      %add3A_1770 = arith.addf %add3A_1758, %sub3A_1769 : vector<16xf32>
      %exp3A_1771 = math.exp %sub3A_1769 : vector<16xf32>
      %add3A_1772 = arith.addf %add3A_1760, %exp3A_1771 : vector<16xf32>
      %get3A_1773 = arith.constant 15 : i32
      %get3A_1774 = arith.index_cast %get3A_1773 : i32 to index
      %get3A_1775 = arith.constant 16 : index
      %get3A_1776 = tpu.vector_load %arg7[%get3A_1774, %get3A_1775] {strides = array<i32>} : memref<16x128xf32, #tpu.memory_space<vmem>>, vector<1x16xf32>,
      %get3A_1777 = vector.shape_cast %get3A_1776 : vector<1x16xf32> to vector<16xf32>
      %get3A_1778 = arith.constant 1936 : index
      %get3A_1779 = tpu.vector_load %arg8[%get3A_1778] {strides = array<i32>} : memref<2048xf32, #tpu.memory_space<vmem>>, vector<16xf32>,
      %get3A_1780 = vector.shape_cast %get3A_1779 : vector<16xf32> to vector<16xf32>
      %sub3A_1781 = arith.subf %get3A_1777, %get3A_1780 : vector<16xf32>
      %add3A_1782 = arith.addf %add3A_1770, %sub3A_1781 : vector<16xf32>
      %exp3A_1783 = math.exp %sub3A_1781 : vector<16xf32>
      %add3A_1784 = arith.addf %add3A_1772, %exp3A_1783 : vector<16xf32>
      %get3A_1785 = arith.constant 15 : i32
      %get3A_1786 = arith.index_cast %get3A_1785 : i32 to index
      %get3A_1787 = arith.constant 32 : index
      %get3A_1788 = tpu.vector_load %arg7[%get3A_1786, %get3A_1787] {strides = array<i32>} : memref<16x128xf32, #tpu.memory_space<vmem>>, vector<1x16xf32>,
      %get3A_1789 = vector.shape_cast %get3A_1788 : vector<1x16xf32> to vector<16xf32>
      %get3A_1790 = arith.constant 1952 : index
      %get3A_1791 = tpu.vector_load %arg8[%get3A_1790] {strides = array<i32>} : memref<2048xf32, #tpu.memory_space<vmem>>, vector<16xf32>,
      %get3A_1792 = vector.shape_cast %get3A_1791 : vector<16xf32> to vector<16xf32>
      %sub3A_1793 = arith.subf %get3A_1789, %get3A_1792 : vector<16xf32>
      %add3A_1794 = arith.addf %add3A_1782, %sub3A_1793 : vector<16xf32>
      %exp3A_1795 = math.exp %sub3A_1793 : vector<16xf32>
      %add3A_1796 = arith.addf %add3A_1784, %exp3A_1795 : vector<16xf32>
      %get3A_1797 = arith.constant 15 : i32
      %get3A_1798 = arith.index_cast %get3A_1797 : i32 to index
      %get3A_1799 = arith.constant 48 : index
      %get3A_1800 = tpu.vector_load %arg7[%get3A_1798, %get3A_1799] {strides = array<i32>} : memref<16x128xf32, #tpu.memory_space<vmem>>, vector<1x16xf32>,
      %get3A_1801 = vector.shape_cast %get3A_1800 : vector<1x16xf32> to vector<16xf32>
      %get3A_1802 = arith.constant 1968 : index
      %get3A_1803 = tpu.vector_load %arg8[%get3A_1802] {strides = array<i32>} : memref<2048xf32, #tpu.memory_space<vmem>>, vector<16xf32>,
      %get3A_1804 = vector.shape_cast %get3A_1803 : vector<16xf32> to vector<16xf32>
      %sub3A_1805 = arith.subf %get3A_1801, %get3A_1804 : vector<16xf32>
      %add3A_1806 = arith.addf %add3A_1794, %sub3A_1805 : vector<16xf32>
      %exp3A_1807 = math.exp %sub3A_1805 : vector<16xf32>
      %add3A_1808 = arith.addf %add3A_1796, %exp3A_1807 : vector<16xf32>
      %get3A_1809 = arith.constant 15 : i32
      %get3A_1810 = arith.index_cast %get3A_1809 : i32 to index
      %get3A_1811 = arith.constant 64 : index
      %get3A_1812 = tpu.vector_load %arg7[%get3A_1810, %get3A_1811] {strides = array<i32>} : memref<16x128xf32, #tpu.memory_space<vmem>>, vector<1x16xf32>,
      %get3A_1813 = vector.shape_cast %get3A_1812 : vector<1x16xf32> to vector<16xf32>
      %get3A_1814 = arith.constant 1984 : index
      %get3A_1815 = tpu.vector_load %arg8[%get3A_1814] {strides = array<i32>} : memref<2048xf32, #tpu.memory_space<vmem>>, vector<16xf32>,
      %get3A_1816 = vector.shape_cast %get3A_1815 : vector<16xf32> to vector<16xf32>
      %sub3A_1817 = arith.subf %get3A_1813, %get3A_1816 : vector<16xf32>
      %add3A_1818 = arith.addf %add3A_1806, %sub3A_1817 : vector<16xf32>
      %exp3A_1819 = math.exp %sub3A_1817 : vector<16xf32>
      %add3A_1820 = arith.addf %add3A_1808, %exp3A_1819 : vector<16xf32>
      %get3A_1821 = arith.constant 15 : i32
      %get3A_1822 = arith.index_cast %get3A_1821 : i32 to index
      %get3A_1823 = arith.constant 80 : index
      %get3A_1824 = tpu.vector_load %arg7[%get3A_1822, %get3A_1823] {strides = array<i32>} : memref<16x128xf32, #tpu.memory_space<vmem>>, vector<1x16xf32>,
      %get3A_1825 = vector.shape_cast %get3A_1824 : vector<1x16xf32> to vector<16xf32>
      %get3A_1826 = arith.constant 2000 : index
      %get3A_1827 = tpu.vector_load %arg8[%get3A_1826] {strides = array<i32>} : memref<2048xf32, #tpu.memory_space<vmem>>, vector<16xf32>,
      %get3A_1828 = vector.shape_cast %get3A_1827 : vector<16xf32> to vector<16xf32>
      %sub3A_1829 = arith.subf %get3A_1825, %get3A_1828 : vector<16xf32>
      %add3A_1830 = arith.addf %add3A_1818, %sub3A_1829 : vector<16xf32>
      %exp3A_1831 = math.exp %sub3A_1829 : vector<16xf32>
      %add3A_1832 = arith.addf %add3A_1820, %exp3A_1831 : vector<16xf32>
      %get3A_1833 = arith.constant 15 : i32
      %get3A_1834 = arith.index_cast %get3A_1833 : i32 to index
      %get3A_1835 = arith.constant 96 : index
      %get3A_1836 = tpu.vector_load %arg7[%get3A_1834, %get3A_1835] {strides = array<i32>} : memref<16x128xf32, #tpu.memory_space<vmem>>, vector<1x16xf32>,
      %get3A_1837 = vector.shape_cast %get3A_1836 : vector<1x16xf32> to vector<16xf32>
      %get3A_1838 = arith.constant 2016 : index
      %get3A_1839 = tpu.vector_load %arg8[%get3A_1838] {strides = array<i32>} : memref<2048xf32, #tpu.memory_space<vmem>>, vector<16xf32>,
      %get3A_1840 = vector.shape_cast %get3A_1839 : vector<16xf32> to vector<16xf32>
      %sub3A_1841 = arith.subf %get3A_1837, %get3A_1840 : vector<16xf32>
      %add3A_1842 = arith.addf %add3A_1830, %sub3A_1841 : vector<16xf32>
      %exp3A_1843 = math.exp %sub3A_1841 : vector<16xf32>
      %add3A_1844 = arith.addf %add3A_1832, %exp3A_1843 : vector<16xf32>
      %get3A_1845 = arith.constant 15 : i32
      %get3A_1846 = arith.index_cast %get3A_1845 : i32 to index
      %get3A_1847 = arith.constant 112 : index
      %get3A_1848 = tpu.vector_load %arg7[%get3A_1846, %get3A_1847] {strides = array<i32>} : memref<16x128xf32, #tpu.memory_space<vmem>>, vector<1x16xf32>,
      %get3A_1849 = vector.shape_cast %get3A_1848 : vector<1x16xf32> to vector<16xf32>
      %get3A_1850 = arith.constant 2032 : index
      %get3A_1851 = tpu.vector_load %arg8[%get3A_1850] {strides = array<i32>} : memref<2048xf32, #tpu.memory_space<vmem>>, vector<16xf32>,
      %get3A_1852 = vector.shape_cast %get3A_1851 : vector<16xf32> to vector<16xf32>
      %sub3A_1853 = arith.subf %get3A_1849, %get3A_1852 : vector<16xf32>
      %add3A_1854 = arith.addf %add3A_1842, %sub3A_1853 : vector<16xf32>
      %exp3A_1855 = math.exp %sub3A_1853 : vector<16xf32>
      %add3A_1856 = arith.addf %add3A_1844, %exp3A_1855 : vector<16xf32>
      %mul3A_1857 = arith.constant 7.812500e-03 : f32
      %mul3A_1858 = vector.broadcast %mul3A_1857 : f32 to vector<16xf32>
      %mul3A_1859 = arith.mulf %add3A_1856, %mul3A_1858 : vector<16xf32>
      %swap3A = arith.constant 0 : index
      %swap3A_1860 = tpu.vector_load %arg9[%swap3A] {strides = array<i32>} : memref<32xf32, #tpu.memory_space<vmem>>, vector<16xf32>,
      %swap3A_1861 = vector.shape_cast %swap3A_1860 : vector<16xf32> to vector<16xf32>
      %swap3A_1862 = vector.shape_cast %mul3A_1859 : vector<16xf32> to vector<16xf32>
      tpu.vector_store %arg9[%swap3A], %swap3A_1862 {strides = array<i32>} : memref<32xf32, #tpu.memory_space<vmem>>, vector<16xf32>,
      %mul3A_1863 = arith.constant 7.812500e-03 : f32
      %mul3A_1864 = vector.broadcast %mul3A_1863 : f32 to vector<16xf32>
      %mul3A_1865 = arith.mulf %add3A_1854, %mul3A_1864 : vector<16xf32>
      %swap3A_1866 = arith.constant 16 : index
      %swap3A_1867 = tpu.vector_load %arg9[%swap3A_1866] {strides = array<i32>} : memref<32xf32, #tpu.memory_space<vmem>>, vector<16xf32>,
      %swap3A_1868 = vector.shape_cast %swap3A_1867 : vector<16xf32> to vector<16xf32>
      %swap3A_1869 = vector.shape_cast %mul3A_1865 : vector<16xf32> to vector<16xf32>
      tpu.vector_store %arg9[%swap3A_1866], %swap3A_1869 {strides = array<i32>} : memref<32xf32, #tpu.memory_space<vmem>>, vector<16xf32>,
      "tpu.region"() ({
        %run_scoped3A = tpu.sem_alloc : memref<!tpu.dma_semaphore, #tpu.memory_space<semaphore_mem>>
        %dma_start3A_1870 = arith.constant 0 : i32
        %dma_start3A_1871 = tpu.memref_slice %arg5[%add3A, %dma_start3A_1870] : memref<8x32xf32, #tpu.memory_space<hbm>> -> memref<1x32xf32, #tpu.memory_space<hbm>>
        %dma_start3A_1872 = tpu.memref_squeeze %dma_start3A_1871 : memref<1x32xf32, #tpu.memory_space<hbm>> -> memref<32xf32, #tpu.memory_space<hbm>>
        %dma_start3A_1873 = arith.constant 0 : i32
        %dma_start3A_1874 = tpu.memref_slice %arg5[%add3A, %dma_start3A_1873] : memref<8x32xf32, #tpu.memory_space<hbm>> -> memref<1x32xf32, #tpu.memory_space<hbm>>
        %dma_start3A_1875 = tpu.memref_squeeze %dma_start3A_1874 : memref<1x32xf32, #tpu.memory_space<hbm>> -> memref<32xf32, #tpu.memory_space<hbm>>
        tpu.enqueue_dma source(%arg9 : memref<32xf32, #tpu.memory_space<vmem>>) target(%dma_start3A_1875 : memref<32xf32, #tpu.memory_space<hbm>>) target_semaphore(%run_scoped3A : memref<!tpu.dma_semaphore, #tpu.memory_space<semaphore_mem>>)
        %dma_wait3A_1876 = arith.constant 0 : i32
        %dma_wait3A_1877 = tpu.memref_slice %arg5[%add3A, %dma_wait3A_1876] : memref<8x32xf32, #tpu.memory_space<hbm>> -> memref<1x32xf32, #tpu.memory_space<hbm>>
        %dma_wait3A_1878 = tpu.memref_squeeze %dma_wait3A_1877 : memref<1x32xf32, #tpu.memory_space<hbm>> -> memref<32xf32, #tpu.memory_space<hbm>>
        %dma_wait3A_1879 = arith.constant 0 : i32
        %dma_wait3A_1880 = tpu.memref_slice %arg5[%add3A, %dma_wait3A_1879] : memref<8x32xf32, #tpu.memory_space<hbm>> -> memref<1x32xf32, #tpu.memory_space<hbm>>
        %dma_wait3A_1881 = tpu.memref_squeeze %dma_wait3A_1880 : memref<1x32xf32, #tpu.memory_space<hbm>> -> memref<32xf32, #tpu.memory_space<hbm>>
        tpu.wait_dma2 semaphore(%run_scoped3A : memref<!tpu.dma_semaphore, #tpu.memory_space<semaphore_mem>>) src(%arg9 : memref<32xf32, #tpu.memory_space<vmem>>) dst(%dma_wait3A_1881 : memref<32xf32, #tpu.memory_space<hbm>>)
        tpu.yield
      }) : () -> ()
    } else {
    }
    return
  }
}

module attributes {stable_mosaic.version = 14 : i64} {
  func.func @_tc_body(%arg0: i32, %arg1: memref<128x1024xf32, #tpu.memory_space<vmem>>, %arg2: memref<1024x2048xf32, #tpu.memory_space<vmem>>, %arg3: memref<1x2048xf32, #tpu.memory_space<vmem>>, %arg4: memref<128x2048xf32, #tpu.memory_space<vmem>>, %arg5: memref<128x1xi32, #tpu.memory_space<vmem>>, %arg6: memref<128x1xf32, #tpu.memory_space<vmem>>, %arg7: memref<128x1xf32, #tpu.memory_space<vmem>>, %arg8: memref<128x1xf32, #tpu.memory_space<vmem>>, %arg9: memref<128x1xf32, #tpu.memory_space<vmem>>, %arg10: memref<128x1xi32, #tpu.memory_space<vmem>>) attributes {dimension_semantics = [#tpu.dimension_semantics<arbitrary>], iteration_bounds = array<i64: 49>, scalar_prefetch = 0 : i64, scratch_operands = 4 : i64, tpu.core_type = #tpu.core_type<tc>, window_params = [{pipeline_mode = #tpu.pipeline_mode<synchronous>, transform_indices = @transform_0, window_bounds = array<i64: 128, 1024>}, {transform_indices = @transform_1, window_bounds = array<i64: 1024, 2048>}, {transform_indices = @transform_2, window_bounds = array<i64: 1, 2048>}, {transform_indices = @transform_3, window_bounds = array<i64: 128, 2048>}, {pipeline_mode = #tpu.pipeline_mode<synchronous>, transform_indices = @transform_4, window_bounds = array<i64: 128, 1>}, {pipeline_mode = #tpu.pipeline_mode<synchronous>, transform_indices = @transform_5, window_bounds = array<i64: 128, 1>}]} {
    %get3A = arith.constant 0 : index
    %get3A_0 = arith.constant 0 : index
    %get3A_1 = vector.load %arg1[%get3A, %get3A_0] : memref<128x1024xf32, #tpu.memory_space<vmem>>, vector<128x1024xf32>
    %get3A_2 = arith.constant 0 : index
    %get3A_3 = arith.constant 0 : index
    %get3A_4 = vector.load %arg2[%get3A_2, %get3A_3] : memref<1024x2048xf32, #tpu.memory_space<vmem>>, vector<1024x2048xf32>
    %dot_general3A = arith.constant dense<0.000000e+00> : vector<128x2048xf32>
    %dot_general3A_5 = tpu.matmul %get3A_1, %get3A_4, %dot_general3A {dimension_numbers = #tpu.dot_dimension_numbers<[1], [0], [0], [1], [0, 0, 1, 1], [], []>, transpose_lhs_hint = false} : vector<128x1024xf32>, vector<1024x2048xf32>, vector<128x2048xf32> -> vector<128x2048xf32>
    %get3A_6 = arith.constant 0 : index
    %get3A_7 = arith.constant 0 : index
    %get3A_8 = vector.load %arg3[%get3A_6, %get3A_7] : memref<1x2048xf32, #tpu.memory_space<vmem>>, vector<1x2048xf32>
    %add3A = vector.broadcast %get3A_8 : vector<1x2048xf32> to vector<128x2048xf32>
    %add3A_9 = arith.addf %dot_general3A_5, %add3A : vector<128x2048xf32>
    %swap3A = arith.constant 0 : index
    %swap3A_10 = arith.constant 0 : index
    %swap3A_11 = vector.load %arg4[%swap3A, %swap3A_10] : memref<128x2048xf32, #tpu.memory_space<vmem>>, vector<128x2048xf32>
    tpu.vector_store %arg4[%swap3A, %swap3A_10], %add3A_9 {strides = array<i32>} : memref<128x2048xf32, #tpu.memory_space<vmem>>, vector<128x2048xf32>,
    %eq3A = arith.constant 0 : i32
    %eq3A_12 = arith.cmpi eq, %arg0, %eq3A : i32
    %convert_element_type3A = arith.extui %eq3A_12 : i1 to i32
    %cond3A = arith.constant 0 : i32
    %cond3A_13 = arith.cmpi ne, %convert_element_type3A, %cond3A : i32
    scf.if %cond3A_13 {
      %broadcast_in_dim3A_344 = arith.constant 0xFF800000 : f32
      %broadcast_in_dim3A_345 = vector.broadcast %broadcast_in_dim3A_344 : f32 to vector<128x1xf32>
      %swap3A_346 = arith.constant 0 : index
      %swap3A_347 = arith.constant 0 : index
      %swap3A_348 = vector.load %arg7[%swap3A_346, %swap3A_347] : memref<128x1xf32, #tpu.memory_space<vmem>>, vector<128x1xf32>
      tpu.vector_store %arg7[%swap3A_346, %swap3A_347], %broadcast_in_dim3A_345 {strides = array<i32>} : memref<128x1xf32, #tpu.memory_space<vmem>>, vector<128x1xf32>,
      %broadcast_in_dim3A_349 = arith.constant 0.000000e+00 : f32
      %broadcast_in_dim3A_350 = vector.broadcast %broadcast_in_dim3A_349 : f32 to vector<128x1xf32>
      %swap3A_351 = arith.constant 0 : index
      %swap3A_352 = arith.constant 0 : index
      %swap3A_353 = vector.load %arg8[%swap3A_351, %swap3A_352] : memref<128x1xf32, #tpu.memory_space<vmem>>, vector<128x1xf32>
      tpu.vector_store %arg8[%swap3A_351, %swap3A_352], %broadcast_in_dim3A_350 {strides = array<i32>} : memref<128x1xf32, #tpu.memory_space<vmem>>, vector<128x1xf32>,
      %broadcast_in_dim3A_354 = arith.constant 0xFF800000 : f32
      %broadcast_in_dim3A_355 = vector.broadcast %broadcast_in_dim3A_354 : f32 to vector<128x1xf32>
      %swap3A_356 = arith.constant 0 : index
      %swap3A_357 = arith.constant 0 : index
      %swap3A_358 = vector.load %arg9[%swap3A_356, %swap3A_357] : memref<128x1xf32, #tpu.memory_space<vmem>>, vector<128x1xf32>
      tpu.vector_store %arg9[%swap3A_356, %swap3A_357], %broadcast_in_dim3A_355 {strides = array<i32>} : memref<128x1xf32, #tpu.memory_space<vmem>>, vector<128x1xf32>,
      %broadcast_in_dim3A_359 = arith.constant 0 : i32
      %broadcast_in_dim3A_360 = vector.broadcast %broadcast_in_dim3A_359 : i32 to vector<128x1xi32>
      %swap3A_361 = arith.constant 0 : index
      %swap3A_362 = arith.constant 0 : index
      %swap3A_363 = vector.load %arg10[%swap3A_361, %swap3A_362] : memref<128x1xi32, #tpu.memory_space<vmem>>, vector<128x1xi32>
      tpu.vector_store %arg10[%swap3A_361, %swap3A_362], %broadcast_in_dim3A_360 {strides = array<i32>} : memref<128x1xi32, #tpu.memory_space<vmem>>, vector<128x1xi32>,
    } else {
    }
    %iota3A = tpu.iota {dimensions = array<i32: 0>} : vector<128x2048xi32>
    %mul3A = arith.constant 2048 : i32
    %mul3A_14 = arith.muli %arg0, %mul3A : i32
    %iota3A_15 = tpu.iota {dimensions = array<i32: 1>} : vector<128x2048xi32>
    %add3A_16 = vector.broadcast %mul3A_14 : i32 to vector<128x2048xi32>
    %add3A_17 = arith.addi %add3A_16, %iota3A_15 : vector<128x2048xi32>
    %lt3A = arith.constant 100000 : i32
    %lt3A_18 = vector.broadcast %lt3A : i32 to vector<128x2048xi32>
    %lt3A_19 = arith.cmpi slt, %add3A_17, %lt3A_18 : vector<128x2048xi32>
    %mul3A_20 = arith.constant 100000 : i32
    %mul3A_21 = vector.broadcast %mul3A_20 : i32 to vector<128x2048xi32>
    %mul3A_22 = arith.muli %iota3A, %mul3A_21 : vector<128x2048xi32>
    %iota3A_23 = tpu.iota {dimensions = array<i32: 1>} : vector<128x2048xi32>
    %add3A_24 = arith.addi %mul3A_22, %iota3A_23 : vector<128x2048xi32>
    %mul3A_25 = arith.constant 2048 : i32
    %mul3A_26 = arith.muli %arg0, %mul3A_25 : i32
    %add3A_27 = vector.broadcast %mul3A_26 : i32 to vector<128x2048xi32>
    %add3A_28 = arith.addi %add3A_24, %add3A_27 : vector<128x2048xi32>
    %jit3A = arith.constant 0xFF800000 : f32
    %broadcast_in_dim3A = vector.broadcast %jit3A : f32 to vector<128x2048xf32>
    %select_n3A = arith.select %lt3A_19, %add3A_9, %broadcast_in_dim3A : vector<128x2048xi1>, vector<128x2048xf32>
    %xor3A = arith.constant 466688986 : i32
    %xor3A_29 = arith.constant 42 : i32
    %xor3A_30 = arith.xori %xor3A, %xor3A_29 : i32
    %broadcast_in_dim3A_31 = arith.constant 0 : i32
    %broadcast_in_dim3A_32 = vector.broadcast %broadcast_in_dim3A_31 : i32 to vector<128x2048xi32>
    %add3A_33 = arith.constant 0 : i32
    %add3A_34 = vector.broadcast %add3A_33 : i32 to vector<128x2048xi32>
    %add3A_35 = arith.addi %broadcast_in_dim3A_32, %add3A_34 : vector<128x2048xi32>
    %add3A_36 = arith.constant 42 : i32
    %add3A_37 = vector.broadcast %add3A_36 : i32 to vector<128x2048xi32>
    %add3A_38 = arith.addi %add3A_28, %add3A_37 : vector<128x2048xi32>
    %add3A_39 = arith.addi %add3A_35, %add3A_38 : vector<128x2048xi32>
    %shift_left3A = arith.constant 13 : i32
    %shift_left3A_40 = vector.broadcast %shift_left3A : i32 to vector<128x2048xi32>
    %shift_left3A_41 = arith.shli %add3A_38, %shift_left3A_40 : vector<128x2048xi32>
    %shift_right_logical3A = arith.constant 19 : i32
    %shift_right_logical3A_42 = vector.broadcast %shift_right_logical3A : i32 to vector<128x2048xi32>
    %shift_right_logical3A_43 = arith.shrui %add3A_38, %shift_right_logical3A_42 : vector<128x2048xi32>
    %or3A = arith.ori %shift_left3A_41, %shift_right_logical3A_43 : vector<128x2048xi32>
    %xor3A_44 = arith.xori %add3A_39, %or3A : vector<128x2048xi32>
    %add3A_45 = arith.addi %add3A_39, %xor3A_44 : vector<128x2048xi32>
    %shift_left3A_46 = arith.constant 15 : i32
    %shift_left3A_47 = vector.broadcast %shift_left3A_46 : i32 to vector<128x2048xi32>
    %shift_left3A_48 = arith.shli %xor3A_44, %shift_left3A_47 : vector<128x2048xi32>
    %shift_right_logical3A_49 = arith.constant 17 : i32
    %shift_right_logical3A_50 = vector.broadcast %shift_right_logical3A_49 : i32 to vector<128x2048xi32>
    %shift_right_logical3A_51 = arith.shrui %xor3A_44, %shift_right_logical3A_50 : vector<128x2048xi32>
    %or3A_52 = arith.ori %shift_left3A_48, %shift_right_logical3A_51 : vector<128x2048xi32>
    %xor3A_53 = arith.xori %add3A_45, %or3A_52 : vector<128x2048xi32>
    %add3A_54 = arith.addi %add3A_45, %xor3A_53 : vector<128x2048xi32>
    %shift_left3A_55 = arith.constant 26 : i32
    %shift_left3A_56 = vector.broadcast %shift_left3A_55 : i32 to vector<128x2048xi32>
    %shift_left3A_57 = arith.shli %xor3A_53, %shift_left3A_56 : vector<128x2048xi32>
    %shift_right_logical3A_58 = arith.constant 6 : i32
    %shift_right_logical3A_59 = vector.broadcast %shift_right_logical3A_58 : i32 to vector<128x2048xi32>
    %shift_right_logical3A_60 = arith.shrui %xor3A_53, %shift_right_logical3A_59 : vector<128x2048xi32>
    %or3A_61 = arith.ori %shift_left3A_57, %shift_right_logical3A_60 : vector<128x2048xi32>
    %xor3A_62 = arith.xori %add3A_54, %or3A_61 : vector<128x2048xi32>
    %add3A_63 = arith.addi %add3A_54, %xor3A_62 : vector<128x2048xi32>
    %shift_left3A_64 = arith.constant 6 : i32
    %shift_left3A_65 = vector.broadcast %shift_left3A_64 : i32 to vector<128x2048xi32>
    %shift_left3A_66 = arith.shli %xor3A_62, %shift_left3A_65 : vector<128x2048xi32>
    %shift_right_logical3A_67 = arith.constant 26 : i32
    %shift_right_logical3A_68 = vector.broadcast %shift_right_logical3A_67 : i32 to vector<128x2048xi32>
    %shift_right_logical3A_69 = arith.shrui %xor3A_62, %shift_right_logical3A_68 : vector<128x2048xi32>
    %or3A_70 = arith.ori %shift_left3A_66, %shift_right_logical3A_69 : vector<128x2048xi32>
    %xor3A_71 = arith.xori %add3A_63, %or3A_70 : vector<128x2048xi32>
    %add3A_72 = arith.constant 42 : i32
    %add3A_73 = vector.broadcast %add3A_72 : i32 to vector<128x2048xi32>
    %add3A_74 = arith.addi %add3A_63, %add3A_73 : vector<128x2048xi32>
    %add3A_75 = vector.broadcast %xor3A_30 : i32 to vector<128x2048xi32>
    %add3A_76 = arith.addi %xor3A_71, %add3A_75 : vector<128x2048xi32>
    %add3A_77 = arith.constant 1 : i32
    %add3A_78 = vector.broadcast %add3A_77 : i32 to vector<128x2048xi32>
    %add3A_79 = arith.addi %add3A_76, %add3A_78 : vector<128x2048xi32>
    %add3A_80 = arith.addi %add3A_74, %add3A_79 : vector<128x2048xi32>
    %shift_left3A_81 = arith.constant 17 : i32
    %shift_left3A_82 = vector.broadcast %shift_left3A_81 : i32 to vector<128x2048xi32>
    %shift_left3A_83 = arith.shli %add3A_79, %shift_left3A_82 : vector<128x2048xi32>
    %shift_right_logical3A_84 = arith.constant 15 : i32
    %shift_right_logical3A_85 = vector.broadcast %shift_right_logical3A_84 : i32 to vector<128x2048xi32>
    %shift_right_logical3A_86 = arith.shrui %add3A_79, %shift_right_logical3A_85 : vector<128x2048xi32>
    %or3A_87 = arith.ori %shift_left3A_83, %shift_right_logical3A_86 : vector<128x2048xi32>
    %xor3A_88 = arith.xori %add3A_80, %or3A_87 : vector<128x2048xi32>
    %add3A_89 = arith.addi %add3A_80, %xor3A_88 : vector<128x2048xi32>
    %shift_left3A_90 = arith.constant 29 : i32
    %shift_left3A_91 = vector.broadcast %shift_left3A_90 : i32 to vector<128x2048xi32>
    %shift_left3A_92 = arith.shli %xor3A_88, %shift_left3A_91 : vector<128x2048xi32>
    %shift_right_logical3A_93 = arith.constant 3 : i32
    %shift_right_logical3A_94 = vector.broadcast %shift_right_logical3A_93 : i32 to vector<128x2048xi32>
    %shift_right_logical3A_95 = arith.shrui %xor3A_88, %shift_right_logical3A_94 : vector<128x2048xi32>
    %or3A_96 = arith.ori %shift_left3A_92, %shift_right_logical3A_95 : vector<128x2048xi32>
    %xor3A_97 = arith.xori %add3A_89, %or3A_96 : vector<128x2048xi32>
    %add3A_98 = arith.addi %add3A_89, %xor3A_97 : vector<128x2048xi32>
    %shift_left3A_99 = arith.constant 16 : i32
    %shift_left3A_100 = vector.broadcast %shift_left3A_99 : i32 to vector<128x2048xi32>
    %shift_left3A_101 = arith.shli %xor3A_97, %shift_left3A_100 : vector<128x2048xi32>
    %shift_right_logical3A_102 = arith.constant 16 : i32
    %shift_right_logical3A_103 = vector.broadcast %shift_right_logical3A_102 : i32 to vector<128x2048xi32>
    %shift_right_logical3A_104 = arith.shrui %xor3A_97, %shift_right_logical3A_103 : vector<128x2048xi32>
    %or3A_105 = arith.ori %shift_left3A_101, %shift_right_logical3A_104 : vector<128x2048xi32>
    %xor3A_106 = arith.xori %add3A_98, %or3A_105 : vector<128x2048xi32>
    %add3A_107 = arith.addi %add3A_98, %xor3A_106 : vector<128x2048xi32>
    %shift_left3A_108 = arith.constant 24 : i32
    %shift_left3A_109 = vector.broadcast %shift_left3A_108 : i32 to vector<128x2048xi32>
    %shift_left3A_110 = arith.shli %xor3A_106, %shift_left3A_109 : vector<128x2048xi32>
    %shift_right_logical3A_111 = arith.constant 8 : i32
    %shift_right_logical3A_112 = vector.broadcast %shift_right_logical3A_111 : i32 to vector<128x2048xi32>
    %shift_right_logical3A_113 = arith.shrui %xor3A_106, %shift_right_logical3A_112 : vector<128x2048xi32>
    %or3A_114 = arith.ori %shift_left3A_110, %shift_right_logical3A_113 : vector<128x2048xi32>
    %xor3A_115 = arith.xori %add3A_107, %or3A_114 : vector<128x2048xi32>
    %add3A_116 = vector.broadcast %xor3A_30 : i32 to vector<128x2048xi32>
    %add3A_117 = arith.addi %add3A_107, %add3A_116 : vector<128x2048xi32>
    %add3A_118 = arith.constant 0 : i32
    %add3A_119 = vector.broadcast %add3A_118 : i32 to vector<128x2048xi32>
    %add3A_120 = arith.addi %xor3A_115, %add3A_119 : vector<128x2048xi32>
    %add3A_121 = arith.constant 2 : i32
    %add3A_122 = vector.broadcast %add3A_121 : i32 to vector<128x2048xi32>
    %add3A_123 = arith.addi %add3A_120, %add3A_122 : vector<128x2048xi32>
    %add3A_124 = arith.addi %add3A_117, %add3A_123 : vector<128x2048xi32>
    %shift_left3A_125 = arith.constant 13 : i32
    %shift_left3A_126 = vector.broadcast %shift_left3A_125 : i32 to vector<128x2048xi32>
    %shift_left3A_127 = arith.shli %add3A_123, %shift_left3A_126 : vector<128x2048xi32>
    %shift_right_logical3A_128 = arith.constant 19 : i32
    %shift_right_logical3A_129 = vector.broadcast %shift_right_logical3A_128 : i32 to vector<128x2048xi32>
    %shift_right_logical3A_130 = arith.shrui %add3A_123, %shift_right_logical3A_129 : vector<128x2048xi32>
    %or3A_131 = arith.ori %shift_left3A_127, %shift_right_logical3A_130 : vector<128x2048xi32>
    %xor3A_132 = arith.xori %add3A_124, %or3A_131 : vector<128x2048xi32>
    %add3A_133 = arith.addi %add3A_124, %xor3A_132 : vector<128x2048xi32>
    %shift_left3A_134 = arith.constant 15 : i32
    %shift_left3A_135 = vector.broadcast %shift_left3A_134 : i32 to vector<128x2048xi32>
    %shift_left3A_136 = arith.shli %xor3A_132, %shift_left3A_135 : vector<128x2048xi32>
    %shift_right_logical3A_137 = arith.constant 17 : i32
    %shift_right_logical3A_138 = vector.broadcast %shift_right_logical3A_137 : i32 to vector<128x2048xi32>
    %shift_right_logical3A_139 = arith.shrui %xor3A_132, %shift_right_logical3A_138 : vector<128x2048xi32>
    %or3A_140 = arith.ori %shift_left3A_136, %shift_right_logical3A_139 : vector<128x2048xi32>
    %xor3A_141 = arith.xori %add3A_133, %or3A_140 : vector<128x2048xi32>
    %add3A_142 = arith.addi %add3A_133, %xor3A_141 : vector<128x2048xi32>
    %shift_left3A_143 = arith.constant 26 : i32
    %shift_left3A_144 = vector.broadcast %shift_left3A_143 : i32 to vector<128x2048xi32>
    %shift_left3A_145 = arith.shli %xor3A_141, %shift_left3A_144 : vector<128x2048xi32>
    %shift_right_logical3A_146 = arith.constant 6 : i32
    %shift_right_logical3A_147 = vector.broadcast %shift_right_logical3A_146 : i32 to vector<128x2048xi32>
    %shift_right_logical3A_148 = arith.shrui %xor3A_141, %shift_right_logical3A_147 : vector<128x2048xi32>
    %or3A_149 = arith.ori %shift_left3A_145, %shift_right_logical3A_148 : vector<128x2048xi32>
    %xor3A_150 = arith.xori %add3A_142, %or3A_149 : vector<128x2048xi32>
    %add3A_151 = arith.addi %add3A_142, %xor3A_150 : vector<128x2048xi32>
    %shift_left3A_152 = arith.constant 6 : i32
    %shift_left3A_153 = vector.broadcast %shift_left3A_152 : i32 to vector<128x2048xi32>
    %shift_left3A_154 = arith.shli %xor3A_150, %shift_left3A_153 : vector<128x2048xi32>
    %shift_right_logical3A_155 = arith.constant 26 : i32
    %shift_right_logical3A_156 = vector.broadcast %shift_right_logical3A_155 : i32 to vector<128x2048xi32>
    %shift_right_logical3A_157 = arith.shrui %xor3A_150, %shift_right_logical3A_156 : vector<128x2048xi32>
    %or3A_158 = arith.ori %shift_left3A_154, %shift_right_logical3A_157 : vector<128x2048xi32>
    %xor3A_159 = arith.xori %add3A_151, %or3A_158 : vector<128x2048xi32>
    %add3A_160 = arith.constant 0 : i32
    %add3A_161 = vector.broadcast %add3A_160 : i32 to vector<128x2048xi32>
    %add3A_162 = arith.addi %add3A_151, %add3A_161 : vector<128x2048xi32>
    %add3A_163 = arith.constant 42 : i32
    %add3A_164 = vector.broadcast %add3A_163 : i32 to vector<128x2048xi32>
    %add3A_165 = arith.addi %xor3A_159, %add3A_164 : vector<128x2048xi32>
    %add3A_166 = arith.constant 3 : i32
    %add3A_167 = vector.broadcast %add3A_166 : i32 to vector<128x2048xi32>
    %add3A_168 = arith.addi %add3A_165, %add3A_167 : vector<128x2048xi32>
    %add3A_169 = arith.addi %add3A_162, %add3A_168 : vector<128x2048xi32>
    %shift_left3A_170 = arith.constant 17 : i32
    %shift_left3A_171 = vector.broadcast %shift_left3A_170 : i32 to vector<128x2048xi32>
    %shift_left3A_172 = arith.shli %add3A_168, %shift_left3A_171 : vector<128x2048xi32>
    %shift_right_logical3A_173 = arith.constant 15 : i32
    %shift_right_logical3A_174 = vector.broadcast %shift_right_logical3A_173 : i32 to vector<128x2048xi32>
    %shift_right_logical3A_175 = arith.shrui %add3A_168, %shift_right_logical3A_174 : vector<128x2048xi32>
    %or3A_176 = arith.ori %shift_left3A_172, %shift_right_logical3A_175 : vector<128x2048xi32>
    %xor3A_177 = arith.xori %add3A_169, %or3A_176 : vector<128x2048xi32>
    %add3A_178 = arith.addi %add3A_169, %xor3A_177 : vector<128x2048xi32>
    %shift_left3A_179 = arith.constant 29 : i32
    %shift_left3A_180 = vector.broadcast %shift_left3A_179 : i32 to vector<128x2048xi32>
    %shift_left3A_181 = arith.shli %xor3A_177, %shift_left3A_180 : vector<128x2048xi32>
    %shift_right_logical3A_182 = arith.constant 3 : i32
    %shift_right_logical3A_183 = vector.broadcast %shift_right_logical3A_182 : i32 to vector<128x2048xi32>
    %shift_right_logical3A_184 = arith.shrui %xor3A_177, %shift_right_logical3A_183 : vector<128x2048xi32>
    %or3A_185 = arith.ori %shift_left3A_181, %shift_right_logical3A_184 : vector<128x2048xi32>
    %xor3A_186 = arith.xori %add3A_178, %or3A_185 : vector<128x2048xi32>
    %add3A_187 = arith.addi %add3A_178, %xor3A_186 : vector<128x2048xi32>
    %shift_left3A_188 = arith.constant 16 : i32
    %shift_left3A_189 = vector.broadcast %shift_left3A_188 : i32 to vector<128x2048xi32>
    %shift_left3A_190 = arith.shli %xor3A_186, %shift_left3A_189 : vector<128x2048xi32>
    %shift_right_logical3A_191 = arith.constant 16 : i32
    %shift_right_logical3A_192 = vector.broadcast %shift_right_logical3A_191 : i32 to vector<128x2048xi32>
    %shift_right_logical3A_193 = arith.shrui %xor3A_186, %shift_right_logical3A_192 : vector<128x2048xi32>
    %or3A_194 = arith.ori %shift_left3A_190, %shift_right_logical3A_193 : vector<128x2048xi32>
    %xor3A_195 = arith.xori %add3A_187, %or3A_194 : vector<128x2048xi32>
    %add3A_196 = arith.addi %add3A_187, %xor3A_195 : vector<128x2048xi32>
    %shift_left3A_197 = arith.constant 24 : i32
    %shift_left3A_198 = vector.broadcast %shift_left3A_197 : i32 to vector<128x2048xi32>
    %shift_left3A_199 = arith.shli %xor3A_195, %shift_left3A_198 : vector<128x2048xi32>
    %shift_right_logical3A_200 = arith.constant 8 : i32
    %shift_right_logical3A_201 = vector.broadcast %shift_right_logical3A_200 : i32 to vector<128x2048xi32>
    %shift_right_logical3A_202 = arith.shrui %xor3A_195, %shift_right_logical3A_201 : vector<128x2048xi32>
    %or3A_203 = arith.ori %shift_left3A_199, %shift_right_logical3A_202 : vector<128x2048xi32>
    %xor3A_204 = arith.xori %add3A_196, %or3A_203 : vector<128x2048xi32>
    %add3A_205 = arith.constant 42 : i32
    %add3A_206 = vector.broadcast %add3A_205 : i32 to vector<128x2048xi32>
    %add3A_207 = arith.addi %add3A_196, %add3A_206 : vector<128x2048xi32>
    %add3A_208 = vector.broadcast %xor3A_30 : i32 to vector<128x2048xi32>
    %add3A_209 = arith.addi %xor3A_204, %add3A_208 : vector<128x2048xi32>
    %add3A_210 = arith.constant 4 : i32
    %add3A_211 = vector.broadcast %add3A_210 : i32 to vector<128x2048xi32>
    %add3A_212 = arith.addi %add3A_209, %add3A_211 : vector<128x2048xi32>
    %add3A_213 = arith.addi %add3A_207, %add3A_212 : vector<128x2048xi32>
    %shift_left3A_214 = arith.constant 13 : i32
    %shift_left3A_215 = vector.broadcast %shift_left3A_214 : i32 to vector<128x2048xi32>
    %shift_left3A_216 = arith.shli %add3A_212, %shift_left3A_215 : vector<128x2048xi32>
    %shift_right_logical3A_217 = arith.constant 19 : i32
    %shift_right_logical3A_218 = vector.broadcast %shift_right_logical3A_217 : i32 to vector<128x2048xi32>
    %shift_right_logical3A_219 = arith.shrui %add3A_212, %shift_right_logical3A_218 : vector<128x2048xi32>
    %or3A_220 = arith.ori %shift_left3A_216, %shift_right_logical3A_219 : vector<128x2048xi32>
    %xor3A_221 = arith.xori %add3A_213, %or3A_220 : vector<128x2048xi32>
    %add3A_222 = arith.addi %add3A_213, %xor3A_221 : vector<128x2048xi32>
    %shift_left3A_223 = arith.constant 15 : i32
    %shift_left3A_224 = vector.broadcast %shift_left3A_223 : i32 to vector<128x2048xi32>
    %shift_left3A_225 = arith.shli %xor3A_221, %shift_left3A_224 : vector<128x2048xi32>
    %shift_right_logical3A_226 = arith.constant 17 : i32
    %shift_right_logical3A_227 = vector.broadcast %shift_right_logical3A_226 : i32 to vector<128x2048xi32>
    %shift_right_logical3A_228 = arith.shrui %xor3A_221, %shift_right_logical3A_227 : vector<128x2048xi32>
    %or3A_229 = arith.ori %shift_left3A_225, %shift_right_logical3A_228 : vector<128x2048xi32>
    %xor3A_230 = arith.xori %add3A_222, %or3A_229 : vector<128x2048xi32>
    %add3A_231 = arith.addi %add3A_222, %xor3A_230 : vector<128x2048xi32>
    %shift_left3A_232 = arith.constant 26 : i32
    %shift_left3A_233 = vector.broadcast %shift_left3A_232 : i32 to vector<128x2048xi32>
    %shift_left3A_234 = arith.shli %xor3A_230, %shift_left3A_233 : vector<128x2048xi32>
    %shift_right_logical3A_235 = arith.constant 6 : i32
    %shift_right_logical3A_236 = vector.broadcast %shift_right_logical3A_235 : i32 to vector<128x2048xi32>
    %shift_right_logical3A_237 = arith.shrui %xor3A_230, %shift_right_logical3A_236 : vector<128x2048xi32>
    %or3A_238 = arith.ori %shift_left3A_234, %shift_right_logical3A_237 : vector<128x2048xi32>
    %xor3A_239 = arith.xori %add3A_231, %or3A_238 : vector<128x2048xi32>
    %add3A_240 = arith.addi %add3A_231, %xor3A_239 : vector<128x2048xi32>
    %shift_left3A_241 = arith.constant 6 : i32
    %shift_left3A_242 = vector.broadcast %shift_left3A_241 : i32 to vector<128x2048xi32>
    %shift_left3A_243 = arith.shli %xor3A_239, %shift_left3A_242 : vector<128x2048xi32>
    %shift_right_logical3A_244 = arith.constant 26 : i32
    %shift_right_logical3A_245 = vector.broadcast %shift_right_logical3A_244 : i32 to vector<128x2048xi32>
    %shift_right_logical3A_246 = arith.shrui %xor3A_239, %shift_right_logical3A_245 : vector<128x2048xi32>
    %or3A_247 = arith.ori %shift_left3A_243, %shift_right_logical3A_246 : vector<128x2048xi32>
    %xor3A_248 = arith.xori %add3A_240, %or3A_247 : vector<128x2048xi32>
    %add3A_249 = vector.broadcast %xor3A_30 : i32 to vector<128x2048xi32>
    %add3A_250 = arith.addi %add3A_240, %add3A_249 : vector<128x2048xi32>
    %add3A_251 = arith.constant 0 : i32
    %add3A_252 = vector.broadcast %add3A_251 : i32 to vector<128x2048xi32>
    %add3A_253 = arith.addi %xor3A_248, %add3A_252 : vector<128x2048xi32>
    %add3A_254 = arith.constant 5 : i32
    %add3A_255 = vector.broadcast %add3A_254 : i32 to vector<128x2048xi32>
    %add3A_256 = arith.addi %add3A_253, %add3A_255 : vector<128x2048xi32>
    %xor3A_257 = arith.xori %add3A_250, %add3A_256 : vector<128x2048xi32>
    %shift_right_logical3A_258 = arith.constant 9 : i32
    %shift_right_logical3A_259 = vector.broadcast %shift_right_logical3A_258 : i32 to vector<128x2048xi32>
    %shift_right_logical3A_260 = arith.shrui %xor3A_257, %shift_right_logical3A_259 : vector<128x2048xi32>
    %or3A_261 = arith.constant 1065353216 : i32
    %or3A_262 = vector.broadcast %or3A_261 : i32 to vector<128x2048xi32>
    %or3A_263 = arith.ori %shift_right_logical3A_260, %or3A_262 : vector<128x2048xi32>
    %bitcast_convert_type3A = tpu.bitcast %or3A_263 : vector<128x2048xi32> -> vector<128x2048xf32>
    %sub3A = arith.constant 1.000000e+00 : f32
    %sub3A_264 = vector.broadcast %sub3A : f32 to vector<128x2048xf32>
    %sub3A_265 = arith.subf %bitcast_convert_type3A, %sub3A_264 : vector<128x2048xf32>
    %sub3A_266 = arith.constant 1.000000e+00 : f32
    %sub3A_267 = arith.constant 1.17549435E-38 : f32
    %sub3A_268 = arith.subf %sub3A_266, %sub3A_267 : f32
    %mul3A_269 = vector.broadcast %sub3A_268 : f32 to vector<128x2048xf32>
    %mul3A_270 = arith.mulf %sub3A_265, %mul3A_269 : vector<128x2048xf32>
    %add3A_271 = arith.constant 1.17549435E-38 : f32
    %add3A_272 = vector.broadcast %add3A_271 : f32 to vector<128x2048xf32>
    %add3A_273 = arith.addf %mul3A_270, %add3A_272 : vector<128x2048xf32>
    %max3A = arith.constant 1.17549435E-38 : f32
    %max3A_274 = vector.broadcast %max3A : f32 to vector<128x2048xf32>
    %max3A_275 = arith.maximumf %max3A_274, %add3A_273 : vector<128x2048xf32>
    %log3A = math.log %max3A_275 : vector<128x2048xf32>
    %neg3A = arith.constant 0.000000e+00 : f32
    %neg3A_276 = vector.broadcast %neg3A : f32 to vector<128x2048xf32>
    %neg3A_277 = arith.subf %neg3A_276, %log3A : vector<128x2048xf32>
    %log3A_278 = math.log %neg3A_277 : vector<128x2048xf32>
    %neg3A_279 = arith.constant 0.000000e+00 : f32
    %neg3A_280 = vector.broadcast %neg3A_279 : f32 to vector<128x2048xf32>
    %neg3A_281 = arith.subf %neg3A_280, %log3A_278 : vector<128x2048xf32>
    %add3A_282 = arith.addf %add3A_9, %neg3A_281 : vector<128x2048xf32>
    %jit3A_283 = arith.constant 0xFF800000 : f32
    %broadcast_in_dim3A_284 = vector.broadcast %jit3A_283 : f32 to vector<128x2048xf32>
    %select_n3A_285 = arith.select %lt3A_19, %add3A_282, %broadcast_in_dim3A_284 : vector<128x2048xi1>, vector<128x2048xf32>
    %reduce_max3A = arith.constant dense<0xFF800000> : vector<128xf32>
    %reduce_max3A_286 = vector.multi_reduction <maximumf>, %select_n3A, %reduce_max3A [1] : vector<128x2048xf32> to vector<128xf32>
    %broadcast_in_dim3A_287 = vector.shape_cast %reduce_max3A_286 : vector<128xf32> to vector<128x1xf32>
    %reduce_max3A_288 = arith.constant dense<0xFF800000> : vector<128xf32>
    %reduce_max3A_289 = vector.multi_reduction <maximumf>, %select_n3A_285, %reduce_max3A_288 [1] : vector<128x2048xf32> to vector<128xf32>
    %broadcast_in_dim3A_290 = vector.shape_cast %reduce_max3A_289 : vector<128xf32> to vector<128x1xf32>
    %eq3A_291 = vector.broadcast %broadcast_in_dim3A_290 : vector<128x1xf32> to vector<128x2048xf32>
    %eq3A_292 = arith.cmpf oeq, %select_n3A_285, %eq3A_291 : vector<128x2048xf32>
    %jit3A_293 = arith.constant 100000 : i32
    %broadcast_in_dim3A_294 = vector.broadcast %jit3A_293 : i32 to vector<128x2048xi32>
    %select_n3A_295 = arith.select %eq3A_292, %add3A_17, %broadcast_in_dim3A_294 : vector<128x2048xi1>, vector<128x2048xi32>
    %reduce_min3A = arith.constant dense<2147483647> : vector<128xi32>
    %reduce_min3A_296 = vector.multi_reduction <minsi>, %select_n3A_295, %reduce_min3A [1] : vector<128x2048xi32> to vector<128xi32>
    %broadcast_in_dim3A_297 = vector.shape_cast %reduce_min3A_296 : vector<128xi32> to vector<128x1xi32>
    %get3A_298 = arith.constant 0 : index
    %get3A_299 = arith.constant 0 : index
    %get3A_300 = vector.load %arg7[%get3A_298, %get3A_299] : memref<128x1xf32, #tpu.memory_space<vmem>>, vector<128x1xf32>
    %max3A_301 = arith.maximumf %get3A_300, %broadcast_in_dim3A_287 : vector<128x1xf32>
    %sub3A_302 = vector.broadcast %max3A_301 : vector<128x1xf32> to vector<128x2048xf32>
    %sub3A_303 = arith.subf %add3A_9, %sub3A_302 : vector<128x2048xf32>
    %exp3A = math.exp %sub3A_303 : vector<128x2048xf32>
    %jit3A_304 = arith.constant 0.000000e+00 : f32
    %broadcast_in_dim3A_305 = vector.broadcast %jit3A_304 : f32 to vector<128x2048xf32>
    %select_n3A_306 = arith.select %lt3A_19, %exp3A, %broadcast_in_dim3A_305 : vector<128x2048xi1>, vector<128x2048xf32>
    %get3A_307 = arith.constant 0 : index
    %get3A_308 = arith.constant 0 : index
    %get3A_309 = vector.load %arg8[%get3A_307, %get3A_308] : memref<128x1xf32, #tpu.memory_space<vmem>>, vector<128x1xf32>
    %sub3A_310 = arith.subf %get3A_300, %max3A_301 : vector<128x1xf32>
    %exp3A_311 = math.exp %sub3A_310 : vector<128x1xf32>
    %mul3A_312 = arith.mulf %get3A_309, %exp3A_311 : vector<128x1xf32>
    %reduce_sum3A = arith.constant dense<0.000000e+00> : vector<128xf32>
    %reduce_sum3A_313 = vector.multi_reduction <add>, %select_n3A_306, %reduce_sum3A [1] : vector<128x2048xf32> to vector<128xf32>
    %broadcast_in_dim3A_314 = vector.shape_cast %reduce_sum3A_313 : vector<128xf32> to vector<128x1xf32>
    %add3A_315 = arith.addf %mul3A_312, %broadcast_in_dim3A_314 : vector<128x1xf32>
    %swap3A_316 = arith.constant 0 : index
    %swap3A_317 = arith.constant 0 : index
    %swap3A_318 = vector.load %arg8[%swap3A_316, %swap3A_317] : memref<128x1xf32, #tpu.memory_space<vmem>>, vector<128x1xf32>
    tpu.vector_store %arg8[%swap3A_316, %swap3A_317], %add3A_315 {strides = array<i32>} : memref<128x1xf32, #tpu.memory_space<vmem>>, vector<128x1xf32>,
    %swap3A_319 = arith.constant 0 : index
    %swap3A_320 = arith.constant 0 : index
    %swap3A_321 = vector.load %arg7[%swap3A_319, %swap3A_320] : memref<128x1xf32, #tpu.memory_space<vmem>>, vector<128x1xf32>
    tpu.vector_store %arg7[%swap3A_319, %swap3A_320], %max3A_301 {strides = array<i32>} : memref<128x1xf32, #tpu.memory_space<vmem>>, vector<128x1xf32>,
    %get3A_322 = arith.constant 0 : index
    %get3A_323 = arith.constant 0 : index
    %get3A_324 = vector.load %arg9[%get3A_322, %get3A_323] : memref<128x1xf32, #tpu.memory_space<vmem>>, vector<128x1xf32>
    %gt3A = arith.cmpf ogt, %broadcast_in_dim3A_290, %get3A_324 : vector<128x1xf32>
    %get3A_325 = arith.constant 0 : index
    %get3A_326 = arith.constant 0 : index
    %get3A_327 = vector.load %arg10[%get3A_325, %get3A_326] : memref<128x1xi32, #tpu.memory_space<vmem>>, vector<128x1xi32>
    %select_n3A_328 = arith.select %gt3A, %broadcast_in_dim3A_297, %get3A_327 : vector<128x1xi1>, vector<128x1xi32>
    %select_n3A_329 = arith.select %gt3A, %broadcast_in_dim3A_290, %get3A_324 : vector<128x1xi1>, vector<128x1xf32>
    %swap3A_330 = arith.constant 0 : index
    %swap3A_331 = arith.constant 0 : index
    %swap3A_332 = vector.load %arg9[%swap3A_330, %swap3A_331] : memref<128x1xf32, #tpu.memory_space<vmem>>, vector<128x1xf32>
    tpu.vector_store %arg9[%swap3A_330, %swap3A_331], %select_n3A_329 {strides = array<i32>} : memref<128x1xf32, #tpu.memory_space<vmem>>, vector<128x1xf32>,
    %swap3A_333 = arith.constant 0 : index
    %swap3A_334 = arith.constant 0 : index
    %swap3A_335 = vector.load %arg10[%swap3A_333, %swap3A_334] : memref<128x1xi32, #tpu.memory_space<vmem>>, vector<128x1xi32>
    tpu.vector_store %arg10[%swap3A_333, %swap3A_334], %select_n3A_328 {strides = array<i32>} : memref<128x1xi32, #tpu.memory_space<vmem>>, vector<128x1xi32>,
    %get3A_336 = arith.constant 0 : index
    %get3A_337 = arith.constant 0 : index
    %get3A_338 = vector.load %arg8[%get3A_336, %get3A_337] : memref<128x1xf32, #tpu.memory_space<vmem>>, vector<128x1xf32>
    %eq3A_339 = arith.constant 48 : i32
    %eq3A_340 = arith.cmpi eq, %arg0, %eq3A_339 : i32
    %convert_element_type3A_341 = arith.extui %eq3A_340 : i1 to i32
    %cond3A_342 = arith.constant 0 : i32
    %cond3A_343 = arith.cmpi ne, %convert_element_type3A_341, %cond3A_342 : i32
    scf.if %cond3A_343 {
      %swap3A_344 = arith.constant 0 : index
      %swap3A_345 = arith.constant 0 : index
      %swap3A_346 = vector.load %arg5[%swap3A_344, %swap3A_345] : memref<128x1xi32, #tpu.memory_space<vmem>>, vector<128x1xi32>
      tpu.vector_store %arg5[%swap3A_344, %swap3A_345], %select_n3A_328 {strides = array<i32>} : memref<128x1xi32, #tpu.memory_space<vmem>>, vector<128x1xi32>,
      %log3A_347 = math.log %get3A_338 : vector<128x1xf32>
      %add3A_348 = arith.addf %max3A_301, %log3A_347 : vector<128x1xf32>
      %swap3A_349 = arith.constant 0 : index
      %swap3A_350 = arith.constant 0 : index
      %swap3A_351 = vector.load %arg6[%swap3A_349, %swap3A_350] : memref<128x1xf32, #tpu.memory_space<vmem>>, vector<128x1xf32>
      tpu.vector_store %arg6[%swap3A_349, %swap3A_350], %add3A_348 {strides = array<i32>} : memref<128x1xf32, #tpu.memory_space<vmem>>, vector<128x1xf32>,
    } else {
    }
    return
  }
  func.func @transform_0(%arg0: i32) -> (i32, i32) {
    %c0_i32 = arith.constant 0 : i32
    %c0_i32_0 = arith.constant 0 : i32
    %c0_i32_1 = arith.constant 0 : i32
    return %c0_i32, %c0_i32_0 : i32, i32
  }
  func.func @transform_1(%arg0: i32) -> (i32, i32) {
    %c0_i32 = arith.constant 0 : i32
    %c0_i32_0 = arith.constant 0 : i32
    return %c0_i32, %arg0 : i32, i32
  }
  func.func @transform_2(%arg0: i32) -> (i32, i32) {
    %c0_i32 = arith.constant 0 : i32
    %c0_i32_0 = arith.constant 0 : i32
    return %c0_i32, %arg0 : i32, i32
  }
  func.func @transform_3(%arg0: i32) -> (i32, i32) {
    %c0_i32 = arith.constant 0 : i32
    %c0_i32_0 = arith.constant 0 : i32
    return %c0_i32, %arg0 : i32, i32
  }
  func.func @transform_4(%arg0: i32) -> (i32, i32) {
    %c0_i32 = arith.constant 0 : i32
    %c0_i32_0 = arith.constant 0 : i32
    %c0_i32_1 = arith.constant 0 : i32
    return %c0_i32, %c0_i32_0 : i32, i32
  }
  func.func @transform_5(%arg0: i32) -> (i32, i32) {
    %c0_i32 = arith.constant 0 : i32
    %c0_i32_0 = arith.constant 0 : i32
    %c0_i32_1 = arith.constant 0 : i32
    return %c0_i32, %c0_i32_0 : i32, i32
  }
}

</mosaic_0001>

<sc_bundles>
// kernel: kernel.4.cloned.1.call-start
scs
__scs_entry_jumppad:
0x0: {  	(pc) =	sbr.rel $0x88, $3  }
0x1: {  	(tag) =	ssettag $0x0;
	lr =	simm.s32 $0x1  }
0x2: {  	[smem:$0x3F9E] =	sst lr;
	_ =	strace $0xD0000000  }
0x3: {  	_ = 	snop  }
0x4: {  	_ = 	snop  }
0x5: {  	_ = 	snop  }
0x6: {  	_ = 	snop  }
0x7: {  	_ = 	snop  }
__scs_overlays_trampoline_lowered:
0x8: {  	[smem:$0x3FAD] =	sst s0  }
0x9: {  	[smem:$0x3FAE] =	sst s1  }
0xa: {  	[smem:$0x3FAF] =	sst s2  }
0xb: {  	[smem:$0x3FB0] =	sst s3  }
0xc: {  	[smem:$0x3FB1] =	sst s4  }
0xd: {  	[smem:$0x3FB2] =	sst s5  }
0xe: {  	[smem:$0x3FB3] =	sst s6  }
0xf: {  	[smem:$0x3FB4] =	sst s7  }
0x10: {  	[smem:$0x3FB5] =	sst s8  }
0x11: {  	[smem:$0x3FB6] =	sst s9;
	s0 =	simm.s32 @!p0 $0x0  }
0x12: {  	s1 =	sld [smem:$0x3F9C];
	s0 =	simm.s32 @p0 $0x1  }
0x13: {  	[smem:$0x3FB7] =	sst s0;
	s0 =	simm.s32 @!p1 $0x0  }
0x14: {  	s2 =	sld [smem:$0x3F9B];
	s0 =	simm.s32 @p1 $0x1  }
0x15: {  	[smem:$0x3FB8] =	sst s0;
	s0 =	simm.s32 @!p2 $0x0  }
0x16: {  	s3 =	sld [smem:$0x3FDB];
	s0 =	simm.s32 @p2 $0x1  }
0x17: {  	s4 =	simm.s32 $0x1BF5;
	[smem:$0x3FBA] =	sst s0  }
0x18: {  	s0 =	sld [smem:$0x3F9D];
	_ =	swait.ge [sflag:s4], $0x0  }
0x19: {  	s7 =	sld [smem:$0x3F9E]  }
0x1a: {  	s8 =	sadd.s32 $0xFFFFE003, lr  }
0x1b: {  	s9 =	sadd.s32 $0xFFFFFEF7, lr;
	s5 =	simm.s32 $0xFFFFFFFF;
	p2 =	slt.u32 s8, $0xFFFFF086  }
0x1c: {  	p1 =	slt.u32 s9, $0xF7A;
	s5 =	simm.s32 @!p2 $0x0  }
0x1d: {  	s5 =	simm.s32 @p1 $0x1;
	p0 =	seq.s32 s7, s2  }
0x1e: {  	s7 =	smul.u32 @!p0 $0xF7A, s2;
	p2 =	seq.s32 @!p0 s5, $0x0  }
0x1f: {  	s9 =	smul.u32 $0xF7A, s1;
	s8 =	simm.s32 @!p0 $0x1BF5;
	p2 =	por !p2, p0  }
0x20: {  	[sflag:s8] =	ssyncset.s32 @!p0 $0xFFFFF086;
	s6 =	sadd.s32 @!p0 s3, s7;
	s7 =	simm.s32 @!p0 $0x108  }
0x21: {  	s3 =	sadd.s32 s3, s9;
	s6 =	sadd.s32 @!p0 $0x88, s6;
	s7 =	simm.s32 @p2 $0x1082  }
0x22: {  	[simem:s7], [sflag:s8] =	dma.local @!p0 [hbm:s6], $0xF7A  }
0x23: {  	s9 =	sor.u32 $0xD0000000, s2;
	s6 =	simm.s32 $0x108;
	_ =	swait.ge @!p0 [sflag:s8], $0x0  }
0x24: {  	s3 =	sadd.s32 $0x88, s3;
	s6 =	simm.s32 @!p1 $0x1082;
	[sflag:s4] =	ssyncset.s32 $0xFFFFF086  }
0x25: {  	[simem:s6], [sflag:s4] =	dma.local [hbm:s3], $0xF7A  }
0x26: {  	[smem:$0x3F9E] =	sst s1;
	(tag) =	ssettag s2;
	_ =	strace s9  }
0x27: {  	s1 =	sld [smem:$0x3FAE]  }
0x28: {  	s2 =	sld [smem:$0x3FAF]  }
0x29: {  	s4 =	sld [smem:$0x3FB1]  }
0x2a: {  	p0 =	seq.s32 s5, $0x0;
	s5 =	sld [smem:$0x3FB2]  }
0x2b: {  	s6 =	sld [smem:$0x3FB3]  }
0x2c: {  	s7 =	sld [smem:$0x3FB4]  }
0x2d: {  	s3 =	simm.s32 $0x108;
	s8 =	sld [smem:$0x3FB5]  }
0x2e: {  	s3 =	simm.s32 @!p0 $0x1082;
	s9 =	sld [smem:$0x3FB6]  }
0x2f: {  	lr =	sadd.s32 s0, s3;
	s0 =	sld [smem:$0x3FAD]  }
0x30: {  	s3 =	sld [smem:$0x3FB0]  }
0x31: {  	[smem:$0x3FB9] =	sst s10  }
0x32: {  	s10 =	sld [smem:$0x3FB7];
	_ =	sdelay $0x3  }
0x33: {  	p0 =	seq.s32 s10, $0x1;
	s10 =	sld [smem:$0x3FB9];
	_ =	sdelay $0x3  }
0x34: {  	[smem:$0x3FB9] =	sst s10  }
0x35: {  	s10 =	sld [smem:$0x3FB8];
	_ =	sdelay $0x3  }
0x36: {  	p1 =	seq.s32 s10, $0x1;
	s10 =	sld [smem:$0x3FB9];
	_ =	sdelay $0x3  }
0x37: {  	[smem:$0x3FB9] =	sst s10  }
0x38: {  	s10 =	sld [smem:$0x3FBA]  }
0x39: {  	_ = 	snop;
	(pc) =	sbr.ind lr, $3  }
0x3a: {  	_ = 	snop  }
0x3b: {  	_ = 	snop  }
0x3c: {  	p2 =	seq.s32 s10, $0x1;
	s10 =	sld [smem:$0x3FB9]  }
0x3d: {  	_ =	shalt  }
0x3e: {  	_ =	shalt  }
0x3f: {  	_ =	shalt  }
0x40: {  	_ =	shalt  }
0x41: {  	_ =	shalt  }
0x42: {  	_ =	shalt  }
0x43: {  	_ =	shalt  }
0x44: {  	_ =	shalt  }
0x45: {  	_ =	shalt  }
0x46: {  	_ =	shalt  }
0x47: {  	_ =	shalt  }
0x48: {  	_ =	shalt  }
0x49: {  	_ =	shalt  }
0x4a: {  	_ =	shalt  }
0x4b: {  	_ =	shalt  }
0x4c: {  	_ =	shalt  }
0x4d: {  	_ =	shalt  }
0x4e: {  	_ =	shalt  }
0x4f: {  	_ =	shalt  }
0x50: {  	_ =	shalt  }
0x51: {  	_ =	shalt  }
0x52: {  	_ =	shalt  }
0x53: {  	_ =	shalt  }
0x54: {  	_ =	shalt  }
0x55: {  	_ =	shalt  }
0x56: {  	_ =	shalt  }
0x57: {  	_ =	shalt  }
0x58: {  	_ =	shalt  }
0x59: {  	_ =	shalt  }
0x5a: {  	_ =	shalt  }
0x5b: {  	_ =	shalt  }
0x5c: {  	_ =	shalt  }
0x5d: {  	_ =	shalt  }
0x5e: {  	_ =	shalt  }
0x5f: {  	_ =	shalt  }
0x60: {  	_ =	shalt  }
0x61: {  	_ =	shalt  }
0x62: {  	_ =	shalt  }
0x63: {  	_ =	shalt  }
0x64: {  	_ =	shalt  }
0x65: {  	_ =	shalt  }
0x66: {  	_ =	shalt  }
0x67: {  	_ =	shalt  }
0x68: {  	_ =	shalt  }
0x69: {  	_ =	shalt  }
0x6a: {  	_ =	shalt  }
0x6b: {  	_ =	shalt  }
0x6c: {  	_ =	shalt  }
0x6d: {  	_ =	shalt  }
0x6e: {  	_ =	shalt  }
0x6f: {  	_ =	shalt  }
0x70: {  	_ =	shalt  }
0x71: {  	_ =	shalt  }
0x72: {  	_ =	shalt  }
0x73: {  	_ =	shalt  }
0x74: {  	_ =	shalt  }
0x75: {  	_ =	shalt  }
0x76: {  	_ =	shalt  }
0x77: {  	_ =	shalt  }
0x78: {  	_ =	shalt  }
0x79: {  	_ =	shalt  }
0x7a: {  	_ =	shalt  }
0x7b: {  	_ =	shalt  }
0x7c: {  	_ =	shalt  }
0x7d: {  	_ =	shalt  }
0x7e: {  	_ =	shalt  }
0x7f: {  	_ =	shalt  }
0x80: {  	_ =	shalt  }
0x81: {  	_ =	shalt  }
0x82: {  	_ =	shalt  }
0x83: {  	_ =	shalt  }
0x84: {  	_ =	shalt  }
0x85: {  	_ =	shalt  }
0x86: {  	_ =	shalt  }
0x87: {  	_ =	shalt  }
.Lfunc_end0:
.L_simem_size_0:
called_computation_lowered:
.L_overlay_start_0:
0x88: {  	s2 =	sld [smem:$0x3FD9]  }
0x89: {  	s3 =	sld [smem:$0x3FFE];
	_ =	sdelay $0x1  }
0x8a: {  	s1 =	srdreg.scid  }
0x8b: {  	s0 =	sand.u32 $0x1, s1  }
0x8c: {  	s16 =	sshll.u32 s0, $0xA;
	s2 =	sadd.s32 s3, s2  }
0x8d: {  	s2 =	sadd.s32 s2, s16  }
0x8e: {  	[smem:$0x3FC5] =	sst s2  }
0x8f: {  	_ = 	snop  }
0x90: {  	(tm) =	ssettm $0x1  }
0x91: {  	s17 =	sld [smem:$0x3FFB];
	_ =	sdelay $0x3  }
0x92: {  	_ =	strace s17  }
0x93: {  	s2 =	sld [smem:$0x3FFC];
	_ =	sdelay $0x3  }
0x94: {  	_ =	strace s2  }
0x95: {  	s2 =	sld [smem:$0x3FFD];
	_ =	sdelay $0x3  }
0x96: {  	_ =	strace s2  }
0x97: {  	_ =	strace $0x8FFFFFFF  }
0x98: {  	s18 =	sld [smem:$0x3FDB];
	_ =	sdelay $0x1  }
0x99: {  	s19 =	simm.s32 $_scs_section_size  }
0x9a: {  	s4 =	simm.s32 $_size__tile_overlayer_lowered;
	s5 =	simm.s32 $_tile_overlayer_lowered  }
0x9b: {  	s22 =	simm.s32 $0x1BFF;
	s21 =	sshll.u32 s5, $0x1;
	s2 =	sadd.s32 s19, s18  }
0x9c: {  	s6 =	simm.s32 $0x0;
	s20 =	sshll.u32 s4, $0x1;
	s4 =	sadd.s32 s21, s2  }
0x9d: {  	[timem:s6], [sflag:s22] =	dma.local [hbm:s4], s20  }
0x9e: {  	_ =	swait.ge [sflag:s22], s20  }
0x9f: {  	s3 =	ssub.s32 $0x0, s20;
	[sflag:s22] =	ssyncset.done $0x0  }
0xa0: {  	[sflag:s22] =	ssyncadd.s32 s3;
	_ =	sdelay $0x1  }
0xa1: {  	s23 =	simm.s32 $0x1B8B  }
0xa2: {  	_ =	swait.ge [sflag:s23], $0x1  }
0xa3: {  	[sflag:s23] =	ssyncset.done $0x0  }
0xa4: {  	s25 =	simm.s32 $0x1B8E;
	s24 =	sld [smem:$0x3FFE];
	[sflag:s23] =	ssyncadd.s32 $0xFFFFFFFF  }
0xa5: {  	s26 =	simm.s32 $execute0_lowered;
	[smem:$0x3FD2] =	sst s25  }
0xa6: {  	s4 =	sshll.u32 s26, $0x1;
	_ =	strace $0x80000046;
	[dreg:$0x1] =	wrdreg $0xFFFFFFFF  }
0xa7: {  	s28 =	simm.s32 $_size_execute0_lowered;
	s2 =	sadd.s32 s2, s4;
	[dreg:$0x0] =	wrdreg $0x0  }
0xa8: {  	s4 =	sshll.u32 s28, $0x1;
	[dreg:$0x2] =	wrdreg s2  }
0xa9: {  	[dreg:$0x3] =	wrdreg s4  }
0xaa: {  	[dreg:$0x4] =	wrdreg $0xC0  }
0xab: {  	_ =	task [dreg:s6], $0x5FFFF  }
0xac: {  	[dreg:$0x1] =	wrdreg $0xFFFFFFFF  }
0xad: {  	[dreg:$0x0] =	wrdreg $0x60  }
0xae: {  	[dreg:$0x2] =	wrdreg s24  }
0xaf: {  	[dreg:$0x3] =	wrdreg $0x9  }
0xb0: {  	_ =	task.clear_ibuf [dreg:s6], $0x4FFFF;
	_ =	strace $0x90000046  }
0xb1: {  	s29 =	simm.s32 $0x9;
	_ =	strace $0x80000048  }
0xb2: {  	_ =	swait.ge [sflag:s29], $0x1  }
0xb3: {  	[sflag:s29] =	ssyncadd.s32 $0xFFFFFFFF  }
0xb4: {  	_ =	strace $0x90000048  }
0xb5: {  	_ =	sfence  }
0xb6: {  	s30 =	sld [smem:$0x0];
	_ =	sdelay $0x2  }
0xb7: {  	s31 =	sshll.u32 s1, $0xD;
	s1 =	sshrl.u32 s1, $0x2  }
0xb8: {  	s3 =	sand.u32 $0x4000, s31;
	s1 =	sadd.s32 s1, s30  }
0xb9: {  	s0 =	sor.u32 s3, s0;
	s1 =	sshll.u32 s1, $0x11  }
0xba: {  	s0 =	sor.u32 s1, s0  }
0xbb: {  	s0 =	sadd.s32 $0x8F2B, s0  }
0xbc: {  	[sflag:s0] =	ssyncadd.remote.s32 $0x1  }
0xbd: {  	_ =	sfence.sel $0xFFFF  }
0xbe: {  	[dreg:$0x0] =	wrdreg $0xFFFFFFFF;
	(pc) =	sbr.abs _section_cstart, $3  }
0xbf: {  	[dreg:$0x1] =	wrdreg $0xFFFFFFFF  }
0xc0: {  	_ =	task.clear_ibuf [dreg:s6], $0x2FFFF;
	_ =	strace $0x9FFFFFFF  }
0xc1: {  	(tm) =	ssettm $0x7FFFFFFF  }
tec
execute0_lowered:
.L_overlay_start_1:
0x0: {  	(tag) =	ssettag $0x1  }
0x1: {  	s1 =	stileid.u32  }
0x2: {  	p0 =	sgt.u32 s1, $0x3  }
.Ltmp0:
0x3: {  	_ = 	snop;
	(pc) =	sbr.rel @p0 .LBB2_3-.Ltmp0, $4  }
0x4: {  	_ = 	snop  }
0x5: {  	s2 =	simm.s32 $0x0  }
0x6: {  	[smem:$0x7FF] =	sst s2  }
0x7: {  	s0 =	rddreg [dreg:$0x0];
	_ =	strace $0x80000047  }
0x8: {  	s3 =	srdreg.scid;
	s1 =	stileid.u32;
	s6 =	sadd.s32 $0x187200, s0  }
0x9: {  	s7 =	sadd.s32 $0x187000, s0;
	s18 =	simm.s32 $0x1000;
	s19 =	simm.s32 $0x800  }
0xa: {  	s20 =	simm.s32 $0x880;
	s21 =	simm.s32 $0x100;
	s23 =	simm.s32 $0x900  }
0xb: {  	s24 =	simm.s32 $0x180;
	s25 =	simm.s32 $0x980;
	[dreg:$0x2] =	wrdreg s7  }
0xc: {  	s26 =	simm.s32 $0x200;
	s10 =	simm.s32 $0x300;
	[dreg:$0x5] =	wrdreg s18  }
0xd: {  	s11 =	simm.s32 $0xB00;
	s12 =	simm.s32 $0x380;
	[dreg:$0x6] =	wrdreg s19  }
0xe: {  	s13 =	simm.s32 $0xB80;
	s14 =	simm.s32 $0x400;
	[dreg:$0x7] =	wrdreg s20  }
0xf: {  	s15 =	simm.s32 $0xC00;
	s16 =	simm.s32 $0x480;
	[dreg:$0x8] =	wrdreg s21  }
0x10: {  	s28 =	simm.s32 $0xF00;
	s29 =	simm.s32 $0x780;
	[dreg:$0x9] =	wrdreg s23  }
0x11: {  	s30 =	simm.s32 $0xF80;
	s31 =	simm.s32 $0x1;
	[dreg:$0xa] =	wrdreg s24  }
0x12: {  	s4 =	sand.u32 $0x1, s3;
	s17 =	sshll.u32 s1, $0x1;
	[dreg:$0xb] =	wrdreg s25  }
0x13: {  	[dreg:$0xc] =	wrdreg s26;
	s18 =	simm.s32 $0x500;
	s19 =	simm.s32 $0xD00  }
0x14: {  	s20 =	simm.s32 $0x580;
	s21 =	simm.s32 $0xD80;
	s23 =	simm.s32 $0xE00  }
0x15: {  	s24 =	simm.s32 $0x680;
	s25 =	simm.s32 $0xE80;
	s26 =	simm.s32 $0x700  }
0x16: {  	s3 =	sor.u32 s4, s17;
	s4 =	ssub.s32 $0x2, s4;
	s17 =	simm.s32 $0xC80  }
0x17: {  	s5 =	sshll.u32 s3, $0x4;
	s3 =	sshll.u32 s3, $0x8;
	s22 =	sshrl.u32 s4, $0x1  }
0x18: {  	s5 =	sadd.s32 s5, s0;
	s3 =	sadd.s32 s6, s3;
	s4 =	ssub.s32 s4, s22  }
0x19: {  	s6 =	simm.s32 $0x80;
	s22 =	simm.s32 $0x600;
	s5 =	sadd.s32 $0x187A00, s5  }
0x1a: {  	[dreg:$0x4] =	wrdreg s3;
	s3 =	sadd.s32 $0x600, s0;
	s4 =	smax.u32 s4, $0x1  }
0x1b: {  	s0 =	simm.s32 $0x1800;
	[dreg:$0x3] =	wrdreg s5;
	s5 =	simm.s32 $0x2  }
.LBB2_2:
0x1c: {  	s1 =	rddreg [dreg:$0x4]  }
0x1d: {  	[tilespmem:s2], [sflag:$0x2] =	stream.linear.gather [hbm4b:s1+s2], $0x800, $0x38;
	[tilespmem:$0x1880] =	vst v63  }
0x1e: {  	_ =	swait.ge [sflag:s5], $0x800  }
0x1f: {  	s9 =	rddreg [dreg:$0x2];
	[sflag:s5] =	ssyncset.done $0x0  }
0x20: {  	s7 =	rddreg [dreg:$0x5];
	[sflag:s5] =	ssyncadd.s32 $0xFFFFF800  }
0x21: {  	[tilespmem:s7], [sflag:$0x2] =	stream.linear.gather [hbm4b:s9+s2], $0x800, $0x38;
	[tilespmem:$0x1880] =	vst v63  }
0x22: {  	_ =	swait.ge [sflag:s5], $0x800  }
0x23: {  	s8 =	rddreg [dreg:$0x6]  }
0x24: {  	[sflag:s5] =	ssyncset.done $0x0;
	s9 =	rddreg [dreg:$0x7]  }
0x25: {  	s1 =	rddreg [dreg:$0x8];
	[sflag:s5] =	ssyncadd.s32 $0xFFFFF800  }
0x26: {  	[tilespmem:s8], [sflag:$0x1] =	stream.indirect.gather [hbm4b:s3+s6], $0x1, s2, s6, $0xb8;
	[tilespmem:$0x1880] =	vst v63  }
0x27: {  	s7 =	rddreg [dreg:$0x9]  }
0x28: {  	[tilespmem:s9], [sflag:$0x1] =	stream.indirect.gather [hbm4b:s3+s6], $0x1, s6, s6, $0xb8;
	[tilespmem:$0x1880] =	vst v63  }
0x29: {  	s8 =	rddreg [dreg:$0xa]  }
0x2a: {  	[tilespmem:s7], [sflag:$0x1] =	stream.indirect.gather [hbm4b:s3+s6], $0x1, s1, s6, $0xb8;
	[tilespmem:$0x1880] =	vst v63  }
0x2b: {  	s9 =	rddreg [dreg:$0xb]  }
0x2c: {  	[tilespmem:s9], [sflag:$0x1] =	stream.indirect.gather [hbm4b:s3+s6], $0x1, s8, s6, $0xb8;
	[tilespmem:$0x1880] =	vst v63  }
0x2d: {  	s7 =	rddreg [dreg:$0xc];
	s9 =	simm.s32 $0xA00  }
0x2e: {  	[tilespmem:s9], [sflag:$0x1] =	stream.indirect.gather [hbm4b:s3+s6], $0x1, s7, s6, $0xb8;
	[tilespmem:$0x1880] =	vst v63  }
0x2f: {  	s8 =	simm.s32 $0xA80;
	s7 =	simm.s32 $0x280  }
0x30: {  	[tilespmem:s8], [sflag:$0x1] =	stream.indirect.gather [hbm4b:s3+s6], $0x1, s7, s6, $0xb8;
	[tilespmem:$0x1880] =	vst v63  }
0x31: {  	_ = 	snop  }
0x32: {  	[tilespmem:s11], [sflag:$0x1] =	stream.indirect.gather [hbm4b:s3+s6], $0x1, s10, s6, $0xb8;
	[tilespmem:$0x1880] =	vst v63  }
0x33: {  	_ = 	snop  }
0x34: {  	[tilespmem:s13], [sflag:$0x1] =	stream.indirect.gather [hbm4b:s3+s6], $0x1, s12, s6, $0xb8;
	[tilespmem:$0x1880] =	vst v63  }
0x35: {  	_ = 	snop  }
0x36: {  	[tilespmem:s15], [sflag:$0x1] =	stream.indirect.gather [hbm4b:s3+s6], $0x1, s14, s6, $0xb8;
	[tilespmem:$0x1880] =	vst v63  }
0x37: {  	_ = 	snop  }
0x38: {  	[tilespmem:s17], [sflag:$0x1] =	stream.indirect.gather [hbm4b:s3+s6], $0x1, s16, s6, $0xb8;
	[tilespmem:$0x1880] =	vst v63  }
0x39: {  	_ = 	snop  }
0x3a: {  	[tilespmem:s19], [sflag:$0x1] =	stream.indirect.gather [hbm4b:s3+s6], $0x1, s18, s6, $0xb8;
	[tilespmem:$0x1880] =	vst v63  }
0x3b: {  	_ = 	snop  }
0x3c: {  	[tilespmem:s21], [sflag:$0x1] =	stream.indirect.gather [hbm4b:s3+s6], $0x1, s20, s6, $0xb8;
	[tilespmem:$0x1880] =	vst v63  }
0x3d: {  	_ = 	snop  }
0x3e: {  	[tilespmem:s23], [sflag:$0x1] =	stream.indirect.gather [hbm4b:s3+s6], $0x1, s22, s6, $0xb8;
	[tilespmem:$0x1880] =	vst v63  }
0x3f: {  	_ = 	snop  }
0x40: {  	[tilespmem:s25], [sflag:$0x1] =	stream.indirect.gather [hbm4b:s3+s6], $0x1, s24, s6, $0xb8;
	[tilespmem:$0x1880] =	vst v63  }
0x41: {  	_ = 	snop  }
0x42: {  	[tilespmem:s28], [sflag:$0x1] =	stream.indirect.gather [hbm4b:s3+s6], $0x1, s26, s6, $0xb8;
	[tilespmem:$0x1880] =	vst v63  }
0x43: {  	_ = 	snop  }
0x44: {  	[tilespmem:s30], [sflag:$0x1] =	stream.indirect.gather [hbm4b:s3+s6], $0x1, s29, s6, $0xb8;
	[tilespmem:$0x1880] =	vst v63  }
0x45: {  	_ =	swait.ge [sflag:s31], $0x80  }
0x46: {  	[sflag:s31] =	ssyncset.done $0x0  }
0x47: {  	[sflag:s31] =	ssyncadd.s32 $0xFFFFFF80  }
0x48: {  	_ =	swait.ge [sflag:s31], $0x80  }
0x49: {  	[sflag:s31] =	ssyncset.done $0x0  }
0x4a: {  	[sflag:s31] =	ssyncadd.s32 $0xFFFFFF80  }
0x4b: {  	_ =	swait.ge [sflag:s31], $0x80  }
0x4c: {  	[sflag:s31] =	ssyncset.done $0x0  }
0x4d: {  	[sflag:s31] =	ssyncadd.s32 $0xFFFFFF80  }
0x4e: {  	_ =	swait.ge [sflag:s31], $0x80  }
0x4f: {  	[sflag:s31] =	ssyncset.done $0x0  }
0x50: {  	[sflag:s31] =	ssyncadd.s32 $0xFFFFFF80  }
0x51: {  	_ =	swait.ge [sflag:s31], $0x80  }
0x52: {  	[sflag:s31] =	ssyncset.done $0x0  }
0x53: {  	[sflag:s31] =	ssyncadd.s32 $0xFFFFFF80  }
0x54: {  	_ =	swait.ge [sflag:s31], $0x80  }
0x55: {  	[sflag:s31] =	ssyncset.done $0x0  }
0x56: {  	[sflag:s31] =	ssyncadd.s32 $0xFFFFFF80  }
0x57: {  	_ =	swait.ge [sflag:s31], $0x80  }
0x58: {  	[sflag:s31] =	ssyncset.done $0x0  }
0x59: {  	[sflag:s31] =	ssyncadd.s32 $0xFFFFFF80  }
0x5a: {  	_ =	swait.ge [sflag:s31], $0x80  }
0x5b: {  	[sflag:s31] =	ssyncset.done $0x0  }
0x5c: {  	[sflag:s31] =	ssyncadd.s32 $0xFFFFFF80  }
0x5d: {  	_ =	swait.ge [sflag:s31], $0x80  }
0x5e: {  	[sflag:s31] =	ssyncset.done $0x0  }
0x5f: {  	[sflag:s31] =	ssyncadd.s32 $0xFFFFFF80  }
0x60: {  	_ =	swait.ge [sflag:s31], $0x80  }
0x61: {  	[sflag:s31] =	ssyncset.done $0x0  }
0x62: {  	[sflag:s31] =	ssyncadd.s32 $0xFFFFFF80  }
0x63: {  	_ =	swait.ge [sflag:s31], $0x80  }
0x64: {  	[sflag:s31] =	ssyncset.done $0x0  }
0x65: {  	[sflag:s31] =	ssyncadd.s32 $0xFFFFFF80  }
0x66: {  	_ =	swait.ge [sflag:s31], $0x80  }
0x67: {  	[sflag:s31] =	ssyncset.done $0x0  }
0x68: {  	[sflag:s31] =	ssyncadd.s32 $0xFFFFFF80  }
0x69: {  	_ =	swait.ge [sflag:s31], $0x80  }
0x6a: {  	[sflag:s31] =	ssyncset.done $0x0  }
0x6b: {  	[sflag:s31] =	ssyncadd.s32 $0xFFFFFF80  }
0x6c: {  	_ =	swait.ge [sflag:s31], $0x80  }
0x6d: {  	[sflag:s31] =	ssyncset.done $0x0  }
0x6e: {  	[sflag:s31] =	ssyncadd.s32 $0xFFFFFF80  }
0x6f: {  	_ =	swait.ge [sflag:s31], $0x80  }
0x70: {  	[sflag:s31] =	ssyncset.done $0x0  }
0x71: {  	[sflag:s31] =	ssyncadd.s32 $0xFFFFFF80  }
0x72: {  	_ =	swait.ge [sflag:s31], $0x80  }
0x73: {  	[sflag:s31] =	ssyncset.done $0x0  }
0x74: {  	[sflag:s31] =	ssyncadd.s32 $0xFFFFFF80  }
0x75: {  	v0 =	vld [tilespmem:$0x800]  }
0x76: {  	v1 =	vld [tilespmem:$0x1000]  }
0x77: {  	v2 =	vld [tilespmem:$0x810]  }
0x78: {  	v3 =	vld [tilespmem:$0x1010]  }
0x79: {  	v4 =	vld [tilespmem:$0x820]  }
0x7a: {  	v5 =	vld [tilespmem:$0x1020]  }
0x7b: {  	v6 =	vld [tilespmem:$0x830]  }
0x7c: {  	v7 =	vld [tilespmem:$0x1030];
	_ =	sdelay $0x1  }
0x7d: {  	v0 =	vsub.f32 v0, v1  }
0x7e: {  	v20 =	vsub.f32 v2, v3  }
0x7f: {  	v22 =	vsub.f32 v4, v5;
	v21 =	vmul.f32 $1.442695020e+00, v0  }
0x80: {  	v24 =	vsub.f32 v6, v7;
	v23 =	vmul.f32 $1.442695020e+00, v20  }
0x81: {  	v25 =	vmul.f32 $1.442695020e+00, v22;
	(erf) = vpow2.f32 v21  }
0x82: {  	v26 =	vmul.f32 $1.442695020e+00, v24;
	(erf) = vpow2.f32 v23  }
0x83: {  	(erf) = vpow2.f32 v25  }
0x84: {  	v27 =	vld [tilespmem:$0x840];
	(erf) = vpow2.f32 v26  }
0x85: {  	v28 =	vld [tilespmem:$0x1040];
	_ =	sdelay $0x4  }
0x86: {  	v2 =	vsub.f32 v27, v28;
	v29 =	vpop (erf)  }
0x87: {  	v30 =	vpop (erf)  }
0x88: {  	v8 =	vmul.f32 $1.442695020e+00, v2;
	v31 =	vpop (erf)  }
0x89: {  	v9 =	vpop (erf)  }
0x8a: {  	(erf) = vpow2.f32 v8  }
0x8b: {  	v8 =	vld [tilespmem:$0x850]  }
0x8c: {  	v10 =	vld [tilespmem:$0x1050]  }
0x8d: {  	v11 =	vld [tilespmem:$0x860]  }
0x8e: {  	v12 =	vld [tilespmem:$0x1060]  }
0x8f: {  	v13 =	vld [tilespmem:$0x870]  }
0x90: {  	v14 =	vld [tilespmem:$0x1070]  }
0x91: {  	v32 =	vld [tilespmem:$0x880]  }
0x92: {  	v15 =	vld [tilespmem:$0x1080];
	v8 =	vsub.f32 v8, v10  }
0x93: {  	v33 =	vld [tilespmem:$0x890]  }
0x94: {  	v35 =	vld [tilespmem:$0x1090];
	v11 =	vsub.f32 v11, v12;
	v16 =	vmul.f32 $1.442695020e+00, v8  }
0x95: {  	v0 =	vadd.f32 $0.0e+00, v0;
	v6 =	vadd.f32 $0.0e+00, v29;
	v36 =	vld [tilespmem:$0x8A0]  }
0x96: {  	v38 =	vld [tilespmem:$0x10A0];
	v13 =	vsub.f32 v13, v14;
	v34 =	vmul.f32 $1.442695020e+00, v11;
	(erf) = vpow2.f32 v16  }
0x97: {  	v0 =	vadd.f32 v20, v0;
	v4 =	vadd.f32 v30, v6;
	v39 =	vld [tilespmem:$0x8B0]  }
0x98: {  	v41 =	vld [tilespmem:$0x10B0];
	v10 =	vsub.f32 v32, v15;
	v37 =	vmul.f32 $1.442695020e+00, v13;
	(erf) = vpow2.f32 v34  }
0x99: {  	v0 =	vadd.f32 v22, v0;
	v4 =	vadd.f32 v31, v4;
	v42 =	vld [tilespmem:$0x8C0]  }
0x9a: {  	v44 =	vld [tilespmem:$0x10C0];
	v12 =	vsub.f32 v33, v35;
	v40 =	vmul.f32 $1.442695020e+00, v10;
	(erf) = vpow2.f32 v37  }
0x9b: {  	v0 =	vadd.f32 v24, v0;
	v47 =	vld [tilespmem:$0x8D0];
	v43 =	vadd.f32 v9, v4  }
0x9c: {  	v48 =	vld [tilespmem:$0x10D0];
	v6 =	vsub.f32 v36, v38;
	v46 =	vmul.f32 $1.442695020e+00, v12;
	(erf) = vpow2.f32 v40  }
0x9d: {  	v0 =	vadd.f32 v2, v0;
	v51 =	vld [tilespmem:$0x8E0];
	v1 =	vsub.f32 v39, v41;
	v45 =	vpop (erf)  }
0x9e: {  	v53 =	vld [tilespmem:$0x10E0];
	v50 =	vmul.f32 $1.442695020e+00, v6;
	v3 =	vadd.f32 v45, v43;
	(erf) = vpow2.f32 v46  }
0x9f: {  	v56 =	vld [tilespmem:$0x8F0];
	v4 =	vsub.f32 v42, v44;
	v0 =	vadd.f32 v8, v0;
	v49 =	vpop (erf)  }
0xa0: {  	v57 =	vld [tilespmem:$0x10F0];
	v55 =	vmul.f32 $1.442695020e+00, v1;
	(erf) = vpow2.f32 v50;
	v52 =	vadd.f32 v49, v3  }
0xa1: {  	v60 =	vld [tilespmem:$0x900];
	v5 =	vsub.f32 v47, v48;
	v0 =	vadd.f32 v11, v0;
	v54 =	vpop (erf)  }
0xa2: {  	v63 =	vld [tilespmem:$0x1100];
	v59 =	vmul.f32 $1.442695020e+00, v4;
	(erf) = vpow2.f32 v55;
	v2 =	vadd.f32 v54, v52  }
0xa3: {  	v20 =	vld [tilespmem:$0x910];
	v0 =	vadd.f32 v13, v0;
	v3 =	vsub.f32 v51, v53;
	v58 =	vpop (erf)  }
0xa4: {  	v22 =	vld [tilespmem:$0x1110];
	v62 =	vmul.f32 $1.442695020e+00, v5;
	(erf) = vpow2.f32 v59;
	v2 =	vadd.f32 v58, v2  }
0xa5: {  	v24 =	vld [tilespmem:$0x920];
	v7 =	vsub.f32 v56, v57;
	v0 =	vadd.f32 v10, v0;
	v61 =	vpop (erf);
	v21 =	vmul.f32 $1.442695020e+00, v3  }
0xa6: {  	v26 =	vld [tilespmem:$0x1120];
	(erf) = vpow2.f32 v62;
	v2 =	vadd.f32 v61, v2  }
0xa7: {  	v28 =	vld [tilespmem:$0x930];
	v25 =	vmul.f32 $1.442695020e+00, v7;
	v0 =	vadd.f32 v12, v0;
	v23 =	vpop (erf);
	(erf) = vpow2.f32 v21  }
0xa8: {  	v29 =	vld [tilespmem:$0x1130];
	v8 =	vsub.f32 v60, v63;
	v2 =	vadd.f32 v23, v2  }
0xa9: {  	v32 =	vld [tilespmem:$0x940];
	v11 =	vsub.f32 v20, v22;
	v0 =	vadd.f32 v6, v0;
	v27 =	vpop (erf);
	(erf) = vpow2.f32 v25  }
0xaa: {  	v33 =	vld [tilespmem:$0x1140];
	v31 =	vmul.f32 $1.442695020e+00, v8;
	v2 =	vadd.f32 v27, v2  }
0xab: {  	v36 =	vld [tilespmem:$0x950];
	v35 =	vmul.f32 $1.442695020e+00, v11;
	v0 =	vadd.f32 v1, v0;
	v30 =	vpop (erf)  }
0xac: {  	v38 =	vld [tilespmem:$0x1150];
	v10 =	vsub.f32 v24, v26;
	(erf) = vpow2.f32 v31;
	v2 =	vadd.f32 v30, v2  }
0xad: {  	v9 =	vsub.f32 v28, v29;
	v41 =	vld [tilespmem:$0x960];
	v0 =	vadd.f32 v4, v0;
	v34 =	vpop (erf)  }
0xae: {  	v42 =	vld [tilespmem:$0x1160];
	v40 =	vmul.f32 $1.442695020e+00, v10;
	(erf) = vpow2.f32 v35;
	v37 =	vadd.f32 v34, v2  }
0xaf: {  	v47 =	vld [tilespmem:$0x1170];
	v44 =	vmul.f32 $1.442695020e+00, v9;
	v0 =	vadd.f32 v5, v0;
	v39 =	vpop (erf)  }
0xb0: {  	v48 =	vld [tilespmem:$0x980];
	v6 =	vsub.f32 v32, v33;
	v43 =	vpop (erf);
	(erf) = vpow2.f32 v40;
	v1 =	vadd.f32 v39, v37  }
0xb1: {  	v45 =	vld [tilespmem:$0x970];
	v0 =	vadd.f32 v3, v0;
	v2 =	vsub.f32 v36, v38  }
0xb2: {  	v50 =	vld [tilespmem:$0x1180];
	v13 =	vmul.f32 $1.442695020e+00, v6;
	v46 =	vpop (erf);
	(erf) = vpow2.f32 v44;
	v1 =	vadd.f32 v43, v1  }
0xb3: {  	v4 =	vsub.f32 v41, v42;
	v52 =	vld [tilespmem:$0x990];
	v0 =	vadd.f32 v7, v0;
	v49 =	vmul.f32 $1.442695020e+00, v2  }
0xb4: {  	v54 =	vld [tilespmem:$0x1190];
	(erf) = vpow2.f32 v13;
	v1 =	vadd.f32 v46, v1  }
0xb5: {  	v56 =	vld [tilespmem:$0x9A0];
	v53 =	vmul.f32 $1.442695020e+00, v4;
	v0 =	vadd.f32 v8, v0;
	v51 =	vpop (erf);
	(erf) = vpow2.f32 v49  }
0xb6: {  	v57 =	vld [tilespmem:$0x11A0];
	v5 =	vsub.f32 v45, v47;
	v1 =	vadd.f32 v51, v1  }
0xb7: {  	v60 =	vld [tilespmem:$0x9B0];
	v0 =	vadd.f32 v11, v0;
	v55 =	vpop (erf);
	(erf) = vpow2.f32 v53  }
0xb8: {  	v20 =	vld [tilespmem:$0x9C0];
	v59 =	vmul.f32 $1.442695020e+00, v5;
	v3 =	vsub.f32 v48, v50;
	v1 =	vadd.f32 v55, v1  }
0xb9: {  	v61 =	vld [tilespmem:$0x11B0];
	v12 =	vsub.f32 v52, v54;
	v0 =	vadd.f32 v10, v0;
	v58 =	vpop (erf)  }
0xba: {  	v21 =	vld [tilespmem:$0x11C0];
	v63 =	vmul.f32 $1.442695020e+00, v3;
	(erf) = vpow2.f32 v59;
	v1 =	vadd.f32 v58, v1  }
0xbb: {  	v24 =	vld [tilespmem:$0x9D0];
	v7 =	vsub.f32 v56, v57;
	v0 =	vadd.f32 v9, v0;
	v62 =	vpop (erf)  }
0xbc: {  	v25 =	vld [tilespmem:$0x11D0];
	v23 =	vmul.f32 $1.442695020e+00, v12;
	(erf) = vpow2.f32 v63;
	v1 =	vadd.f32 v62, v1  }
0xbd: {  	v28 =	vld [tilespmem:$0x9E0];
	v27 =	vmul.f32 $1.442695020e+00, v7;
	v0 =	vadd.f32 v6, v0;
	v22 =	vpop (erf)  }
0xbe: {  	v33 =	vld [tilespmem:$0x11F0];
	v8 =	vsub.f32 v60, v61;
	v26 =	vpop (erf);
	(erf) = vpow2.f32 v23;
	v1 =	vadd.f32 v22, v1  }
0xbf: {  	v30 =	vld [tilespmem:$0x11E0];
	v10 =	vsub.f32 v20, v21;
	v0 =	vadd.f32 v2, v0  }
0xc0: {  	v31 =	vld [tilespmem:$0x9F0];
	v13 =	vmul.f32 $1.442695020e+00, v8;
	v29 =	vpop (erf);
	(erf) = vpow2.f32 v27;
	v1 =	vadd.f32 v26, v1  }
0xc1: {  	v35 =	vld [tilespmem:$0xA00];
	v32 =	vmul.f32 $1.442695020e+00, v10;
	v9 =	vsub.f32 v24, v25;
	v0 =	vadd.f32 v4, v0  }
0xc2: {  	v37 =	vld [tilespmem:$0x1200];
	(erf) = vpow2.f32 v13;
	v1 =	vadd.f32 v29, v1  }
0xc3: {  	v40 =	vld [tilespmem:$0x1210];
	v36 =	vmul.f32 $1.442695020e+00, v9;
	v0 =	vadd.f32 v5, v0;
	v34 =	vpop (erf);
	(erf) = vpow2.f32 v32  }
0xc4: {  	v39 =	vld [tilespmem:$0xA10];
	v6 =	vsub.f32 v28, v30;
	v1 =	vadd.f32 v34, v1  }
0xc5: {  	v47 =	vld [tilespmem:$0xA30];
	v0 =	vadd.f32 v3, v0;
	v38 =	vpop (erf);
	(erf) = vpow2.f32 v36  }
0xc6: {  	v44 =	vld [tilespmem:$0x1220];
	v42 =	vmul.f32 $1.442695020e+00, v6;
	v2 =	vsub.f32 v31, v33;
	v1 =	vadd.f32 v38, v1  }
0xc7: {  	v43 =	vld [tilespmem:$0xA20];
	v11 =	vsub.f32 v35, v37;
	v0 =	vadd.f32 v12, v0;
	v41 =	vpop (erf)  }
0xc8: {  	v48 =	vld [tilespmem:$0x1230];
	v46 =	vmul.f32 $1.442695020e+00, v2;
	(erf) = vpow2.f32 v42;
	v1 =	vadd.f32 v41, v1  }
0xc9: {  	v52 =	vld [tilespmem:$0x1240];
	v4 =	vsub.f32 v39, v40;
	v0 =	vadd.f32 v7, v0;
	v45 =	vpop (erf)  }
0xca: {  	v51 =	vld [tilespmem:$0xA40];
	v50 =	vmul.f32 $1.442695020e+00, v11;
	(erf) = vpow2.f32 v46;
	v1 =	vadd.f32 v45, v1  }
0xcb: {  	v57 =	vld [tilespmem:$0x1250];
	v54 =	vmul.f32 $1.442695020e+00, v4;
	v0 =	vadd.f32 v8, v0;
	v49 =	vpop (erf)  }
0xcc: {  	v60 =	vld [tilespmem:$0x1260];
	v3 =	vsub.f32 v43, v44;
	v53 =	vpop (erf);
	(erf) = vpow2.f32 v50;
	v1 =	vadd.f32 v49, v1  }
0xcd: {  	v55 =	vld [tilespmem:$0xA50];
	v5 =	vsub.f32 v47, v48;
	v0 =	vadd.f32 v10, v0  }
0xce: {  	v20 =	vld [tilespmem:$0x1270];
	v13 =	vmul.f32 $1.442695020e+00, v3;
	v56 =	vpop (erf);
	(erf) = vpow2.f32 v54;
	v1 =	vadd.f32 v53, v1  }
0xcf: {  	v58 =	vld [tilespmem:$0xA60];
	v59 =	vmul.f32 $1.442695020e+00, v5;
	v7 =	vsub.f32 v51, v52;
	v0 =	vadd.f32 v9, v0  }
0xd0: {  	v62 =	vld [tilespmem:$0xA70];
	(erf) = vpow2.f32 v13;
	v1 =	vadd.f32 v56, v1  }
0xd1: {  	v23 =	vld [tilespmem:$0x1280];
	v63 =	vmul.f32 $1.442695020e+00, v7;
	v0 =	vadd.f32 v6, v0;
	v61 =	vpop (erf);
	(erf) = vpow2.f32 v59  }
0xd2: {  	v22 =	vld [tilespmem:$0xA80];
	v8 =	vsub.f32 v55, v57;
	v1 =	vadd.f32 v61, v1  }
0xd3: {  	v30 =	vld [tilespmem:$0xAA0];
	v0 =	vadd.f32 v2, v0;
	v21 =	vpop (erf);
	(erf) = vpow2.f32 v63  }
0xd4: {  	v27 =	vld [tilespmem:$0x1290];
	v25 =	vmul.f32 $1.442695020e+00, v8;
	v10 =	vsub.f32 v58, v60;
	v1 =	vadd.f32 v21, v1  }
0xd5: {  	v26 =	vld [tilespmem:$0xA90];
	v12 =	vsub.f32 v62, v20;
	v0 =	vadd.f32 v11, v0;
	v24 =	vpop (erf)  }
0xd6: {  	v31 =	vld [tilespmem:$0x12A0];
	v29 =	vmul.f32 $1.442695020e+00, v10;
	(erf) = vpow2.f32 v25;
	v1 =	vadd.f32 v24, v1  }
0xd7: {  	v35 =	vld [tilespmem:$0x12B0];
	v6 =	vsub.f32 v22, v23;
	v0 =	vadd.f32 v4, v0;
	v28 =	vpop (erf)  }
0xd8: {  	v33 =	vmul.f32 $1.442695020e+00, v12;
	v34 =	vld [tilespmem:$0xAB0];
	(erf) = vpow2.f32 v29;
	v1 =	vadd.f32 v28, v1  }
0xd9: {  	v40 =	vld [tilespmem:$0x12C0];
	v37 =	vmul.f32 $1.442695020e+00, v6;
	v0 =	vadd.f32 v3, v0;
	v32 =	vpop (erf)  }
0xda: {  	v47 =	vld [tilespmem:$0x12E0];
	v2 =	vsub.f32 v26, v27;
	v36 =	vpop (erf);
	(erf) = vpow2.f32 v33;
	v1 =	vadd.f32 v32, v1  }
0xdb: {  	v9 =	vsub.f32 v30, v31;
	v38 =	vld [tilespmem:$0xAC0];
	v0 =	vadd.f32 v5, v0  }
0xdc: {  	v43 =	vld [tilespmem:$0x12D0];
	v13 =	vmul.f32 $1.442695020e+00, v2;
	v39 =	vpop (erf);
	(erf) = vpow2.f32 v37;
	v1 =	vadd.f32 v36, v1  }
0xdd: {  	v42 =	vmul.f32 $1.442695020e+00, v9;
	v41 =	vld [tilespmem:$0xAD0];
	v4 =	vsub.f32 v34, v35;
	v0 =	vadd.f32 v7, v0  }
0xde: {  	v45 =	vld [tilespmem:$0xAE0];
	(erf) = vpow2.f32 v13;
	v1 =	vadd.f32 v39, v1  }
0xdf: {  	v50 =	vld [tilespmem:$0x12F0];
	v46 =	vmul.f32 $1.442695020e+00, v4;
	v0 =	vadd.f32 v8, v0;
	v44 =	vpop (erf);
	(erf) = vpow2.f32 v42  }
0xe0: {  	v49 =	vld [tilespmem:$0xAF0];
	v3 =	vsub.f32 v38, v40;
	v1 =	vadd.f32 v44, v1  }
0xe1: {  	v57 =	vld [tilespmem:$0xB10];
	v0 =	vadd.f32 v10, v0;
	v48 =	vpop (erf);
	(erf) = vpow2.f32 v46  }
0xe2: {  	v54 =	vld [tilespmem:$0x1300];
	v52 =	vmul.f32 $1.442695020e+00, v3;
	v5 =	vsub.f32 v41, v43;
	v1 =	vadd.f32 v48, v1  }
0xe3: {  	v53 =	vld [tilespmem:$0xB00];
	v11 =	vsub.f32 v45, v47;
	v0 =	vadd.f32 v12, v0;
	v51 =	vpop (erf)  }
0xe4: {  	v58 =	vld [tilespmem:$0x1310];
	v56 =	vmul.f32 $1.442695020e+00, v5;
	(erf) = vpow2.f32 v52;
	v1 =	vadd.f32 v51, v1  }
0xe5: {  	v62 =	vld [tilespmem:$0x1320];
	v7 =	vsub.f32 v49, v50;
	v0 =	vadd.f32 v6, v0;
	v55 =	vpop (erf)  }
0xe6: {  	v60 =	vmul.f32 $1.442695020e+00, v11;
	v61 =	vld [tilespmem:$0xB20];
	(erf) = vpow2.f32 v56;
	v1 =	vadd.f32 v55, v1  }
0xe7: {  	v30 =	vld [tilespmem:$0x1350];
	v20 =	vmul.f32 $1.442695020e+00, v7;
	v0 =	vadd.f32 v2, v0;
	v59 =	vpop (erf)  }
0xe8: {  	v23 =	vld [tilespmem:$0x1330];
	v8 =	vsub.f32 v53, v54;
	v63 =	vpop (erf);
	(erf) = vpow2.f32 v60;
	v1 =	vadd.f32 v59, v1  }
0xe9: {  	v21 =	vld [tilespmem:$0xB30];
	v10 =	vsub.f32 v57, v58;
	v0 =	vadd.f32 v9, v0  }
0xea: {  	v26 =	vld [tilespmem:$0x1340];
	v13 =	vmul.f32 $1.442695020e+00, v8;
	v22 =	vpop (erf);
	(erf) = vpow2.f32 v20;
	v1 =	vadd.f32 v63, v1  }
0xeb: {  	v24 =	vld [tilespmem:$0xB40];
	v25 =	vmul.f32 $1.442695020e+00, v10;
	v6 =	vsub.f32 v61, v62;
	v0 =	vadd.f32 v4, v0  }
0xec: {  	v28 =	vld [tilespmem:$0xB50];
	(erf) = vpow2.f32 v13;
	v1 =	vadd.f32 v22, v1  }
0xed: {  	v33 =	vld [tilespmem:$0x1360];
	v29 =	vmul.f32 $1.442695020e+00, v6;
	v0 =	vadd.f32 v3, v0;
	v27 =	vpop (erf);
	(erf) = vpow2.f32 v25  }
0xee: {  	v37 =	vld [tilespmem:$0x1370];
	v2 =	vsub.f32 v21, v23;
	v1 =	vadd.f32 v27, v1  }
0xef: {  	v32 =	vld [tilespmem:$0xB60];
	v0 =	vadd.f32 v5, v0;
	v31 =	vpop (erf);
	(erf) = vpow2.f32 v29  }
0xf0: {  	v36 =	vld [tilespmem:$0xB70];
	v35 =	vmul.f32 $1.442695020e+00, v2;
	v9 =	vsub.f32 v24, v26;
	v1 =	vadd.f32 v31, v1  }
0xf1: {  	v40 =	vld [tilespmem:$0xB80];
	v12 =	vsub.f32 v28, v30;
	v0 =	vadd.f32 v11, v0;
	v34 =	vpop (erf)  }
0xf2: {  	v41 =	vld [tilespmem:$0x1380];
	v39 =	vmul.f32 $1.442695020e+00, v9;
	(erf) = vpow2.f32 v35;
	v1 =	vadd.f32 v34, v1  }
0xf3: {  	v45 =	vld [tilespmem:$0x1390];
	v43 =	vmul.f32 $1.442695020e+00, v12;
	v0 =	vadd.f32 v7, v0;
	v38 =	vpop (erf)  }
0xf4: {  	v44 =	vld [tilespmem:$0xB90];
	v3 =	vsub.f32 v32, v33;
	(erf) = vpow2.f32 v39;
	v1 =	vadd.f32 v38, v1  }
0xf5: {  	v50 =	vld [tilespmem:$0x13A0];
	v4 =	vsub.f32 v36, v37;
	v0 =	vadd.f32 v8, v0;
	v42 =	vpop (erf)  }
0xf6: {  	v53 =	vld [tilespmem:$0x13B0];
	v47 =	vmul.f32 $1.442695020e+00, v3;
	v46 =	vpop (erf);
	(erf) = vpow2.f32 v43;
	v1 =	vadd.f32 v42, v1  }
0xf7: {  	v48 =	vld [tilespmem:$0xBA0];
	v5 =	vsub.f32 v40, v41;
	v0 =	vadd.f32 v10, v0  }
0xf8: {  	v57 =	vld [tilespmem:$0x13C0];
	v13 =	vmul.f32 $1.442695020e+00, v4;
	v49 =	vpop (erf);
	(erf) = vpow2.f32 v47;
	v1 =	vadd.f32 v46, v1  }
0xf9: {  	v51 =	vld [tilespmem:$0xBB0];
	v52 =	vmul.f32 $1.442695020e+00, v5;
	v7 =	vsub.f32 v44, v45;
	v0 =	vadd.f32 v6, v0  }
0xfa: {  	v55 =	vld [tilespmem:$0xBC0];
	(erf) = vpow2.f32 v13;
	v1 =	vadd.f32 v49, v1  }
0xfb: {  	v60 =	vld [tilespmem:$0x13D0];
	v56 =	vmul.f32 $1.442695020e+00, v7;
	v0 =	vadd.f32 v2, v0;
	v54 =	vpop (erf);
	(erf) = vpow2.f32 v52  }
0xfc: {  	v20 =	vld [tilespmem:$0x13E0];
	v8 =	vsub.f32 v48, v50;
	v1 =	vadd.f32 v54, v1  }
0xfd: {  	v59 =	vld [tilespmem:$0xBD0];
	v0 =	vadd.f32 v9, v0;
	v58 =	vpop (erf);
	(erf) = vpow2.f32 v56  }
0xfe: {  	v63 =	vld [tilespmem:$0xBE0];
	v62 =	vmul.f32 $1.442695020e+00, v8;
	v10 =	vsub.f32 v51, v53;
	v1 =	vadd.f32 v58, v1  }
0xff: {  	v23 =	vld [tilespmem:$0xBF0];
	v11 =	vsub.f32 v55, v57;
	v0 =	vadd.f32 v12, v0;
	v61 =	vpop (erf)  }
0x100: {  	v24 =	vld [tilespmem:$0x13F0];
	v22 =	vmul.f32 $1.442695020e+00, v10;
	(erf) = vpow2.f32 v62;
	v1 =	vadd.f32 v61, v1  }
0x101: {  	v28 =	vld [tilespmem:$0x1400];
	v26 =	vmul.f32 $1.442695020e+00, v11;
	v0 =	vadd.f32 v3, v0;
	v21 =	vpop (erf)  }
0x102: {  	v27 =	vld [tilespmem:$0xC00];
	v2 =	vsub.f32 v59, v60;
	(erf) = vpow2.f32 v22;
	v1 =	vadd.f32 v21, v1  }
0x103: {  	v36 =	vld [tilespmem:$0x1420];
	v6 =	vsub.f32 v63, v20;
	v0 =	vadd.f32 v4, v0;
	v25 =	vpop (erf)  }
0x104: {  	v33 =	vld [tilespmem:$0x1410];
	v30 =	vmul.f32 $1.442695020e+00, v2;
	v29 =	vpop (erf);
	(erf) = vpow2.f32 v26;
	v1 =	vadd.f32 v25, v1  }
0x105: {  	v31 =	vld [tilespmem:$0xC10];
	v9 =	vsub.f32 v23, v24;
	v0 =	vadd.f32 v5, v0  }
0x106: {  	v40 =	vld [tilespmem:$0x1430];
	v13 =	vmul.f32 $1.442695020e+00, v6;
	v32 =	vpop (erf);
	(erf) = vpow2.f32 v30;
	v1 =	vadd.f32 v29, v1  }
0x107: {  	v34 =	vld [tilespmem:$0xC20];
	v35 =	vmul.f32 $1.442695020e+00, v9;
	v3 =	vsub.f32 v27, v28;
	v0 =	vadd.f32 v7, v0  }
0x108: {  	v38 =	vld [tilespmem:$0xC30];
	(erf) = vpow2.f32 v13;
	v1 =	vadd.f32 v32, v1  }
0x109: {  	v43 =	vld [tilespmem:$0x1440];
	v39 =	vmul.f32 $1.442695020e+00, v3;
	v0 =	vadd.f32 v8, v0;
	v37 =	vpop (erf);
	(erf) = vpow2.f32 v35  }
0x10a: {  	v42 =	vld [tilespmem:$0xC40];
	v4 =	vsub.f32 v31, v33;
	v1 =	vadd.f32 v37, v1  }
0x10b: {  	v50 =	vld [tilespmem:$0xC60];
	v0 =	vadd.f32 v10, v0;
	v41 =	vpop (erf);
	(erf) = vpow2.f32 v39  }
0x10c: {  	v47 =	vld [tilespmem:$0x1450];
	v45 =	vmul.f32 $1.442695020e+00, v4;
	v5 =	vsub.f32 v34, v36;
	v1 =	vadd.f32 v41, v1  }
0x10d: {  	v46 =	vld [tilespmem:$0xC50];
	v12 =	vsub.f32 v38, v40;
	v0 =	vadd.f32 v11, v0;
	v44 =	vpop (erf)  }
0x10e: {  	v51 =	vld [tilespmem:$0x1460];
	v49 =	vmul.f32 $1.442695020e+00, v5;
	(erf) = vpow2.f32 v45;
	v1 =	vadd.f32 v44, v1  }
0x10f: {  	v55 =	vld [tilespmem:$0x1470];
	v7 =	vsub.f32 v42, v43;
	v0 =	vadd.f32 v2, v0;
	v48 =	vpop (erf)  }
0x110: {  	v53 =	vmul.f32 $1.442695020e+00, v12;
	v54 =	vld [tilespmem:$0xC70];
	(erf) = vpow2.f32 v49;
	v1 =	vadd.f32 v48, v1  }
0x111: {  	v63 =	vld [tilespmem:$0x1490];
	v57 =	vmul.f32 $1.442695020e+00, v7;
	v0 =	vadd.f32 v6, v0;
	v52 =	vpop (erf)  }
0x112: {  	v60 =	vld [tilespmem:$0x1480];
	v8 =	vsub.f32 v46, v47;
	v56 =	vpop (erf);
	(erf) = vpow2.f32 v53;
	v1 =	vadd.f32 v52, v1  }
0x113: {  	v58 =	vld [tilespmem:$0xC80];
	v10 =	vsub.f32 v50, v51;
	v0 =	vadd.f32 v9, v0  }
0x114: {  	v20 =	vld [tilespmem:$0xCA0];
	v13 =	vmul.f32 $1.442695020e+00, v8;
	v59 =	vpop (erf);
	(erf) = vpow2.f32 v57;
	v1 =	vadd.f32 v56, v1  }
0x115: {  	v61 =	vld [tilespmem:$0xC90];
	v62 =	vmul.f32 $1.442695020e+00, v10;
	v2 =	vsub.f32 v54, v55;
	v0 =	vadd.f32 v3, v0  }
0x116: {  	v22 =	vld [tilespmem:$0x14A0];
	(erf) = vpow2.f32 v13;
	v1 =	vadd.f32 v59, v1  }
0x117: {  	v24 =	vld [tilespmem:$0xCB0];
	v21 =	vmul.f32 $1.442695020e+00, v2;
	v0 =	vadd.f32 v4, v0;
	v19 =	vpop (erf);
	(erf) = vpow2.f32 v62  }
0x118: {  	v25 =	vld [tilespmem:$0x14B0];
	v6 =	vsub.f32 v58, v60;
	v1 =	vadd.f32 v19, v1  }
0x119: {  	v28 =	vld [tilespmem:$0xCC0];
	v0 =	vadd.f32 v5, v0;
	v23 =	vpop (erf);
	(erf) = vpow2.f32 v21  }
0x11a: {  	v33 =	vld [tilespmem:$0x14D0];
	v27 =	vmul.f32 $1.442695020e+00, v6;
	v9 =	vsub.f32 v61, v63;
	v1 =	vadd.f32 v23, v1  }
0x11b: {  	v11 =	vsub.f32 v20, v22;
	v29 =	vld [tilespmem:$0x14C0];
	v0 =	vadd.f32 v12, v0;
	v26 =	vpop (erf)  }
0x11c: {  	v32 =	vld [tilespmem:$0xCD0];
	v31 =	vmul.f32 $1.442695020e+00, v9;
	(erf) = vpow2.f32 v27;
	v1 =	vadd.f32 v26, v1  }
0x11d: {  	v36 =	vld [tilespmem:$0xCE0];
	v3 =	vsub.f32 v24, v25;
	v0 =	vadd.f32 v7, v0;
	v30 =	vpop (erf)  }
0x11e: {  	v35 =	vmul.f32 $1.442695020e+00, v11;
	v37 =	vld [tilespmem:$0x14E0];
	(erf) = vpow2.f32 v31;
	v1 =	vadd.f32 v30, v1  }
0x11f: {  	v40 =	vld [tilespmem:$0xCF0];
	v39 =	vmul.f32 $1.442695020e+00, v3;
	v0 =	vadd.f32 v8, v0;
	v34 =	vpop (erf)  }
0x120: {  	v42 =	vld [tilespmem:$0x14F0];
	v4 =	vsub.f32 v28, v29;
	v38 =	vpop (erf);
	(erf) = vpow2.f32 v35;
	v1 =	vadd.f32 v34, v1  }
0x121: {  	v43 =	vld [tilespmem:$0xD00];
	v5 =	vsub.f32 v32, v33;
	v0 =	vadd.f32 v10, v0  }
0x122: {  	v47 =	vld [tilespmem:$0xD10];
	v13 =	vmul.f32 $1.442695020e+00, v4;
	v41 =	vpop (erf);
	(erf) = vpow2.f32 v39;
	v1 =	vadd.f32 v38, v1  }
0x123: {  	v45 =	vld [tilespmem:$0x1500];
	v44 =	vmul.f32 $1.442695020e+00, v5;
	v7 =	vsub.f32 v36, v37;
	v0 =	vadd.f32 v2, v0  }
0x124: {  	v49 =	vld [tilespmem:$0x1510];
	(erf) = vpow2.f32 v13;
	v1 =	vadd.f32 v41, v1  }
0x125: {  	v51 =	vld [tilespmem:$0xD20];
	v48 =	vmul.f32 $1.442695020e+00, v7;
	v0 =	vadd.f32 v6, v0;
	v46 =	vpop (erf);
	(erf) = vpow2.f32 v44  }
0x126: {  	v52 =	vld [tilespmem:$0x1520];
	v8 =	vsub.f32 v40, v42;
	v1 =	vadd.f32 v46, v1  }
0x127: {  	v55 =	vld [tilespmem:$0xD30];
	v0 =	vadd.f32 v9, v0;
	v50 =	vpop (erf);
	(erf) = vpow2.f32 v48  }
0x128: {  	v60 =	vld [tilespmem:$0x1540];
	v54 =	vmul.f32 $1.442695020e+00, v8;
	v10 =	vsub.f32 v43, v45;
	v1 =	vadd.f32 v50, v1  }
0x129: {  	v12 =	vsub.f32 v47, v49;
	v56 =	vld [tilespmem:$0x1530];
	v0 =	vadd.f32 v11, v0;
	v53 =	vpop (erf)  }
0x12a: {  	v59 =	vld [tilespmem:$0xD40];
	v58 =	vmul.f32 $1.442695020e+00, v10;
	(erf) = vpow2.f32 v54;
	v1 =	vadd.f32 v53, v1  }
0x12b: {  	v20 =	vld [tilespmem:$0x1550];
	v2 =	vsub.f32 v51, v52;
	v0 =	vadd.f32 v3, v0;
	v57 =	vpop (erf)  }
0x12c: {  	v63 =	vld [tilespmem:$0xD50];
	v62 =	vmul.f32 $1.442695020e+00, v12;
	(erf) = vpow2.f32 v58;
	v1 =	vadd.f32 v57, v1  }
0x12d: {  	v25 =	vld [tilespmem:$0x1560];
	v22 =	vmul.f32 $1.442695020e+00, v2;
	v0 =	vadd.f32 v4, v0;
	v61 =	vpop (erf)  }
0x12e: {  	v28 =	vld [tilespmem:$0x1570];
	v6 =	vsub.f32 v55, v56;
	v21 =	vpop (erf);
	(erf) = vpow2.f32 v62;
	v1 =	vadd.f32 v61, v1  }
0x12f: {  	v23 =	vld [tilespmem:$0xD60];
	v9 =	vsub.f32 v59, v60;
	v0 =	vadd.f32 v5, v0  }
0x130: {  	v32 =	vld [tilespmem:$0x1580];
	v13 =	vmul.f32 $1.442695020e+00, v6;
	v24 =	vpop (erf);
	(erf) = vpow2.f32 v22;
	v1 =	vadd.f32 v21, v1  }
0x131: {  	v26 =	vld [tilespmem:$0xD70];
	v27 =	vmul.f32 $1.442695020e+00, v9;
	v3 =	vsub.f32 v63, v20;
	v0 =	vadd.f32 v7, v0  }
0x132: {  	v30 =	vld [tilespmem:$0xD80];
	(erf) = vpow2.f32 v13;
	v1 =	vadd.f32 v24, v1  }
0x133: {  	v35 =	vld [tilespmem:$0x1590];
	v31 =	vmul.f32 $1.442695020e+00, v3;
	v0 =	vadd.f32 v8, v0;
	v29 =	vpop (erf);
	(erf) = vpow2.f32 v27  }
0x134: {  	v34 =	vld [tilespmem:$0xD90];
	v4 =	vsub.f32 v23, v25;
	v1 =	vadd.f32 v29, v1  }
0x135: {  	v42 =	vld [tilespmem:$0xDB0];
	v0 =	vadd.f32 v10, v0;
	v33 =	vpop (erf);
	(erf) = vpow2.f32 v31  }
0x136: {  	v39 =	vld [tilespmem:$0x15A0];
	v37 =	vmul.f32 $1.442695020e+00, v4;
	v5 =	vsub.f32 v26, v28;
	v1 =	vadd.f32 v33, v1  }
0x137: {  	v38 =	vld [tilespmem:$0xDA0];
	v11 =	vsub.f32 v30, v32;
	v0 =	vadd.f32 v12, v0;
	v36 =	vpop (erf)  }
0x138: {  	v43 =	vld [tilespmem:$0x15B0];
	v41 =	vmul.f32 $1.442695020e+00, v5;
	(erf) = vpow2.f32 v37;
	v1 =	vadd.f32 v36, v1  }
0x139: {  	v47 =	vld [tilespmem:$0x15C0];
	v7 =	vsub.f32 v34, v35;
	v0 =	vadd.f32 v2, v0;
	v40 =	vpop (erf)  }
0x13a: {  	v45 =	vmul.f32 $1.442695020e+00, v11;
	v46 =	vld [tilespmem:$0xDC0];
	(erf) = vpow2.f32 v41;
	v1 =	vadd.f32 v40, v1  }
0x13b: {  	v52 =	vld [tilespmem:$0x15D0];
	v49 =	vmul.f32 $1.442695020e+00, v7;
	v0 =	vadd.f32 v6, v0;
	v44 =	vpop (erf)  }
0x13c: {  	v55 =	vld [tilespmem:$0x15E0];
	v8 =	vsub.f32 v38, v39;
	v48 =	vpop (erf);
	(erf) = vpow2.f32 v45;
	v1 =	vadd.f32 v44, v1  }
0x13d: {  	v50 =	vld [tilespmem:$0xDD0];
	v10 =	vsub.f32 v42, v43;
	v0 =	vadd.f32 v9, v0  }
0x13e: {  	v59 =	vld [tilespmem:$0x15F0];
	v13 =	vmul.f32 $1.442695020e+00, v8;
	v51 =	vpop (erf);
	(erf) = vpow2.f32 v49;
	v1 =	vadd.f32 v48, v1  }
0x13f: {  	v53 =	vld [tilespmem:$0xDE0];
	v54 =	vmul.f32 $1.442695020e+00, v10;
	v2 =	vsub.f32 v46, v47;
	v0 =	vadd.f32 v3, v0  }
0x140: {  	v57 =	vld [tilespmem:$0xDF0];
	(erf) = vpow2.f32 v13;
	v1 =	vadd.f32 v51, v1  }
0x141: {  	v62 =	vld [tilespmem:$0x1600];
	v58 =	vmul.f32 $1.442695020e+00, v2;
	v0 =	vadd.f32 v4, v0;
	v56 =	vpop (erf);
	(erf) = vpow2.f32 v54  }
0x142: {  	v61 =	vld [tilespmem:$0xE00];
	v6 =	vsub.f32 v50, v52;
	v1 =	vadd.f32 v56, v1  }
0x143: {  	v25 =	vld [tilespmem:$0xE20];
	v0 =	vadd.f32 v5, v0;
	v60 =	vpop (erf);
	(erf) = vpow2.f32 v58  }
0x144: {  	v22 =	vld [tilespmem:$0x1610];
	v20 =	vmul.f32 $1.442695020e+00, v6;
	v9 =	vsub.f32 v53, v55;
	v1 =	vadd.f32 v60, v1  }
0x145: {  	v21 =	vld [tilespmem:$0xE10];
	v12 =	vsub.f32 v57, v59;
	v0 =	vadd.f32 v11, v0;
	v63 =	vpop (erf)  }
0x146: {  	v26 =	vld [tilespmem:$0x1620];
	v24 =	vmul.f32 $1.442695020e+00, v9;
	(erf) = vpow2.f32 v20;
	v1 =	vadd.f32 v63, v1  }
0x147: {  	v30 =	vld [tilespmem:$0x1630];
	v3 =	vsub.f32 v61, v62;
	v0 =	vadd.f32 v7, v0;
	v23 =	vpop (erf)  }
0x148: {  	v28 =	vmul.f32 $1.442695020e+00, v12;
	v29 =	vld [tilespmem:$0xE30];
	(erf) = vpow2.f32 v24;
	v1 =	vadd.f32 v23, v1  }
0x149: {  	v35 =	vld [tilespmem:$0x1640];
	v32 =	vmul.f32 $1.442695020e+00, v3;
	v0 =	vadd.f32 v8, v0;
	v27 =	vpop (erf)  }
0x14a: {  	v38 =	vld [tilespmem:$0x1650];
	v4 =	vsub.f32 v21, v22;
	v31 =	vpop (erf);
	(erf) = vpow2.f32 v28;
	v1 =	vadd.f32 v27, v1  }
0x14b: {  	v33 =	vld [tilespmem:$0xE40];
	v5 =	vsub.f32 v25, v26;
	v0 =	vadd.f32 v10, v0  }
0x14c: {  	v42 =	vld [tilespmem:$0x1660];
	v13 =	vmul.f32 $1.442695020e+00, v4;
	v34 =	vpop (erf);
	(erf) = vpow2.f32 v32;
	v1 =	vadd.f32 v31, v1  }
0x14d: {  	v36 =	vld [tilespmem:$0xE50];
	v37 =	vmul.f32 $1.442695020e+00, v5;
	v7 =	vsub.f32 v29, v30;
	v0 =	vadd.f32 v2, v0  }
0x14e: {  	v40 =	vld [tilespmem:$0xE60];
	(erf) = vpow2.f32 v13;
	v1 =	vadd.f32 v34, v1  }
0x14f: {  	v45 =	vld [tilespmem:$0x1670];
	v41 =	vmul.f32 $1.442695020e+00, v7;
	v0 =	vadd.f32 v6, v0;
	v39 =	vpop (erf);
	(erf) = vpow2.f32 v37  }
0x150: {  	v44 =	vld [tilespmem:$0xE70];
	v8 =	vsub.f32 v33, v35;
	v1 =	vadd.f32 v39, v1  }
0x151: {  	v52 =	vld [tilespmem:$0xE90];
	v0 =	vadd.f32 v9, v0;
	v43 =	vpop (erf);
	(erf) = vpow2.f32 v41  }
0x152: {  	v49 =	vld [tilespmem:$0x1680];
	v47 =	vmul.f32 $1.442695020e+00, v8;
	v10 =	vsub.f32 v36, v38;
	v1 =	vadd.f32 v43, v1  }
0x153: {  	v48 =	vld [tilespmem:$0xE80];
	v11 =	vsub.f32 v40, v42;
	v0 =	vadd.f32 v12, v0;
	v46 =	vpop (erf)  }
0x154: {  	v53 =	vld [tilespmem:$0x1690];
	v51 =	vmul.f32 $1.442695020e+00, v10;
	(erf) = vpow2.f32 v47;
	v1 =	vadd.f32 v46, v1  }
0x155: {  	v57 =	vld [tilespmem:$0x16A0];
	v2 =	vsub.f32 v44, v45;
	v0 =	vadd.f32 v3, v0;
	v50 =	vpop (erf)  }
0x156: {  	v55 =	vmul.f32 $1.442695020e+00, v11;
	v56 =	vld [tilespmem:$0xEA0];
	(erf) = vpow2.f32 v51;
	v1 =	vadd.f32 v50, v1  }
0x157: {  	v62 =	vld [tilespmem:$0x16B0];
	v59 =	vmul.f32 $1.442695020e+00, v2;
	v0 =	vadd.f32 v4, v0;
	v54 =	vpop (erf)  }
0x158: {  	v21 =	vld [tilespmem:$0x16C0];
	v6 =	vsub.f32 v48, v49;
	v58 =	vpop (erf);
	(erf) = vpow2.f32 v55;
	v1 =	vadd.f32 v54, v1  }
0x159: {  	v60 =	vld [tilespmem:$0xEB0];
	v9 =	vsub.f32 v52, v53;
	v0 =	vadd.f32 v5, v0  }
0x15a: {  	v25 =	vld [tilespmem:$0x16D0];
	v13 =	vmul.f32 $1.442695020e+00, v6;
	v61 =	vpop (erf);
	(erf) = vpow2.f32 v59;
	v1 =	vadd.f32 v58, v1  }
0x15b: {  	v63 =	vld [tilespmem:$0xEC0];
	v20 =	vmul.f32 $1.442695020e+00, v9;
	v3 =	vsub.f32 v56, v57;
	v0 =	vadd.f32 v7, v0  }
0x15c: {  	v23 =	vld [tilespmem:$0xED0];
	(erf) = vpow2.f32 v13;
	v1 =	vadd.f32 v61, v1  }
0x15d: {  	v28 =	vld [tilespmem:$0x16E0];
	v24 =	vmul.f32 $1.442695020e+00, v3;
	v0 =	vadd.f32 v8, v0;
	v22 =	vpop (erf);
	(erf) = vpow2.f32 v20  }
0x15e: {  	v27 =	vld [tilespmem:$0xEE0];
	v4 =	vsub.f32 v60, v62;
	v1 =	vadd.f32 v22, v1  }
0x15f: {  	v35 =	vld [tilespmem:$0xF00];
	v0 =	vadd.f32 v10, v0;
	v26 =	vpop (erf);
	(erf) = vpow2.f32 v24  }
0x160: {  	v32 =	vld [tilespmem:$0x16F0];
	v30 =	vmul.f32 $1.442695020e+00, v4;
	v5 =	vsub.f32 v63, v21;
	v1 =	vadd.f32 v26, v1  }
0x161: {  	v31 =	vld [tilespmem:$0xEF0];
	v12 =	vsub.f32 v23, v25;
	v0 =	vadd.f32 v11, v0;
	v29 =	vpop (erf)  }
0x162: {  	v36 =	vld [tilespmem:$0x1700];
	v34 =	vmul.f32 $1.442695020e+00, v5;
	(erf) = vpow2.f32 v30;
	v1 =	vadd.f32 v29, v1  }
0x163: {  	v40 =	vld [tilespmem:$0x1710];
	v7 =	vsub.f32 v27, v28;
	v0 =	vadd.f32 v2, v0;
	v33 =	vpop (erf)  }
0x164: {  	v38 =	vmul.f32 $1.442695020e+00, v12;
	v39 =	vld [tilespmem:$0xF10];
	(erf) = vpow2.f32 v34;
	v1 =	vadd.f32 v33, v1  }
0x165: {  	v45 =	vld [tilespmem:$0x1720];
	v42 =	vmul.f32 $1.442695020e+00, v7;
	v0 =	vadd.f32 v6, v0;
	v37 =	vpop (erf)  }
0x166: {  	v48 =	vld [tilespmem:$0x1730];
	v8 =	vsub.f32 v31, v32;
	v41 =	vpop (erf);
	(erf) = vpow2.f32 v38;
	v1 =	vadd.f32 v37, v1  }
0x167: {  	v43 =	vld [tilespmem:$0xF20];
	v10 =	vsub.f32 v35, v36;
	v0 =	vadd.f32 v9, v0  }
0x168: {  	v52 =	vld [tilespmem:$0x1740];
	v13 =	vmul.f32 $1.442695020e+00, v8;
	v44 =	vpop (erf);
	(erf) = vpow2.f32 v42;
	v1 =	vadd.f32 v41, v1  }
0x169: {  	v46 =	vld [tilespmem:$0xF30];
	v47 =	vmul.f32 $1.442695020e+00, v10;
	v2 =	vsub.f32 v39, v40;
	v0 =	vadd.f32 v3, v0  }
0x16a: {  	v50 =	vld [tilespmem:$0xF40];
	(erf) = vpow2.f32 v13;
	v1 =	vadd.f32 v44, v1  }
0x16b: {  	v55 =	vld [tilespmem:$0x1750];
	v51 =	vmul.f32 $1.442695020e+00, v2;
	v0 =	vadd.f32 v4, v0;
	v49 =	vpop (erf);
	(erf) = vpow2.f32 v47  }
0x16c: {  	v54 =	vld [tilespmem:$0xF50];
	v6 =	vsub.f32 v43, v45;
	v1 =	vadd.f32 v49, v1  }
0x16d: {  	v62 =	vld [tilespmem:$0xF70];
	v0 =	vadd.f32 v5, v0;
	v53 =	vpop (erf);
	(erf) = vpow2.f32 v51  }
0x16e: {  	v59 =	vld [tilespmem:$0x1760];
	v57 =	vmul.f32 $1.442695020e+00, v6;
	v9 =	vsub.f32 v46, v48;
	v1 =	vadd.f32 v53, v1  }
0x16f: {  	v58 =	vld [tilespmem:$0xF60];
	v11 =	vsub.f32 v50, v52;
	v0 =	vadd.f32 v12, v0;
	v56 =	vpop (erf)  }
0x170: {  	v63 =	vld [tilespmem:$0x1770];
	v61 =	vmul.f32 $1.442695020e+00, v9;
	(erf) = vpow2.f32 v57;
	v1 =	vadd.f32 v56, v1  }
0x171: {  	v23 =	vld [tilespmem:$0x1780];
	v3 =	vsub.f32 v54, v55;
	v0 =	vadd.f32 v7, v0;
	v60 =	vpop (erf)  }
0x172: {  	v28 =	vld [tilespmem:$0x1790];
	v21 =	vmul.f32 $1.442695020e+00, v11;
	(erf) = vpow2.f32 v61;
	v1 =	vadd.f32 v60, v1  }
0x173: {  	v22 =	vld [tilespmem:$0xF80];
	v25 =	vmul.f32 $1.442695020e+00, v3;
	v0 =	vadd.f32 v8, v0;
	v20 =	vpop (erf)  }
0x174: {  	v4 =	vsub.f32 v58, v59;
	v26 =	vld [tilespmem:$0xF90];
	v24 =	vpop (erf);
	(erf) = vpow2.f32 v21;
	v1 =	vadd.f32 v20, v1  }
0x175: {  	v31 =	vld [tilespmem:$0x17A0];
	v5 =	vsub.f32 v62, v63;
	v0 =	vadd.f32 v10, v0  }
0x176: {  	v35 =	vld [tilespmem:$0x17B0];
	v13 =	vmul.f32 $1.442695020e+00, v4;
	v27 =	vpop (erf);
	(erf) = vpow2.f32 v25;
	v1 =	vadd.f32 v24, v1  }
0x177: {  	v29 =	vld [tilespmem:$0xFA0];
	v30 =	vmul.f32 $1.442695020e+00, v5;
	v0 =	vadd.f32 v2, v0  }
0x178: {  	v33 =	vld [tilespmem:$0xFB0];
	v7 =	vsub.f32 v22, v23;
	(erf) = vpow2.f32 v13;
	v1 =	vadd.f32 v27, v1  }
0x179: {  	v38 =	vld [tilespmem:$0x17C0];
	v8 =	vsub.f32 v26, v28;
	v0 =	vadd.f32 v6, v0;
	v32 =	vpop (erf)  }
0x17a: {  	v42 =	vld [tilespmem:$0x17D0];
	v34 =	vmul.f32 $1.442695020e+00, v7;
	(erf) = vpow2.f32 v30;
	v1 =	vadd.f32 v32, v1  }
0x17b: {  	v37 =	vld [tilespmem:$0xFC0];
	v40 =	vmul.f32 $1.442695020e+00, v8;
	v0 =	vadd.f32 v9, v0;
	v36 =	vpop (erf)  }
0x17c: {  	v41 =	vld [tilespmem:$0xFD0];
	v10 =	vsub.f32 v29, v31;
	(erf) = vpow2.f32 v34;
	v1 =	vadd.f32 v36, v1  }
0x17d: {  	v45 =	vld [tilespmem:$0xFE0];
	v12 =	vsub.f32 v33, v35;
	v0 =	vadd.f32 v11, v0;
	v39 =	vpop (erf)  }
0x17e: {  	v46 =	vld [tilespmem:$0x17E0];
	v44 =	vmul.f32 $1.442695020e+00, v10;
	(erf) = vpow2.f32 v40;
	v1 =	vadd.f32 v39, v1  }
0x17f: {  	v48 =	vmul.f32 $1.442695020e+00, v12;
	v0 =	vadd.f32 v3, v0;
	v43 =	vpop (erf)  }
0x180: {  	v50 =	vld [tilespmem:$0x17F0];
	v2 =	vsub.f32 v37, v38;
	(erf) = vpow2.f32 v44;
	v1 =	vadd.f32 v43, v1  }
0x181: {  	v49 =	vld [tilespmem:$0xFF0];
	v6 =	vsub.f32 v41, v42;
	v0 =	vadd.f32 v4, v0;
	v47 =	vpop (erf)  }
0x182: {  	v52 =	vmul.f32 $1.442695020e+00, v2;
	(erf) = vpow2.f32 v48;
	v1 =	vadd.f32 v47, v1  }
0x183: {  	v9 =	vsub.f32 v45, v46;
	v0 =	vadd.f32 v5, v0;
	v51 =	vpop (erf)  }
0x184: {  	v54 =	vmul.f32 $1.442695020e+00, v6;
	(erf) = vpow2.f32 v52;
	v1 =	vadd.f32 v51, v1  }
0x185: {  	v55 =	vmul.f32 $1.442695020e+00, v9;
	v53 =	vpop (erf);
	v0 =	vadd.f32 v7, v0  }
0x186: {  	v3 =	vsub.f32 v49, v50;
	(erf) = vpow2.f32 v54;
	v1 =	vadd.f32 v53, v1  }
0x187: {  	v56 =	vpop (erf);
	v0 =	vadd.f32 v8, v0  }
0x188: {  	v57 =	vmul.f32 $1.442695020e+00, v3;
	(erf) = vpow2.f32 v55;
	v1 =	vadd.f32 v56, v1  }
0x189: {  	v0 =	vadd.f32 v10, v0;
	v58 =	vpop (erf)  }
0x18a: {  	(erf) = vpow2.f32 v57;
	v1 =	vadd.f32 v58, v1  }
0x18b: {  	v0 =	vadd.f32 v12, v0;
	v59 =	vpop (erf)  }
0x18c: {  	v1 =	vadd.f32 v59, v1  }
0x18d: {  	v60 =	vpop (erf);
	v0 =	vadd.f32 v2, v0  }
0x18e: {  	v1 =	vadd.f32 v60, v1  }
0x18f: {  	v61 =	vpop (erf);
	v0 =	vadd.f32 v6, v0  }
0x190: {  	v1 =	vadd.f32 v61, v1  }
0x191: {  	v62 =	vpop (erf);
	v0 =	vadd.f32 v9, v0  }
0x192: {  	v1 =	vadd.f32 v62, v1  }
0x193: {  	v0 =	vadd.f32 v3, v0;
	v63 =	vpop (erf)  }
0x194: {  	v1 =	vadd.f32 v63, v1  }
0x195: {  	v0 =	vmul.f32 $7.812500000e-03, v0  }
0x196: {  	v1 =	vmul.f32 $7.812500000e-03, v1  }
0x197: {  	p0 =	sne.s32 s4, $0x1;
	[tilespmem:$0x1810] =	vst v0  }
.Ltmp1:
0x198: {  	s9 =	rddreg [dreg:$0x3];
	[tilespmem:$0x1800] =	vst v1;
	(pc) =	sbr.rel @p0 .LBB2_2-.Ltmp1, $4  }
0x199: {  	[hbm4b:s9+s2] =	stream.linear.scatter [tilespmem:s0], [sflag:$0x2], $0x80, $0x38;
	[tilespmem:$0x1880] =	vst v63  }
0x19a: {  	_ =	swait.ge [sflag:s5], $0x80  }
0x19b: {  	[sflag:s5] =	ssyncset.done $0x0  }
0x19c: {  	s4 =	sadd.s32 $0xFFFFFFFF, s4;
	[sflag:s5] =	ssyncadd.s32 $0xFFFFFF80  }
.LBB2_3:
0x19d: {  	_ =	sfence.sel $0x180000  }
0x19e: {  	[bflag:$0x0] =	sbarrier.arrive $0xFFFF  }
0x19f: {  	_ =	strace $0x90000047  }
0x1a0: {  	s0 =	stileid.u32;
	[bflag:$0x2] =	sbarrier.arrive $0xFFFF  }
0x1a1: {  	p0 =	sne.s32 s0, $0x0;
	s0 =	rddreg [dreg:$0x1]  }
0x1a2: {  	s0 =	sadd.s32 @!p0 $0x100000, s0  }
0x1a3: {  	[sflag:s0] =	ssyncadd.tile.s32 @!p0 $0x1;
	_ =	shalt  }
.Lfunc_end2:
_tile_overlayer_lowered:
.L_overlay_start_2:
0x1a4: {  	(tag) =	ssettag $0x2  }
0x1a5: {  	s0 =	rddreg [dreg:$0x0];
	s2 =	stileid.u32  }
0x1a6: {  	s1 =	rddreg [dreg:$0x1];
	p0 =	sne.s32 s2, $0x0  }
0x1a7: {  	s3 =	rddreg [dreg:$0x2];
	[bflag:$0x3] =	sbarrier.arrive $0xFFFF;
	s2 =	simm.s32 @!p0 $0x1C02  }
0x1a8: {  	[timem:s3], [sflag:s2] =	dma.local @!p0 [hbm:s0], s1  }
0x1a9: {  	s0 =	simm.s32 @!p0 $0x2  }
0x1aa: {  	_ =	swait.ge @!p0 [sflag:s0], s1  }
0x1ab: {  	s1 =	ssub.s32 @!p0 $0x0, s1;
	[sflag:s0] =	ssyncset.done @!p0 $0x0  }
0x1ac: {  	[sflag:s0] =	ssyncadd.s32 @!p0 s1  }
0x1ad: {  	[bflag:$0x3] =	sbarrier.arrive $0xFFFF  }
0x1ae: {  	_ =	shalt  }

</sc_bundles>
